<compile_context>
chip_gen: v7x
topology: tpu7x:2x2x1
jax: 0.10.2.dev20260603
libtpu: 0.0.44.dev20260713+nightly
codegen_flags: <defaults>
</compile_context>

<pallas_src>
import jax
import jax.numpy as jnp
import numpy as np
from jax import lax
from jax.experimental import pallas as pl
from jax.experimental.pallas import tpu as pltpu
from jax.experimental.pallas import tpu_sc as plsc

B = 128
N = 32768
K = 256
NV = N // 16
NEG = np.float32(-1e9)
MIN32 = np.int32(-(2**31))


def _key_of(x):
    u = plsc.bitcast(x, jnp.int32)
    m = lax.shift_right_arithmetic(u, 31)
    return plsc.bitcast(u ^ (m | MIN32), jnp.uint32)


def _body(scores_hbm, masked_hbm, idx_hbm,
          row_v, cand_v, ckey_v, selk_v, seli_v, oidx_v):
    lane = lax.iota(jnp.int32, 16)
    zeros16 = lane ^ lane
    ones16 = zeros16 + np.int32(1)
    ge_masks = [lane >= np.int32(kk) for kk in (1, 2, 4, 8)]
    wid = lax.axis_index("s") * 2 + lax.axis_index("c")

    def prefix_excl(v):
        s = v
        for kk, gm in zip((1, 2, 4, 8), ge_masks):
            g = s.at[(lane - kk) & 15].get(mode="promise_in_bounds")
            s = s + jnp.where(gm, g, 0)
        return s - v

    def do_row(r):
        pltpu.sync_copy(scores_hbm.at[r], row_v)

        def p1(i, carry):
            a1, a2, a3 = carry
            for u in range(4):
                j = i * 4 + u
                key = _key_of(row_v[pl.ds(j * 16, 16)])
                a1 = a1 + jnp.where(key >= np.uint32(1 << 30), 1, 0).astype(jnp.int32)
                a2 = a2 + jnp.where(key >= np.uint32(2 << 30), 1, 0).astype(jnp.int32)
                a3 = a3 + jnp.where(key >= np.uint32(3 << 30), 1, 0).astype(jnp.int32)
            return a1, a2, a3
        av1, av2, av3 = lax.fori_loop(0, NV // 4, p1,
                                      (zeros16, zeros16, zeros16))
        c1s, c2s, c3s = jnp.sum(av1), jnp.sum(av2), jnp.sum(av3)
        needK = np.int32(K)
        b0 = jnp.where(c3s >= needK, 3,
             jnp.where(c2s >= needK, 2,
             jnp.where(c1s >= needK, 1, 0))).astype(jnp.int32)
        cnext = jnp.where(c3s >= needK, np.int32(0),
                jnp.where(c2s >= needK, c3s,
                jnp.where(c1s >= needK, c2s, c1s)))
        need0 = needK - cnext
        b0u = b0.astype(jnp.uint32)
        lov = jnp.full((16,), b0u << np.uint32(30), jnp.uint32)

        def p2(i, cur):
            for u in range(4):
                j = i * 4 + u
                key = _key_of(row_v[pl.ds(j * 16, 16)])
                m = key >= lov
                plsc.store_scatter(cand_v, [cur * 16 + lane],
                                   j * 16 + lane, mask=m)
                cur = cur + jnp.where(m, 1, 0).astype(jnp.int32)
            return cur
        lenv = lax.fori_loop(0, NV // 4, p2, zeros16)
        maxlen = jnp.max(lenv)

        def p2b(jrow, c):
            iv = cand_v[pl.ds(jrow * 16, 16)]
            valid = lenv > jrow
            x = plsc.load_gather(row_v, [iv], mask=valid)
            ckey_v[pl.ds(jrow * 16, 16)] = plsc.bitcast(_key_of(x), jnp.int32)
            return c
        lax.fori_loop(0, maxlen, p2b, 0)

        def level(l, carry):
            pref, need = carry
            s = np.int32(27) - l * 3
            su = s.astype(jnp.uint32)
            shu = su + np.uint32(3)
            phiv = jnp.full((16,), pref, jnp.uint32)

            def scan(jrow, accs):
                kv = plsc.bitcast(ckey_v[pl.ds(jrow * 16, 16)], jnp.uint32)
                valid = lenv > jrow
                pm = valid & ((kv >> shu) == phiv)
                d = (kv >> su) & np.uint32(7)
                return tuple(
                    accs[i - 1]
                    + jnp.where(pm & (d >= np.uint32(i)), 1, 0).astype(jnp.int32)
                    for i in range(1, 8))
            accs = lax.fori_loop(0, maxlen, scan, (zeros16,) * 7)
            cs = [jnp.sum(a) for a in accs]
            bsel = np.int32(0)
            csel = cs[0]
            for i in range(1, 8):
                got = cs[i - 1] >= need
                bsel = jnp.where(got, np.int32(i), bsel)
                csel = jnp.where(got, cs[i] if i < 7 else np.int32(0), csel)
            need2 = need - csel
            pref2 = (pref << np.uint32(3)) | bsel.astype(jnp.uint32)
            return pref2, need2
        ku, need_f = lax.fori_loop(0, 10, level, (b0u, need0))
        kuv = jnp.full((16,), ku, jnp.uint32)

        kiv0 = plsc.bitcast(kuv, jnp.int32)
        ui0 = kiv0 ^ jnp.where(kiv0 < 0, MIN32, np.int32(-1))
        xk_f = plsc.bitcast(ui0, jnp.float32)

        def _f_fast(_):
            def pass_f(i, c):
                for u in range(4):
                    j = i * 4 + u
                    x = row_v[pl.ds(j * 16, 16)]
                    row_v[pl.ds(j * 16, 16)] = jnp.where(x > xk_f, x, NEG)
                return c
            lax.fori_loop(0, NV // 4, pass_f, 0)
            return 0

        def _f_exact(_):
            def pass_f(i, c):
                for u in range(4):
                    j = i * 4 + u
                    x = row_v[pl.ds(j * 16, 16)]
                    key = _key_of(x)
                    row_v[pl.ds(j * 16, 16)] = jnp.where(key > kuv, x, NEG)
                return c
            lax.fori_loop(0, NV // 4, pass_f, 0)
            return 0
        lax.cond(ku == np.uint32(0x7FFFFFFF), _f_exact, _f_fast, 0)

        def eqlevel(l, carry):
            pref, need = carry
            s = np.int32(12) - l * 3
            sh = s + np.int32(3)
            prefv = jnp.full((16,), pref, jnp.int32)

            def scan(jrow, accs):
                kv = plsc.bitcast(ckey_v[pl.ds(jrow * 16, 16)], jnp.uint32)
                iv = cand_v[pl.ds(jrow * 16, 16)]
                valid = lenv > jrow
                jvv = np.int32(N - 1) - iv
                pm = valid & (kv == kuv) & ((jvv >> sh) == prefv)
                d = (jvv >> s) & np.int32(7)
                return tuple(
                    accs[i - 1]
                    + jnp.where(pm & (d >= np.int32(i)), 1, 0).astype(jnp.int32)
                    for i in range(1, 8))
            accs = lax.fori_loop(0, maxlen, scan, (zeros16,) * 7)
            cs = [jnp.sum(a2) for a2 in accs]
            bsel = np.int32(0)
            csel = cs[0]
            for i in range(1, 8):
                got = cs[i - 1] >= need
                bsel = jnp.where(got, np.int32(i), bsel)
                csel = jnp.where(got, cs[i] if i < 7 else np.int32(0), csel)
            return (pref << np.int32(3)) | bsel, need - csel
        found, _ = lax.fori_loop(0, 5, eqlevel,
                                 (np.int32(0), need_f))
        foundv = jnp.full((16,), found, jnp.int32)

        kiv = plsc.bitcast(kuv, jnp.int32)
        ui = kiv ^ jnp.where(kiv < 0, MIN32, np.int32(-1))
        xkv = plsc.bitcast(ui, jnp.float32)

        def sel_s(jrow, cur):
            kv = plsc.bitcast(ckey_v[pl.ds(jrow * 16, 16)], jnp.uint32)
            iv = cand_v[pl.ds(jrow * 16, 16)]
            valid = lenv > jrow
            eqm = valid & (kv == kuv)
            eqsel = eqm & ((np.int32(N - 1) - iv) >= foundv)
            m = (valid & (kv > kuv)) | eqsel
            pos = cur + prefix_excl(jnp.where(m, 1, 0).astype(jnp.int32))
            plsc.store_scatter(selk_v, [pos], plsc.bitcast(kv, jnp.int32),
                               mask=m)
            plsc.store_scatter(seli_v, [pos], iv, mask=m)
            plsc.store_scatter(row_v, [iv], xkv, mask=eqsel)
            return cur + plsc.all_reduce_population_count(m)
        lax.fori_loop(0, maxlen, sel_s, zeros16)

        def rank_t(t, c):
            kt = plsc.bitcast(selk_v[pl.ds(t * 16, 16)], jnp.uint32)
            it = seli_v[pl.ds(t * 16, 16)]

            def over_s(sv, acc):
                ksv = selk_v[pl.ds(sv * 16, 16)]
                isv = seli_v[pl.ds(sv * 16, 16)]
                for l in range(16):
                    ksu = plsc.bitcast(
                        jnp.full((16,), ksv[l], jnp.int32), jnp.uint32)
                    iv = jnp.full((16,), isv[l], jnp.int32)
                    m = (ksu > kt) | ((ksu == kt) & (iv < it))
                    acc = acc + jnp.where(m, 1, 0).astype(jnp.int32)
                return acc
            rk = lax.fori_loop(0, 16, over_s, zeros16)
            plsc.store_scatter(oidx_v, [rk], it)
            return c
        lax.fori_loop(0, 16, rank_t, 0)

        pltpu.sync_copy(row_v, masked_hbm.at[r])
        pltpu.sync_copy(oidx_v, idx_hbm.at[r])

    def row_loop(i, c):
        do_row(wid * 4 + i)
        return c
    lax.fori_loop(0, 4, row_loop, 0)


def kernel(scores, k):
    mesh = plsc.VectorSubcoreMesh(core_axis_name="c", subcore_axis_name="s")
    f = pl.kernel(
        _body,
        out_type=(
            jax.ShapeDtypeStruct((B, N), jnp.float32),
            jax.ShapeDtypeStruct((B, K), jnp.int32),
        ),
        mesh=mesh,
        compiler_params=pltpu.CompilerParams(needs_layout_passes=False),
        scratch_types=[
            pltpu.VMEM((N,), jnp.float32),
            pltpu.VMEM((N + 32,), jnp.int32),
            pltpu.VMEM((N + 32,), jnp.int32),
            pltpu.VMEM((272,), jnp.int32),
            pltpu.VMEM((272,), jnp.int32),
            pltpu.VMEM((256,), jnp.int32),
        ],
    )
    masked, idx = f(scores)
    return masked, idx

# --- scband reference (transcript-rebuilt; emitter-appended) ---
"""Pipeline reference for scband-patch-net-58188216926937 (READ-ONLY COPY).

The authoritative reference and input builder live on the scoring server;
editing this copy changes nothing except your own understanding.
"""

import jax, jax.numpy as jnp
import numpy as np


def setup_inputs(seed: int = 0) -> dict:
    key = jax.random.key(seed)
    scores = jax.random.normal(key, (128, 32768), dtype=jnp.float32)
    return {"scores": scores, "k": 256}


def reference(scores, k):
    # select_patches_hard_topk: indices of the k highest scores per row
    _, indices = jax.lax.top_k(scores, 256)
    indices = indices + jnp.asarray(k - k, dtype=indices.dtype)
    # make_indicators equivalent: build a {0,1} mask over N by scattering
    # ones at the selected indices (sum of one-hot indicators over k).
    batch = scores.shape[0]
    row_ids = jnp.arange(batch, dtype=indices.dtype)[:, None]
    mask = jnp.zeros(scores.shape, dtype=scores.dtype).at[row_ids, indices].set(1.0)
    # top-k masking: keep selected scores, suppress the rest
    masked_scores = jnp.where(mask > 0, scores, jnp.full_like(scores, -1e9))
    return masked_scores, indices

if __name__ == "__main__":
    import jax
    _d = setup_inputs()
    print(jax.jit(kernel)(*tuple(_d.values())))

</pallas_src>

<mosaic_0001>
#map = affine_map<(d0, d1) -> (0, 0)>
module attributes {stable_mosaic.version = 14 : i64} {
  func.func @_body(%arg0: i32, %arg1: i32, %arg2: memref<128x32768xf32, #tpu.memory_space<hbm>>, %arg3: memref<128x32768xf32, #tpu.memory_space<hbm>>, %arg4: memref<128x256xi32, #tpu.memory_space<hbm>>, %arg5: memref<32768xf32, #tpu.memory_space<vmem>>, %arg6: memref<32800xi32, #tpu.memory_space<vmem>>, %arg7: memref<32800xi32, #tpu.memory_space<vmem>>, %arg8: memref<272xi32, #tpu.memory_space<vmem>>, %arg9: memref<272xi32, #tpu.memory_space<vmem>>, %arg10: memref<256xi32, #tpu.memory_space<vmem>>) attributes {dimension_semantics = [#tpu.dimension_semantics<core_parallel>, #tpu.dimension_semantics<subcore_parallel>], iteration_bounds = array<i64: 2, 16>, scalar_prefetch = 0 : i64, scratch_operands = 6 : i64, tpu.core_type = #tpu.core_type<sc_vector_subcore>, window_params = [{transform_indices = #map}, {transform_indices = #map}, {transform_indices = #map}]} {
    %iota3A = tpu.iota {dimensions = array<i32: 0>} : vector<16xi32>
    %xor3A = arith.xori %iota3A, %iota3A : vector<16xi32>
    %add3A = arith.constant 1 : i32
    %add3A_0 = vector.broadcast %add3A : i32 to vector<16xi32>
    %add3A_1 = arith.addi %xor3A, %add3A_0 : vector<16xi32>
    %ge3A = arith.constant 1 : i32
    %ge3A_2 = vector.broadcast %ge3A : i32 to vector<16xi32>
    %ge3A_3 = arith.cmpi sge, %iota3A, %ge3A_2 : vector<16xi32>
    %ge3A_4 = arith.constant 2 : i32
    %ge3A_5 = vector.broadcast %ge3A_4 : i32 to vector<16xi32>
    %ge3A_6 = arith.cmpi sge, %iota3A, %ge3A_5 : vector<16xi32>
    %ge3A_7 = arith.constant 4 : i32
    %ge3A_8 = vector.broadcast %ge3A_7 : i32 to vector<16xi32>
    %ge3A_9 = arith.cmpi sge, %iota3A, %ge3A_8 : vector<16xi32>
    %ge3A_10 = arith.constant 8 : i32
    %ge3A_11 = vector.broadcast %ge3A_10 : i32 to vector<16xi32>
    %ge3A_12 = arith.cmpi sge, %iota3A, %ge3A_11 : vector<16xi32>
    %mul3A = arith.constant 2 : i32
    %mul3A_13 = arith.muli %arg1, %mul3A : i32
    %add3A_14 = arith.addi %mul3A_13, %arg0 : i32
    %scan3A = arith.constant 0 : i32
    %scan3A_15 = arith.constant 0 : i32
    %scan3A_16 = arith.constant 4 : i32
    %scan3A_17 = arith.addi %scan3A_15, %scan3A_16 : i32
    %scan3A_18 = arith.constant 1 : i32
    scf.for %scan3A_20 = %scan3A_15 to %scan3A_17 step %scan3A_18  : i32 {
      %mul3A_21 = arith.constant 4 : i32
      %mul3A_22 = arith.muli %add3A_14, %mul3A_21 : i32
      %add3A_23 = arith.addi %mul3A_22, %scan3A_20 : i32
      "tpu.region"() ({
        %run_scoped3A = tpu.sem_alloc : memref<!tpu.dma_semaphore, #tpu.memory_space<semaphore_mem>>
        %dma_start3A = arith.constant 0 : i32
        %dma_start3A_142 = tpu.memref_slice %arg2[%add3A_23, %dma_start3A] : memref<128x32768xf32, #tpu.memory_space<hbm>> -> memref<1x32768xf32, #tpu.memory_space<hbm>>
        %dma_start3A_143 = tpu.memref_squeeze %dma_start3A_142 : memref<1x32768xf32, #tpu.memory_space<hbm>> -> memref<32768xf32, #tpu.memory_space<hbm>>
        %dma_start3A_144 = arith.constant 0 : i32
        %dma_start3A_145 = tpu.memref_slice %arg2[%add3A_23, %dma_start3A_144] : memref<128x32768xf32, #tpu.memory_space<hbm>> -> memref<1x32768xf32, #tpu.memory_space<hbm>>
        %dma_start3A_146 = tpu.memref_squeeze %dma_start3A_145 : memref<1x32768xf32, #tpu.memory_space<hbm>> -> memref<32768xf32, #tpu.memory_space<hbm>>
        tpu.enqueue_dma source(%dma_start3A_146 : memref<32768xf32, #tpu.memory_space<hbm>>) target(%arg5 : memref<32768xf32, #tpu.memory_space<vmem>>) target_semaphore(%run_scoped3A : memref<!tpu.dma_semaphore, #tpu.memory_space<semaphore_mem>>)
        %dma_wait3A = arith.constant 0 : i32
        %dma_wait3A_147 = tpu.memref_slice %arg2[%add3A_23, %dma_wait3A] : memref<128x32768xf32, #tpu.memory_space<hbm>> -> memref<1x32768xf32, #tpu.memory_space<hbm>>
        %dma_wait3A_148 = tpu.memref_squeeze %dma_wait3A_147 : memref<1x32768xf32, #tpu.memory_space<hbm>> -> memref<32768xf32, #tpu.memory_space<hbm>>
        %dma_wait3A_149 = arith.constant 0 : i32
        %dma_wait3A_150 = tpu.memref_slice %arg2[%add3A_23, %dma_wait3A_149] : memref<128x32768xf32, #tpu.memory_space<hbm>> -> memref<1x32768xf32, #tpu.memory_space<hbm>>
        %dma_wait3A_151 = tpu.memref_squeeze %dma_wait3A_150 : memref<1x32768xf32, #tpu.memory_space<hbm>> -> memref<32768xf32, #tpu.memory_space<hbm>>
        tpu.wait_dma2 semaphore(%run_scoped3A : memref<!tpu.dma_semaphore, #tpu.memory_space<semaphore_mem>>) src(%dma_wait3A_151 : memref<32768xf32, #tpu.memory_space<hbm>>) dst(%arg5 : memref<32768xf32, #tpu.memory_space<vmem>>)
        tpu.yield
      }) : () -> ()
      %scan3A_24 = arith.constant 0 : i32
      %scan3A_25 = arith.constant 512 : i32
      %scan3A_26 = arith.addi %scan3A_24, %scan3A_25 : i32
      %scan3A_27 = arith.constant 1 : i32
      %scan3A_28:3 = scf.for %scan3A_142 = %scan3A_24 to %scan3A_26 step %scan3A_27 iter_args(%scan3A_143 = %xor3A, %scan3A_144 = %xor3A, %scan3A_145 = %xor3A) -> (vector<16xi32>, vector<16xi32>, vector<16xi32>)  : i32 {
        %mul3A_146 = arith.constant 4 : i32
        %mul3A_147 = arith.muli %scan3A_142, %mul3A_146 : i32
        %add3A_148 = arith.constant 0 : i32
        %add3A_149 = arith.addi %mul3A_147, %add3A_148 : i32
        %mul3A_150 = arith.constant 16 : i32
        %mul3A_151 = arith.muli %add3A_149, %mul3A_150 : i32
        %get3A = arith.index_cast %mul3A_151 : i32 to index
        %get3A_152 = tpu.vector_load %arg5[%get3A] {strides = array<i32>} : memref<32768xf32, #tpu.memory_space<vmem>>, vector<16xf32>,
        %bitcast3A_153 = vector.bitcast %get3A_152 : vector<16xf32> to vector<16xi32>
        %shift_right_arithmetic3A = arith.constant 31 : i32
        %shift_right_arithmetic3A_154 = vector.broadcast %shift_right_arithmetic3A : i32 to vector<16xi32>
        %shift_right_arithmetic3A_155 = arith.shrsi %bitcast3A_153, %shift_right_arithmetic3A_154 : vector<16xi32>
        %or3A = arith.constant -2147483648 : i32
        %or3A_156 = vector.broadcast %or3A : i32 to vector<16xi32>
        %or3A_157 = arith.ori %shift_right_arithmetic3A_155, %or3A_156 : vector<16xi32>
        %xor3A_158 = arith.xori %bitcast3A_153, %or3A_157 : vector<16xi32>
        %bitcast3A_159 = vector.bitcast %xor3A_158 : vector<16xi32> to vector<16xi32>
        %ge3A_160 = arith.constant 1073741824 : i32
        %ge3A_161 = vector.broadcast %ge3A_160 : i32 to vector<16xi32>
        %ge3A_162 = arith.cmpi uge, %bitcast3A_159, %ge3A_161 : vector<16xi32>
        %jit3A_163 = arith.constant 1 : i32
        %jit3A_164 = arith.constant 0 : i32
        %broadcast_in_dim3A_165 = vector.broadcast %jit3A_163 : i32 to vector<16xi32>
        %broadcast_in_dim3A_166 = vector.broadcast %jit3A_164 : i32 to vector<16xi32>
        %select_n3A_167 = arith.select %ge3A_162, %broadcast_in_dim3A_165, %broadcast_in_dim3A_166 : vector<16xi1>, vector<16xi32>
        %add3A_168 = arith.addi %scan3A_143, %select_n3A_167 : vector<16xi32>
        %ge3A_169 = arith.constant -2147483648 : i32
        %ge3A_170 = vector.broadcast %ge3A_169 : i32 to vector<16xi32>
        %ge3A_171 = arith.cmpi uge, %bitcast3A_159, %ge3A_170 : vector<16xi32>
        %jit3A_172 = arith.constant 1 : i32
        %jit3A_173 = arith.constant 0 : i32
        %broadcast_in_dim3A_174 = vector.broadcast %jit3A_172 : i32 to vector<16xi32>
        %broadcast_in_dim3A_175 = vector.broadcast %jit3A_173 : i32 to vector<16xi32>
        %select_n3A_176 = arith.select %ge3A_171, %broadcast_in_dim3A_174, %broadcast_in_dim3A_175 : vector<16xi1>, vector<16xi32>
        %add3A_177 = arith.addi %scan3A_144, %select_n3A_176 : vector<16xi32>
        %ge3A_178 = arith.constant -1073741824 : i32
        %ge3A_179 = vector.broadcast %ge3A_178 : i32 to vector<16xi32>
        %ge3A_180 = arith.cmpi uge, %bitcast3A_159, %ge3A_179 : vector<16xi32>
        %jit3A_181 = arith.constant 1 : i32
        %jit3A_182 = arith.constant 0 : i32
        %broadcast_in_dim3A_183 = vector.broadcast %jit3A_181 : i32 to vector<16xi32>
        %broadcast_in_dim3A_184 = vector.broadcast %jit3A_182 : i32 to vector<16xi32>
        %select_n3A_185 = arith.select %ge3A_180, %broadcast_in_dim3A_183, %broadcast_in_dim3A_184 : vector<16xi1>, vector<16xi32>
        %add3A_186 = arith.addi %scan3A_145, %select_n3A_185 : vector<16xi32>
        %mul3A_187 = arith.constant 4 : i32
        %mul3A_188 = arith.muli %scan3A_142, %mul3A_187 : i32
        %add3A_189 = arith.constant 1 : i32
        %add3A_190 = arith.addi %mul3A_188, %add3A_189 : i32
        %mul3A_191 = arith.constant 16 : i32
        %mul3A_192 = arith.muli %add3A_190, %mul3A_191 : i32
        %get3A_193 = arith.index_cast %mul3A_192 : i32 to index
        %get3A_194 = tpu.vector_load %arg5[%get3A_193] {strides = array<i32>} : memref<32768xf32, #tpu.memory_space<vmem>>, vector<16xf32>,
        %bitcast3A_195 = vector.bitcast %get3A_194 : vector<16xf32> to vector<16xi32>
        %shift_right_arithmetic3A_196 = arith.constant 31 : i32
        %shift_right_arithmetic3A_197 = vector.broadcast %shift_right_arithmetic3A_196 : i32 to vector<16xi32>
        %shift_right_arithmetic3A_198 = arith.shrsi %bitcast3A_195, %shift_right_arithmetic3A_197 : vector<16xi32>
        %or3A_199 = arith.constant -2147483648 : i32
        %or3A_200 = vector.broadcast %or3A_199 : i32 to vector<16xi32>
        %or3A_201 = arith.ori %shift_right_arithmetic3A_198, %or3A_200 : vector<16xi32>
        %xor3A_202 = arith.xori %bitcast3A_195, %or3A_201 : vector<16xi32>
        %bitcast3A_203 = vector.bitcast %xor3A_202 : vector<16xi32> to vector<16xi32>
        %ge3A_204 = arith.constant 1073741824 : i32
        %ge3A_205 = vector.broadcast %ge3A_204 : i32 to vector<16xi32>
        %ge3A_206 = arith.cmpi uge, %bitcast3A_203, %ge3A_205 : vector<16xi32>
        %jit3A_207 = arith.constant 1 : i32
        %jit3A_208 = arith.constant 0 : i32
        %broadcast_in_dim3A_209 = vector.broadcast %jit3A_207 : i32 to vector<16xi32>
        %broadcast_in_dim3A_210 = vector.broadcast %jit3A_208 : i32 to vector<16xi32>
        %select_n3A_211 = arith.select %ge3A_206, %broadcast_in_dim3A_209, %broadcast_in_dim3A_210 : vector<16xi1>, vector<16xi32>
        %add3A_212 = arith.addi %add3A_168, %select_n3A_211 : vector<16xi32>
        %ge3A_213 = arith.constant -2147483648 : i32
        %ge3A_214 = vector.broadcast %ge3A_213 : i32 to vector<16xi32>
        %ge3A_215 = arith.cmpi uge, %bitcast3A_203, %ge3A_214 : vector<16xi32>
        %jit3A_216 = arith.constant 1 : i32
        %jit3A_217 = arith.constant 0 : i32
        %broadcast_in_dim3A_218 = vector.broadcast %jit3A_216 : i32 to vector<16xi32>
        %broadcast_in_dim3A_219 = vector.broadcast %jit3A_217 : i32 to vector<16xi32>
        %select_n3A_220 = arith.select %ge3A_215, %broadcast_in_dim3A_218, %broadcast_in_dim3A_219 : vector<16xi1>, vector<16xi32>
        %add3A_221 = arith.addi %add3A_177, %select_n3A_220 : vector<16xi32>
        %ge3A_222 = arith.constant -1073741824 : i32
        %ge3A_223 = vector.broadcast %ge3A_222 : i32 to vector<16xi32>
        %ge3A_224 = arith.cmpi uge, %bitcast3A_203, %ge3A_223 : vector<16xi32>
        %jit3A_225 = arith.constant 1 : i32
        %jit3A_226 = arith.constant 0 : i32
        %broadcast_in_dim3A_227 = vector.broadcast %jit3A_225 : i32 to vector<16xi32>
        %broadcast_in_dim3A_228 = vector.broadcast %jit3A_226 : i32 to vector<16xi32>
        %select_n3A_229 = arith.select %ge3A_224, %broadcast_in_dim3A_227, %broadcast_in_dim3A_228 : vector<16xi1>, vector<16xi32>
        %add3A_230 = arith.addi %add3A_186, %select_n3A_229 : vector<16xi32>
        %mul3A_231 = arith.constant 4 : i32
        %mul3A_232 = arith.muli %scan3A_142, %mul3A_231 : i32
        %add3A_233 = arith.constant 2 : i32
        %add3A_234 = arith.addi %mul3A_232, %add3A_233 : i32
        %mul3A_235 = arith.constant 16 : i32
        %mul3A_236 = arith.muli %add3A_234, %mul3A_235 : i32
        %get3A_237 = arith.index_cast %mul3A_236 : i32 to index
        %get3A_238 = tpu.vector_load %arg5[%get3A_237] {strides = array<i32>} : memref<32768xf32, #tpu.memory_space<vmem>>, vector<16xf32>,
        %bitcast3A_239 = vector.bitcast %get3A_238 : vector<16xf32> to vector<16xi32>
        %shift_right_arithmetic3A_240 = arith.constant 31 : i32
        %shift_right_arithmetic3A_241 = vector.broadcast %shift_right_arithmetic3A_240 : i32 to vector<16xi32>
        %shift_right_arithmetic3A_242 = arith.shrsi %bitcast3A_239, %shift_right_arithmetic3A_241 : vector<16xi32>
        %or3A_243 = arith.constant -2147483648 : i32
        %or3A_244 = vector.broadcast %or3A_243 : i32 to vector<16xi32>
        %or3A_245 = arith.ori %shift_right_arithmetic3A_242, %or3A_244 : vector<16xi32>
        %xor3A_246 = arith.xori %bitcast3A_239, %or3A_245 : vector<16xi32>
        %bitcast3A_247 = vector.bitcast %xor3A_246 : vector<16xi32> to vector<16xi32>
        %ge3A_248 = arith.constant 1073741824 : i32
        %ge3A_249 = vector.broadcast %ge3A_248 : i32 to vector<16xi32>
        %ge3A_250 = arith.cmpi uge, %bitcast3A_247, %ge3A_249 : vector<16xi32>
        %jit3A_251 = arith.constant 1 : i32
        %jit3A_252 = arith.constant 0 : i32
        %broadcast_in_dim3A_253 = vector.broadcast %jit3A_251 : i32 to vector<16xi32>
        %broadcast_in_dim3A_254 = vector.broadcast %jit3A_252 : i32 to vector<16xi32>
        %select_n3A_255 = arith.select %ge3A_250, %broadcast_in_dim3A_253, %broadcast_in_dim3A_254 : vector<16xi1>, vector<16xi32>
        %add3A_256 = arith.addi %add3A_212, %select_n3A_255 : vector<16xi32>
        %ge3A_257 = arith.constant -2147483648 : i32
        %ge3A_258 = vector.broadcast %ge3A_257 : i32 to vector<16xi32>
        %ge3A_259 = arith.cmpi uge, %bitcast3A_247, %ge3A_258 : vector<16xi32>
        %jit3A_260 = arith.constant 1 : i32
        %jit3A_261 = arith.constant 0 : i32
        %broadcast_in_dim3A_262 = vector.broadcast %jit3A_260 : i32 to vector<16xi32>
        %broadcast_in_dim3A_263 = vector.broadcast %jit3A_261 : i32 to vector<16xi32>
        %select_n3A_264 = arith.select %ge3A_259, %broadcast_in_dim3A_262, %broadcast_in_dim3A_263 : vector<16xi1>, vector<16xi32>
        %add3A_265 = arith.addi %add3A_221, %select_n3A_264 : vector<16xi32>
        %ge3A_266 = arith.constant -1073741824 : i32
        %ge3A_267 = vector.broadcast %ge3A_266 : i32 to vector<16xi32>
        %ge3A_268 = arith.cmpi uge, %bitcast3A_247, %ge3A_267 : vector<16xi32>
        %jit3A_269 = arith.constant 1 : i32
        %jit3A_270 = arith.constant 0 : i32
        %broadcast_in_dim3A_271 = vector.broadcast %jit3A_269 : i32 to vector<16xi32>
        %broadcast_in_dim3A_272 = vector.broadcast %jit3A_270 : i32 to vector<16xi32>
        %select_n3A_273 = arith.select %ge3A_268, %broadcast_in_dim3A_271, %broadcast_in_dim3A_272 : vector<16xi1>, vector<16xi32>
        %add3A_274 = arith.addi %add3A_230, %select_n3A_273 : vector<16xi32>
        %mul3A_275 = arith.constant 4 : i32
        %mul3A_276 = arith.muli %scan3A_142, %mul3A_275 : i32
        %add3A_277 = arith.constant 3 : i32
        %add3A_278 = arith.addi %mul3A_276, %add3A_277 : i32
        %mul3A_279 = arith.constant 16 : i32
        %mul3A_280 = arith.muli %add3A_278, %mul3A_279 : i32
        %get3A_281 = arith.index_cast %mul3A_280 : i32 to index
        %get3A_282 = tpu.vector_load %arg5[%get3A_281] {strides = array<i32>} : memref<32768xf32, #tpu.memory_space<vmem>>, vector<16xf32>,
        %bitcast3A_283 = vector.bitcast %get3A_282 : vector<16xf32> to vector<16xi32>
        %shift_right_arithmetic3A_284 = arith.constant 31 : i32
        %shift_right_arithmetic3A_285 = vector.broadcast %shift_right_arithmetic3A_284 : i32 to vector<16xi32>
        %shift_right_arithmetic3A_286 = arith.shrsi %bitcast3A_283, %shift_right_arithmetic3A_285 : vector<16xi32>
        %or3A_287 = arith.constant -2147483648 : i32
        %or3A_288 = vector.broadcast %or3A_287 : i32 to vector<16xi32>
        %or3A_289 = arith.ori %shift_right_arithmetic3A_286, %or3A_288 : vector<16xi32>
        %xor3A_290 = arith.xori %bitcast3A_283, %or3A_289 : vector<16xi32>
        %bitcast3A_291 = vector.bitcast %xor3A_290 : vector<16xi32> to vector<16xi32>
        %ge3A_292 = arith.constant 1073741824 : i32
        %ge3A_293 = vector.broadcast %ge3A_292 : i32 to vector<16xi32>
        %ge3A_294 = arith.cmpi uge, %bitcast3A_291, %ge3A_293 : vector<16xi32>
        %jit3A_295 = arith.constant 1 : i32
        %jit3A_296 = arith.constant 0 : i32
        %broadcast_in_dim3A_297 = vector.broadcast %jit3A_295 : i32 to vector<16xi32>
        %broadcast_in_dim3A_298 = vector.broadcast %jit3A_296 : i32 to vector<16xi32>
        %select_n3A_299 = arith.select %ge3A_294, %broadcast_in_dim3A_297, %broadcast_in_dim3A_298 : vector<16xi1>, vector<16xi32>
        %add3A_300 = arith.addi %add3A_256, %select_n3A_299 : vector<16xi32>
        %ge3A_301 = arith.constant -2147483648 : i32
        %ge3A_302 = vector.broadcast %ge3A_301 : i32 to vector<16xi32>
        %ge3A_303 = arith.cmpi uge, %bitcast3A_291, %ge3A_302 : vector<16xi32>
        %jit3A_304 = arith.constant 1 : i32
        %jit3A_305 = arith.constant 0 : i32
        %broadcast_in_dim3A_306 = vector.broadcast %jit3A_304 : i32 to vector<16xi32>
        %broadcast_in_dim3A_307 = vector.broadcast %jit3A_305 : i32 to vector<16xi32>
        %select_n3A_308 = arith.select %ge3A_303, %broadcast_in_dim3A_306, %broadcast_in_dim3A_307 : vector<16xi1>, vector<16xi32>
        %add3A_309 = arith.addi %add3A_265, %select_n3A_308 : vector<16xi32>
        %ge3A_310 = arith.constant -1073741824 : i32
        %ge3A_311 = vector.broadcast %ge3A_310 : i32 to vector<16xi32>
        %ge3A_312 = arith.cmpi uge, %bitcast3A_291, %ge3A_311 : vector<16xi32>
        %jit3A_313 = arith.constant 1 : i32
        %jit3A_314 = arith.constant 0 : i32
        %broadcast_in_dim3A_315 = vector.broadcast %jit3A_313 : i32 to vector<16xi32>
        %broadcast_in_dim3A_316 = vector.broadcast %jit3A_314 : i32 to vector<16xi32>
        %select_n3A_317 = arith.select %ge3A_312, %broadcast_in_dim3A_315, %broadcast_in_dim3A_316 : vector<16xi1>, vector<16xi32>
        %add3A_318 = arith.addi %add3A_274, %select_n3A_317 : vector<16xi32>
        scf.yield %add3A_300, %add3A_309, %add3A_318 : vector<16xi32>, vector<16xi32>, vector<16xi32>
      }
      %scan3A_29 = arith.constant 512 : i32
      %reduce_sum3A = arith.constant true
      %reduce_sum3A_30 = vector.broadcast %reduce_sum3A : i1 to vector<16xi1>
      %reduce_sum3A_31 = tpu.scan <sum>, %scan3A_28#0 masked %reduce_sum3A_30 : vector<16xi32>, vector<16xi1> -> vector<16xi32>
      %reduce_sum3A_32 = vector.extract %reduce_sum3A_31[15] : i32 from vector<16xi32>
      %reduce_sum3A_33 = arith.constant true
      %reduce_sum3A_34 = vector.broadcast %reduce_sum3A_33 : i1 to vector<16xi1>
      %reduce_sum3A_35 = tpu.scan <sum>, %scan3A_28#1 masked %reduce_sum3A_34 : vector<16xi32>, vector<16xi1> -> vector<16xi32>
      %reduce_sum3A_36 = vector.extract %reduce_sum3A_35[15] : i32 from vector<16xi32>
      %reduce_sum3A_37 = arith.constant true
      %reduce_sum3A_38 = vector.broadcast %reduce_sum3A_37 : i1 to vector<16xi1>
      %reduce_sum3A_39 = tpu.scan <sum>, %scan3A_28#2 masked %reduce_sum3A_38 : vector<16xi32>, vector<16xi1> -> vector<16xi32>
      %reduce_sum3A_40 = vector.extract %reduce_sum3A_39[15] : i32 from vector<16xi32>
      %ge3A_41 = arith.constant 256 : i32
      %ge3A_42 = arith.cmpi sge, %reduce_sum3A_40, %ge3A_41 : i32
      %ge3A_43 = arith.constant 256 : i32
      %ge3A_44 = arith.cmpi sge, %reduce_sum3A_36, %ge3A_43 : i32
      %ge3A_45 = arith.constant 256 : i32
      %ge3A_46 = arith.cmpi sge, %reduce_sum3A_32, %ge3A_45 : i32
      %jit3A = arith.constant 1 : i32
      %jit3A_47 = arith.constant 0 : i32
      %select_n3A = arith.select %ge3A_46, %jit3A, %jit3A_47 : i32
      %jit3A_48 = arith.constant 2 : i32
      %select_n3A_49 = arith.select %ge3A_44, %jit3A_48, %select_n3A : i32
      %jit3A_50 = arith.constant 3 : i32
      %select_n3A_51 = arith.select %ge3A_42, %jit3A_50, %select_n3A_49 : i32
      %ge3A_52 = arith.constant 256 : i32
      %ge3A_53 = arith.cmpi sge, %reduce_sum3A_40, %ge3A_52 : i32
      %ge3A_54 = arith.constant 256 : i32
      %ge3A_55 = arith.cmpi sge, %reduce_sum3A_36, %ge3A_54 : i32
      %ge3A_56 = arith.constant 256 : i32
      %ge3A_57 = arith.cmpi sge, %reduce_sum3A_32, %ge3A_56 : i32
      %select_n3A_58 = arith.select %ge3A_57, %reduce_sum3A_36, %reduce_sum3A_32 : i32
      %select_n3A_59 = arith.select %ge3A_55, %reduce_sum3A_40, %select_n3A_58 : i32
      %jit3A_60 = arith.constant 0 : i32
      %select_n3A_61 = arith.select %ge3A_53, %jit3A_60, %select_n3A_59 : i32
      %sub3A = arith.constant 256 : i32
      %sub3A_62 = arith.subi %sub3A, %select_n3A_61 : i32
      %shift_left3A = arith.constant 30 : i32
      %shift_left3A_63 = arith.shli %select_n3A_51, %shift_left3A : i32
      %broadcast_in_dim3A = vector.broadcast %shift_left3A_63 : i32 to vector<16xi32>
      %scan3A_64 = arith.constant 0 : i32
      %scan3A_65 = arith.constant 512 : i32
      %scan3A_66 = arith.addi %scan3A_64, %scan3A_65 : i32
      %scan3A_67 = arith.constant 1 : i32
      %scan3A_68 = scf.for %scan3A_142 = %scan3A_64 to %scan3A_66 step %scan3A_67 iter_args(%scan3A_143 = %xor3A) -> (vector<16xi32>)  : i32 {
        %mul3A_144 = arith.constant 4 : i32
        %mul3A_145 = arith.muli %scan3A_142, %mul3A_144 : i32
        %add3A_146 = arith.constant 0 : i32
        %add3A_147 = arith.addi %mul3A_145, %add3A_146 : i32
        %mul3A_148 = arith.constant 16 : i32
        %mul3A_149 = arith.muli %add3A_147, %mul3A_148 : i32
        %get3A = arith.index_cast %mul3A_149 : i32 to index
        %get3A_150 = tpu.vector_load %arg5[%get3A] {strides = array<i32>} : memref<32768xf32, #tpu.memory_space<vmem>>, vector<16xf32>,
        %bitcast3A_151 = vector.bitcast %get3A_150 : vector<16xf32> to vector<16xi32>
        %shift_right_arithmetic3A = arith.constant 31 : i32
        %shift_right_arithmetic3A_152 = vector.broadcast %shift_right_arithmetic3A : i32 to vector<16xi32>
        %shift_right_arithmetic3A_153 = arith.shrsi %bitcast3A_151, %shift_right_arithmetic3A_152 : vector<16xi32>
        %or3A = arith.constant -2147483648 : i32
        %or3A_154 = vector.broadcast %or3A : i32 to vector<16xi32>
        %or3A_155 = arith.ori %shift_right_arithmetic3A_153, %or3A_154 : vector<16xi32>
        %xor3A_156 = arith.xori %bitcast3A_151, %or3A_155 : vector<16xi32>
        %bitcast3A_157 = vector.bitcast %xor3A_156 : vector<16xi32> to vector<16xi32>
        %ge3A_158 = arith.cmpi uge, %bitcast3A_157, %broadcast_in_dim3A : vector<16xi32>
        %mul3A_159 = arith.constant 16 : i32
        %mul3A_160 = vector.broadcast %mul3A_159 : i32 to vector<16xi32>
        %mul3A_161 = arith.muli %scan3A_143, %mul3A_160 : vector<16xi32>
        %add3A_162 = arith.addi %mul3A_161, %iota3A : vector<16xi32>
        %mul3A_163 = arith.constant 16 : i32
        %mul3A_164 = arith.muli %add3A_147, %mul3A_163 : i32
        %add3A_165 = vector.broadcast %mul3A_164 : i32 to vector<16xi32>
        %add3A_166 = arith.addi %add3A_165, %iota3A : vector<16xi32>
        tpu.vector_store_idx %arg6[%add3A_162], %add3A_166 masked %ge3A_158 : memref<32800xi32, #tpu.memory_space<vmem>>[vector<16xi32>], vector<16xi32>, vector<16xi1>
        %jit3A_167 = arith.constant 1 : i32
        %jit3A_168 = arith.constant 0 : i32
        %broadcast_in_dim3A_169 = vector.broadcast %jit3A_167 : i32 to vector<16xi32>
        %broadcast_in_dim3A_170 = vector.broadcast %jit3A_168 : i32 to vector<16xi32>
        %select_n3A_171 = arith.select %ge3A_158, %broadcast_in_dim3A_169, %broadcast_in_dim3A_170 : vector<16xi1>, vector<16xi32>
        %add3A_172 = arith.addi %scan3A_143, %select_n3A_171 : vector<16xi32>
        %mul3A_173 = arith.constant 4 : i32
        %mul3A_174 = arith.muli %scan3A_142, %mul3A_173 : i32
        %add3A_175 = arith.constant 1 : i32
        %add3A_176 = arith.addi %mul3A_174, %add3A_175 : i32
        %mul3A_177 = arith.constant 16 : i32
        %mul3A_178 = arith.muli %add3A_176, %mul3A_177 : i32
        %get3A_179 = arith.index_cast %mul3A_178 : i32 to index
        %get3A_180 = tpu.vector_load %arg5[%get3A_179] {strides = array<i32>} : memref<32768xf32, #tpu.memory_space<vmem>>, vector<16xf32>,
        %bitcast3A_181 = vector.bitcast %get3A_180 : vector<16xf32> to vector<16xi32>
        %shift_right_arithmetic3A_182 = arith.constant 31 : i32
        %shift_right_arithmetic3A_183 = vector.broadcast %shift_right_arithmetic3A_182 : i32 to vector<16xi32>
        %shift_right_arithmetic3A_184 = arith.shrsi %bitcast3A_181, %shift_right_arithmetic3A_183 : vector<16xi32>
        %or3A_185 = arith.constant -2147483648 : i32
        %or3A_186 = vector.broadcast %or3A_185 : i32 to vector<16xi32>
        %or3A_187 = arith.ori %shift_right_arithmetic3A_184, %or3A_186 : vector<16xi32>
        %xor3A_188 = arith.xori %bitcast3A_181, %or3A_187 : vector<16xi32>
        %bitcast3A_189 = vector.bitcast %xor3A_188 : vector<16xi32> to vector<16xi32>
        %ge3A_190 = arith.cmpi uge, %bitcast3A_189, %broadcast_in_dim3A : vector<16xi32>
        %mul3A_191 = arith.constant 16 : i32
        %mul3A_192 = vector.broadcast %mul3A_191 : i32 to vector<16xi32>
        %mul3A_193 = arith.muli %add3A_172, %mul3A_192 : vector<16xi32>
        %add3A_194 = arith.addi %mul3A_193, %iota3A : vector<16xi32>
        %mul3A_195 = arith.constant 16 : i32
        %mul3A_196 = arith.muli %add3A_176, %mul3A_195 : i32
        %add3A_197 = vector.broadcast %mul3A_196 : i32 to vector<16xi32>
        %add3A_198 = arith.addi %add3A_197, %iota3A : vector<16xi32>
        tpu.vector_store_idx %arg6[%add3A_194], %add3A_198 masked %ge3A_190 : memref<32800xi32, #tpu.memory_space<vmem>>[vector<16xi32>], vector<16xi32>, vector<16xi1>
        %jit3A_199 = arith.constant 1 : i32
        %jit3A_200 = arith.constant 0 : i32
        %broadcast_in_dim3A_201 = vector.broadcast %jit3A_199 : i32 to vector<16xi32>
        %broadcast_in_dim3A_202 = vector.broadcast %jit3A_200 : i32 to vector<16xi32>
        %select_n3A_203 = arith.select %ge3A_190, %broadcast_in_dim3A_201, %broadcast_in_dim3A_202 : vector<16xi1>, vector<16xi32>
        %add3A_204 = arith.addi %add3A_172, %select_n3A_203 : vector<16xi32>
        %mul3A_205 = arith.constant 4 : i32
        %mul3A_206 = arith.muli %scan3A_142, %mul3A_205 : i32
        %add3A_207 = arith.constant 2 : i32
        %add3A_208 = arith.addi %mul3A_206, %add3A_207 : i32
        %mul3A_209 = arith.constant 16 : i32
        %mul3A_210 = arith.muli %add3A_208, %mul3A_209 : i32
        %get3A_211 = arith.index_cast %mul3A_210 : i32 to index
        %get3A_212 = tpu.vector_load %arg5[%get3A_211] {strides = array<i32>} : memref<32768xf32, #tpu.memory_space<vmem>>, vector<16xf32>,
        %bitcast3A_213 = vector.bitcast %get3A_212 : vector<16xf32> to vector<16xi32>
        %shift_right_arithmetic3A_214 = arith.constant 31 : i32
        %shift_right_arithmetic3A_215 = vector.broadcast %shift_right_arithmetic3A_214 : i32 to vector<16xi32>
        %shift_right_arithmetic3A_216 = arith.shrsi %bitcast3A_213, %shift_right_arithmetic3A_215 : vector<16xi32>
        %or3A_217 = arith.constant -2147483648 : i32
        %or3A_218 = vector.broadcast %or3A_217 : i32 to vector<16xi32>
        %or3A_219 = arith.ori %shift_right_arithmetic3A_216, %or3A_218 : vector<16xi32>
        %xor3A_220 = arith.xori %bitcast3A_213, %or3A_219 : vector<16xi32>
        %bitcast3A_221 = vector.bitcast %xor3A_220 : vector<16xi32> to vector<16xi32>
        %ge3A_222 = arith.cmpi uge, %bitcast3A_221, %broadcast_in_dim3A : vector<16xi32>
        %mul3A_223 = arith.constant 16 : i32
        %mul3A_224 = vector.broadcast %mul3A_223 : i32 to vector<16xi32>
        %mul3A_225 = arith.muli %add3A_204, %mul3A_224 : vector<16xi32>
        %add3A_226 = arith.addi %mul3A_225, %iota3A : vector<16xi32>
        %mul3A_227 = arith.constant 16 : i32
        %mul3A_228 = arith.muli %add3A_208, %mul3A_227 : i32
        %add3A_229 = vector.broadcast %mul3A_228 : i32 to vector<16xi32>
        %add3A_230 = arith.addi %add3A_229, %iota3A : vector<16xi32>
        tpu.vector_store_idx %arg6[%add3A_226], %add3A_230 masked %ge3A_222 : memref<32800xi32, #tpu.memory_space<vmem>>[vector<16xi32>], vector<16xi32>, vector<16xi1>
        %jit3A_231 = arith.constant 1 : i32
        %jit3A_232 = arith.constant 0 : i32
        %broadcast_in_dim3A_233 = vector.broadcast %jit3A_231 : i32 to vector<16xi32>
        %broadcast_in_dim3A_234 = vector.broadcast %jit3A_232 : i32 to vector<16xi32>
        %select_n3A_235 = arith.select %ge3A_222, %broadcast_in_dim3A_233, %broadcast_in_dim3A_234 : vector<16xi1>, vector<16xi32>
        %add3A_236 = arith.addi %add3A_204, %select_n3A_235 : vector<16xi32>
        %mul3A_237 = arith.constant 4 : i32
        %mul3A_238 = arith.muli %scan3A_142, %mul3A_237 : i32
        %add3A_239 = arith.constant 3 : i32
        %add3A_240 = arith.addi %mul3A_238, %add3A_239 : i32
        %mul3A_241 = arith.constant 16 : i32
        %mul3A_242 = arith.muli %add3A_240, %mul3A_241 : i32
        %get3A_243 = arith.index_cast %mul3A_242 : i32 to index
        %get3A_244 = tpu.vector_load %arg5[%get3A_243] {strides = array<i32>} : memref<32768xf32, #tpu.memory_space<vmem>>, vector<16xf32>,
        %bitcast3A_245 = vector.bitcast %get3A_244 : vector<16xf32> to vector<16xi32>
        %shift_right_arithmetic3A_246 = arith.constant 31 : i32
        %shift_right_arithmetic3A_247 = vector.broadcast %shift_right_arithmetic3A_246 : i32 to vector<16xi32>
        %shift_right_arithmetic3A_248 = arith.shrsi %bitcast3A_245, %shift_right_arithmetic3A_247 : vector<16xi32>
        %or3A_249 = arith.constant -2147483648 : i32
        %or3A_250 = vector.broadcast %or3A_249 : i32 to vector<16xi32>
        %or3A_251 = arith.ori %shift_right_arithmetic3A_248, %or3A_250 : vector<16xi32>
        %xor3A_252 = arith.xori %bitcast3A_245, %or3A_251 : vector<16xi32>
        %bitcast3A_253 = vector.bitcast %xor3A_252 : vector<16xi32> to vector<16xi32>
        %ge3A_254 = arith.cmpi uge, %bitcast3A_253, %broadcast_in_dim3A : vector<16xi32>
        %mul3A_255 = arith.constant 16 : i32
        %mul3A_256 = vector.broadcast %mul3A_255 : i32 to vector<16xi32>
        %mul3A_257 = arith.muli %add3A_236, %mul3A_256 : vector<16xi32>
        %add3A_258 = arith.addi %mul3A_257, %iota3A : vector<16xi32>
        %mul3A_259 = arith.constant 16 : i32
        %mul3A_260 = arith.muli %add3A_240, %mul3A_259 : i32
        %add3A_261 = vector.broadcast %mul3A_260 : i32 to vector<16xi32>
        %add3A_262 = arith.addi %add3A_261, %iota3A : vector<16xi32>
        tpu.vector_store_idx %arg6[%add3A_258], %add3A_262 masked %ge3A_254 : memref<32800xi32, #tpu.memory_space<vmem>>[vector<16xi32>], vector<16xi32>, vector<16xi1>
        %jit3A_263 = arith.constant 1 : i32
        %jit3A_264 = arith.constant 0 : i32
        %broadcast_in_dim3A_265 = vector.broadcast %jit3A_263 : i32 to vector<16xi32>
        %broadcast_in_dim3A_266 = vector.broadcast %jit3A_264 : i32 to vector<16xi32>
        %select_n3A_267 = arith.select %ge3A_254, %broadcast_in_dim3A_265, %broadcast_in_dim3A_266 : vector<16xi1>, vector<16xi32>
        %add3A_268 = arith.addi %add3A_236, %select_n3A_267 : vector<16xi32>
        scf.yield %add3A_268 : vector<16xi32>
      }
      %scan3A_69 = arith.constant 512 : i32
      %reduce_max3A = arith.constant true
      %reduce_max3A_70 = vector.broadcast %reduce_max3A : i1 to vector<16xi1>
      %reduce_max3A_71 = arith.constant -2147483648 : i32
      %reduce_max3A_72 = vector.broadcast %reduce_max3A_71 : i32 to vector<16xi32>
      %reduce_max3A_73 = arith.xori %scan3A_68, %reduce_max3A_72 : vector<16xi32>
      %reduce_max3A_74 = tpu.scan <max>, %reduce_max3A_73 masked %reduce_max3A_70 : vector<16xi32>, vector<16xi1> -> vector<16xi32>
      %reduce_max3A_75 = arith.xori %reduce_max3A_74, %reduce_max3A_72 : vector<16xi32>
      %reduce_max3A_76 = vector.extract %reduce_max3A_75[15] : i32 from vector<16xi32>
      %while3A = arith.constant 0 : i32
      %while3A_77 = arith.constant 0 : i32
      %while3A_78 = arith.subi %reduce_max3A_76, %while3A_77 : i32
      %while3A_79 = arith.addi %while3A_77, %while3A_78 : i32
      %while3A_80 = arith.constant 1 : i32
      %while3A_81 = arith.divsi %while3A_78, %while3A_80 : i32
      %while3A_82 = arith.muli %while3A_81, %while3A_80 : i32
      %while3A_83 = arith.addi %while3A_77, %while3A_82 : i32
      %while3A_84 = arith.constant 1 : i32
      scf.for %while3A_142 = %while3A_77 to %while3A_83 step %while3A_84  : i32 {
        %mul3A_143 = arith.constant 16 : i32
        %mul3A_144 = arith.muli %while3A_142, %mul3A_143 : i32
        %get3A = arith.index_cast %mul3A_144 : i32 to index
        %get3A_145 = tpu.vector_load %arg6[%get3A] {strides = array<i32>} : memref<32800xi32, #tpu.memory_space<vmem>>, vector<16xi32>,
        %gt3A = vector.broadcast %while3A_142 : i32 to vector<16xi32>
        %gt3A_146 = arith.cmpi sgt, %scan3A_68, %gt3A : vector<16xi32>
        %gather3A = tpu.vector_load_idx %arg5[%get3A_145] masked %gt3A_146 : memref<32768xf32, #tpu.memory_space<vmem>>[vector<16xi32>], vector<16xf32>, vector<16xi1>
        %bitcast3A_147 = vector.bitcast %gather3A : vector<16xf32> to vector<16xi32>
        %shift_right_arithmetic3A = arith.constant 31 : i32
        %shift_right_arithmetic3A_148 = vector.broadcast %shift_right_arithmetic3A : i32 to vector<16xi32>
        %shift_right_arithmetic3A_149 = arith.shrsi %bitcast3A_147, %shift_right_arithmetic3A_148 : vector<16xi32>
        %or3A = arith.constant -2147483648 : i32
        %or3A_150 = vector.broadcast %or3A : i32 to vector<16xi32>
        %or3A_151 = arith.ori %shift_right_arithmetic3A_149, %or3A_150 : vector<16xi32>
        %xor3A_152 = arith.xori %bitcast3A_147, %or3A_151 : vector<16xi32>
        %bitcast3A_153 = vector.bitcast %xor3A_152 : vector<16xi32> to vector<16xi32>
        %bitcast3A_154 = vector.bitcast %bitcast3A_153 : vector<16xi32> to vector<16xi32>
        %mul3A_155 = arith.constant 16 : i32
        %mul3A_156 = arith.muli %while3A_142, %mul3A_155 : i32
        %swap3A = arith.index_cast %mul3A_156 : i32 to index
        %swap3A_157 = tpu.vector_load %arg7[%swap3A] {strides = array<i32>} : memref<32800xi32, #tpu.memory_space<vmem>>, vector<16xi32>,
        tpu.vector_store %arg7[%swap3A], %bitcast3A_154 {strides = array<i32>} : memref<32800xi32, #tpu.memory_space<vmem>>, vector<16xi32>,
      }
      %while3A_85 = arith.constant 1 : i32
      scf.for %while3A_142 = %while3A_83 to %while3A_79 step %while3A_85  : i32 {
        %mul3A_143 = arith.constant 16 : i32
        %mul3A_144 = arith.muli %while3A_142, %mul3A_143 : i32
        %get3A = arith.index_cast %mul3A_144 : i32 to index
        %get3A_145 = tpu.vector_load %arg6[%get3A] {strides = array<i32>} : memref<32800xi32, #tpu.memory_space<vmem>>, vector<16xi32>,
        %gt3A = vector.broadcast %while3A_142 : i32 to vector<16xi32>
        %gt3A_146 = arith.cmpi sgt, %scan3A_68, %gt3A : vector<16xi32>
        %gather3A = tpu.vector_load_idx %arg5[%get3A_145] masked %gt3A_146 : memref<32768xf32, #tpu.memory_space<vmem>>[vector<16xi32>], vector<16xf32>, vector<16xi1>
        %bitcast3A_147 = vector.bitcast %gather3A : vector<16xf32> to vector<16xi32>
        %shift_right_arithmetic3A = arith.constant 31 : i32
        %shift_right_arithmetic3A_148 = vector.broadcast %shift_right_arithmetic3A : i32 to vector<16xi32>
        %shift_right_arithmetic3A_149 = arith.shrsi %bitcast3A_147, %shift_right_arithmetic3A_148 : vector<16xi32>
        %or3A = arith.constant -2147483648 : i32
        %or3A_150 = vector.broadcast %or3A : i32 to vector<16xi32>
        %or3A_151 = arith.ori %shift_right_arithmetic3A_149, %or3A_150 : vector<16xi32>
        %xor3A_152 = arith.xori %bitcast3A_147, %or3A_151 : vector<16xi32>
        %bitcast3A_153 = vector.bitcast %xor3A_152 : vector<16xi32> to vector<16xi32>
        %bitcast3A_154 = vector.bitcast %bitcast3A_153 : vector<16xi32> to vector<16xi32>
        %mul3A_155 = arith.constant 16 : i32
        %mul3A_156 = arith.muli %while3A_142, %mul3A_155 : i32
        %swap3A = arith.index_cast %mul3A_156 : i32 to index
        %swap3A_157 = tpu.vector_load %arg7[%swap3A] {strides = array<i32>} : memref<32800xi32, #tpu.memory_space<vmem>>, vector<16xi32>,
        tpu.vector_store %arg7[%swap3A], %bitcast3A_154 {strides = array<i32>} : memref<32800xi32, #tpu.memory_space<vmem>>, vector<16xi32>,
      }
      %scan3A_86 = arith.constant 0 : i32
      %scan3A_87 = arith.constant 10 : i32
      %scan3A_88 = arith.addi %scan3A_86, %scan3A_87 : i32
      %scan3A_89 = arith.constant 1 : i32
      %scan3A_90:2 = scf.for %scan3A_142 = %scan3A_86 to %scan3A_88 step %scan3A_89 iter_args(%scan3A_143 = %select_n3A_51, %scan3A_144 = %sub3A_62) -> (i32, i32)  : i32 {
        %mul3A_145 = arith.constant 3 : i32
        %mul3A_146 = arith.muli %scan3A_142, %mul3A_145 : i32
        %sub3A_147 = arith.constant 27 : i32
        %sub3A_148 = arith.subi %sub3A_147, %mul3A_146 : i32
        %add3A_149 = arith.constant 3 : i32
        %add3A_150 = arith.addi %sub3A_148, %add3A_149 : i32
        %broadcast_in_dim3A_151 = vector.broadcast %scan3A_143 : i32 to vector<16xi32>
        %while3A_152 = arith.constant 0 : i32
        %while3A_153 = arith.subi %reduce_max3A_76, %while3A_152 : i32
        %while3A_154 = arith.addi %while3A_152, %while3A_153 : i32
        %while3A_155 = arith.constant 1 : i32
        %while3A_156 = arith.divsi %while3A_153, %while3A_155 : i32
        %while3A_157 = arith.muli %while3A_156, %while3A_155 : i32
        %while3A_158 = arith.addi %while3A_152, %while3A_157 : i32
        %while3A_159 = arith.constant 1 : i32
        %while3A_160:7 = scf.for %while3A_224 = %while3A_152 to %while3A_158 step %while3A_159 iter_args(%while3A_225 = %xor3A, %while3A_226 = %xor3A, %while3A_227 = %xor3A, %while3A_228 = %xor3A, %while3A_229 = %xor3A, %while3A_230 = %xor3A, %while3A_231 = %xor3A) -> (vector<16xi32>, vector<16xi32>, vector<16xi32>, vector<16xi32>, vector<16xi32>, vector<16xi32>, vector<16xi32>)  : i32 {
          %mul3A_232 = arith.constant 16 : i32
          %mul3A_233 = arith.muli %while3A_224, %mul3A_232 : i32
          %get3A = arith.index_cast %mul3A_233 : i32 to index
          %get3A_234 = tpu.vector_load %arg7[%get3A] {strides = array<i32>} : memref<32800xi32, #tpu.memory_space<vmem>>, vector<16xi32>,
          %bitcast3A_235 = vector.bitcast %get3A_234 : vector<16xi32> to vector<16xi32>
          %gt3A = vector.broadcast %while3A_224 : i32 to vector<16xi32>
          %gt3A_236 = arith.cmpi sgt, %scan3A_68, %gt3A : vector<16xi32>
          %shift_right_logical3A = vector.broadcast %add3A_150 : i32 to vector<16xi32>
          %shift_right_logical3A_237 = arith.shrui %bitcast3A_235, %shift_right_logical3A : vector<16xi32>
          %eq3A_238 = arith.cmpi eq, %shift_right_logical3A_237, %broadcast_in_dim3A_151 : vector<16xi32>
          %and3A = arith.andi %gt3A_236, %eq3A_238 : vector<16xi1>
          %shift_right_logical3A_239 = vector.broadcast %sub3A_148 : i32 to vector<16xi32>
          %shift_right_logical3A_240 = arith.shrui %bitcast3A_235, %shift_right_logical3A_239 : vector<16xi32>
          %and3A_241 = arith.constant 7 : i32
          %and3A_242 = vector.broadcast %and3A_241 : i32 to vector<16xi32>
          %and3A_243 = arith.andi %shift_right_logical3A_240, %and3A_242 : vector<16xi32>
          %ge3A_244 = arith.constant 1 : i32
          %ge3A_245 = vector.broadcast %ge3A_244 : i32 to vector<16xi32>
          %ge3A_246 = arith.cmpi uge, %and3A_243, %ge3A_245 : vector<16xi32>
          %and3A_247 = arith.andi %and3A, %ge3A_246 : vector<16xi1>
          %jit3A_248 = arith.constant 1 : i32
          %jit3A_249 = arith.constant 0 : i32
          %broadcast_in_dim3A_250 = vector.broadcast %jit3A_248 : i32 to vector<16xi32>
          %broadcast_in_dim3A_251 = vector.broadcast %jit3A_249 : i32 to vector<16xi32>
          %select_n3A_252 = arith.select %and3A_247, %broadcast_in_dim3A_250, %broadcast_in_dim3A_251 : vector<16xi1>, vector<16xi32>
          %add3A_253 = arith.addi %while3A_225, %select_n3A_252 : vector<16xi32>
          %ge3A_254 = arith.constant 2 : i32
          %ge3A_255 = vector.broadcast %ge3A_254 : i32 to vector<16xi32>
          %ge3A_256 = arith.cmpi uge, %and3A_243, %ge3A_255 : vector<16xi32>
          %and3A_257 = arith.andi %and3A, %ge3A_256 : vector<16xi1>
          %jit3A_258 = arith.constant 1 : i32
          %jit3A_259 = arith.constant 0 : i32
          %broadcast_in_dim3A_260 = vector.broadcast %jit3A_258 : i32 to vector<16xi32>
          %broadcast_in_dim3A_261 = vector.broadcast %jit3A_259 : i32 to vector<16xi32>
          %select_n3A_262 = arith.select %and3A_257, %broadcast_in_dim3A_260, %broadcast_in_dim3A_261 : vector<16xi1>, vector<16xi32>
          %add3A_263 = arith.addi %while3A_226, %select_n3A_262 : vector<16xi32>
          %ge3A_264 = arith.constant 3 : i32
          %ge3A_265 = vector.broadcast %ge3A_264 : i32 to vector<16xi32>
          %ge3A_266 = arith.cmpi uge, %and3A_243, %ge3A_265 : vector<16xi32>
          %and3A_267 = arith.andi %and3A, %ge3A_266 : vector<16xi1>
          %jit3A_268 = arith.constant 1 : i32
          %jit3A_269 = arith.constant 0 : i32
          %broadcast_in_dim3A_270 = vector.broadcast %jit3A_268 : i32 to vector<16xi32>
          %broadcast_in_dim3A_271 = vector.broadcast %jit3A_269 : i32 to vector<16xi32>
          %select_n3A_272 = arith.select %and3A_267, %broadcast_in_dim3A_270, %broadcast_in_dim3A_271 : vector<16xi1>, vector<16xi32>
          %add3A_273 = arith.addi %while3A_227, %select_n3A_272 : vector<16xi32>
          %ge3A_274 = arith.constant 4 : i32
          %ge3A_275 = vector.broadcast %ge3A_274 : i32 to vector<16xi32>
          %ge3A_276 = arith.cmpi uge, %and3A_243, %ge3A_275 : vector<16xi32>
          %and3A_277 = arith.andi %and3A, %ge3A_276 : vector<16xi1>
          %jit3A_278 = arith.constant 1 : i32
          %jit3A_279 = arith.constant 0 : i32
          %broadcast_in_dim3A_280 = vector.broadcast %jit3A_278 : i32 to vector<16xi32>
          %broadcast_in_dim3A_281 = vector.broadcast %jit3A_279 : i32 to vector<16xi32>
          %select_n3A_282 = arith.select %and3A_277, %broadcast_in_dim3A_280, %broadcast_in_dim3A_281 : vector<16xi1>, vector<16xi32>
          %add3A_283 = arith.addi %while3A_228, %select_n3A_282 : vector<16xi32>
          %ge3A_284 = arith.constant 5 : i32
          %ge3A_285 = vector.broadcast %ge3A_284 : i32 to vector<16xi32>
          %ge3A_286 = arith.cmpi uge, %and3A_243, %ge3A_285 : vector<16xi32>
          %and3A_287 = arith.andi %and3A, %ge3A_286 : vector<16xi1>
          %jit3A_288 = arith.constant 1 : i32
          %jit3A_289 = arith.constant 0 : i32
          %broadcast_in_dim3A_290 = vector.broadcast %jit3A_288 : i32 to vector<16xi32>
          %broadcast_in_dim3A_291 = vector.broadcast %jit3A_289 : i32 to vector<16xi32>
          %select_n3A_292 = arith.select %and3A_287, %broadcast_in_dim3A_290, %broadcast_in_dim3A_291 : vector<16xi1>, vector<16xi32>
          %add3A_293 = arith.addi %while3A_229, %select_n3A_292 : vector<16xi32>
          %ge3A_294 = arith.constant 6 : i32
          %ge3A_295 = vector.broadcast %ge3A_294 : i32 to vector<16xi32>
          %ge3A_296 = arith.cmpi uge, %and3A_243, %ge3A_295 : vector<16xi32>
          %and3A_297 = arith.andi %and3A, %ge3A_296 : vector<16xi1>
          %jit3A_298 = arith.constant 1 : i32
          %jit3A_299 = arith.constant 0 : i32
          %broadcast_in_dim3A_300 = vector.broadcast %jit3A_298 : i32 to vector<16xi32>
          %broadcast_in_dim3A_301 = vector.broadcast %jit3A_299 : i32 to vector<16xi32>
          %select_n3A_302 = arith.select %and3A_297, %broadcast_in_dim3A_300, %broadcast_in_dim3A_301 : vector<16xi1>, vector<16xi32>
          %add3A_303 = arith.addi %while3A_230, %select_n3A_302 : vector<16xi32>
          %ge3A_304 = arith.constant 7 : i32
          %ge3A_305 = vector.broadcast %ge3A_304 : i32 to vector<16xi32>
          %ge3A_306 = arith.cmpi uge, %and3A_243, %ge3A_305 : vector<16xi32>
          %and3A_307 = arith.andi %and3A, %ge3A_306 : vector<16xi1>
          %jit3A_308 = arith.constant 1 : i32
          %jit3A_309 = arith.constant 0 : i32
          %broadcast_in_dim3A_310 = vector.broadcast %jit3A_308 : i32 to vector<16xi32>
          %broadcast_in_dim3A_311 = vector.broadcast %jit3A_309 : i32 to vector<16xi32>
          %select_n3A_312 = arith.select %and3A_307, %broadcast_in_dim3A_310, %broadcast_in_dim3A_311 : vector<16xi1>, vector<16xi32>
          %add3A_313 = arith.addi %while3A_231, %select_n3A_312 : vector<16xi32>
          scf.yield %add3A_253, %add3A_263, %add3A_273, %add3A_283, %add3A_293, %add3A_303, %add3A_313 : vector<16xi32>, vector<16xi32>, vector<16xi32>, vector<16xi32>, vector<16xi32>, vector<16xi32>, vector<16xi32>
        }
        %while3A_161 = arith.constant 1 : i32
        %while3A_162:7 = scf.for %while3A_224 = %while3A_158 to %while3A_154 step %while3A_161 iter_args(%while3A_225 = %while3A_160#0, %while3A_226 = %while3A_160#1, %while3A_227 = %while3A_160#2, %while3A_228 = %while3A_160#3, %while3A_229 = %while3A_160#4, %while3A_230 = %while3A_160#5, %while3A_231 = %while3A_160#6) -> (vector<16xi32>, vector<16xi32>, vector<16xi32>, vector<16xi32>, vector<16xi32>, vector<16xi32>, vector<16xi32>)  : i32 {
          %mul3A_232 = arith.constant 16 : i32
          %mul3A_233 = arith.muli %while3A_224, %mul3A_232 : i32
          %get3A = arith.index_cast %mul3A_233 : i32 to index
          %get3A_234 = tpu.vector_load %arg7[%get3A] {strides = array<i32>} : memref<32800xi32, #tpu.memory_space<vmem>>, vector<16xi32>,
          %bitcast3A_235 = vector.bitcast %get3A_234 : vector<16xi32> to vector<16xi32>
          %gt3A = vector.broadcast %while3A_224 : i32 to vector<16xi32>
          %gt3A_236 = arith.cmpi sgt, %scan3A_68, %gt3A : vector<16xi32>
          %shift_right_logical3A = vector.broadcast %add3A_150 : i32 to vector<16xi32>
          %shift_right_logical3A_237 = arith.shrui %bitcast3A_235, %shift_right_logical3A : vector<16xi32>
          %eq3A_238 = arith.cmpi eq, %shift_right_logical3A_237, %broadcast_in_dim3A_151 : vector<16xi32>
          %and3A = arith.andi %gt3A_236, %eq3A_238 : vector<16xi1>
          %shift_right_logical3A_239 = vector.broadcast %sub3A_148 : i32 to vector<16xi32>
          %shift_right_logical3A_240 = arith.shrui %bitcast3A_235, %shift_right_logical3A_239 : vector<16xi32>
          %and3A_241 = arith.constant 7 : i32
          %and3A_242 = vector.broadcast %and3A_241 : i32 to vector<16xi32>
          %and3A_243 = arith.andi %shift_right_logical3A_240, %and3A_242 : vector<16xi32>
          %ge3A_244 = arith.constant 1 : i32
          %ge3A_245 = vector.broadcast %ge3A_244 : i32 to vector<16xi32>
          %ge3A_246 = arith.cmpi uge, %and3A_243, %ge3A_245 : vector<16xi32>
          %and3A_247 = arith.andi %and3A, %ge3A_246 : vector<16xi1>
          %jit3A_248 = arith.constant 1 : i32
          %jit3A_249 = arith.constant 0 : i32
          %broadcast_in_dim3A_250 = vector.broadcast %jit3A_248 : i32 to vector<16xi32>
          %broadcast_in_dim3A_251 = vector.broadcast %jit3A_249 : i32 to vector<16xi32>
          %select_n3A_252 = arith.select %and3A_247, %broadcast_in_dim3A_250, %broadcast_in_dim3A_251 : vector<16xi1>, vector<16xi32>
          %add3A_253 = arith.addi %while3A_225, %select_n3A_252 : vector<16xi32>
          %ge3A_254 = arith.constant 2 : i32
          %ge3A_255 = vector.broadcast %ge3A_254 : i32 to vector<16xi32>
          %ge3A_256 = arith.cmpi uge, %and3A_243, %ge3A_255 : vector<16xi32>
          %and3A_257 = arith.andi %and3A, %ge3A_256 : vector<16xi1>
          %jit3A_258 = arith.constant 1 : i32
          %jit3A_259 = arith.constant 0 : i32
          %broadcast_in_dim3A_260 = vector.broadcast %jit3A_258 : i32 to vector<16xi32>
          %broadcast_in_dim3A_261 = vector.broadcast %jit3A_259 : i32 to vector<16xi32>
          %select_n3A_262 = arith.select %and3A_257, %broadcast_in_dim3A_260, %broadcast_in_dim3A_261 : vector<16xi1>, vector<16xi32>
          %add3A_263 = arith.addi %while3A_226, %select_n3A_262 : vector<16xi32>
          %ge3A_264 = arith.constant 3 : i32
          %ge3A_265 = vector.broadcast %ge3A_264 : i32 to vector<16xi32>
          %ge3A_266 = arith.cmpi uge, %and3A_243, %ge3A_265 : vector<16xi32>
          %and3A_267 = arith.andi %and3A, %ge3A_266 : vector<16xi1>
          %jit3A_268 = arith.constant 1 : i32
          %jit3A_269 = arith.constant 0 : i32
          %broadcast_in_dim3A_270 = vector.broadcast %jit3A_268 : i32 to vector<16xi32>
          %broadcast_in_dim3A_271 = vector.broadcast %jit3A_269 : i32 to vector<16xi32>
          %select_n3A_272 = arith.select %and3A_267, %broadcast_in_dim3A_270, %broadcast_in_dim3A_271 : vector<16xi1>, vector<16xi32>
          %add3A_273 = arith.addi %while3A_227, %select_n3A_272 : vector<16xi32>
          %ge3A_274 = arith.constant 4 : i32
          %ge3A_275 = vector.broadcast %ge3A_274 : i32 to vector<16xi32>
          %ge3A_276 = arith.cmpi uge, %and3A_243, %ge3A_275 : vector<16xi32>
          %and3A_277 = arith.andi %and3A, %ge3A_276 : vector<16xi1>
          %jit3A_278 = arith.constant 1 : i32
          %jit3A_279 = arith.constant 0 : i32
          %broadcast_in_dim3A_280 = vector.broadcast %jit3A_278 : i32 to vector<16xi32>
          %broadcast_in_dim3A_281 = vector.broadcast %jit3A_279 : i32 to vector<16xi32>
          %select_n3A_282 = arith.select %and3A_277, %broadcast_in_dim3A_280, %broadcast_in_dim3A_281 : vector<16xi1>, vector<16xi32>
          %add3A_283 = arith.addi %while3A_228, %select_n3A_282 : vector<16xi32>
          %ge3A_284 = arith.constant 5 : i32
          %ge3A_285 = vector.broadcast %ge3A_284 : i32 to vector<16xi32>
          %ge3A_286 = arith.cmpi uge, %and3A_243, %ge3A_285 : vector<16xi32>
          %and3A_287 = arith.andi %and3A, %ge3A_286 : vector<16xi1>
          %jit3A_288 = arith.constant 1 : i32
          %jit3A_289 = arith.constant 0 : i32
          %broadcast_in_dim3A_290 = vector.broadcast %jit3A_288 : i32 to vector<16xi32>
          %broadcast_in_dim3A_291 = vector.broadcast %jit3A_289 : i32 to vector<16xi32>
          %select_n3A_292 = arith.select %and3A_287, %broadcast_in_dim3A_290, %broadcast_in_dim3A_291 : vector<16xi1>, vector<16xi32>
          %add3A_293 = arith.addi %while3A_229, %select_n3A_292 : vector<16xi32>
          %ge3A_294 = arith.constant 6 : i32
          %ge3A_295 = vector.broadcast %ge3A_294 : i32 to vector<16xi32>
          %ge3A_296 = arith.cmpi uge, %and3A_243, %ge3A_295 : vector<16xi32>
          %and3A_297 = arith.andi %and3A, %ge3A_296 : vector<16xi1>
          %jit3A_298 = arith.constant 1 : i32
          %jit3A_299 = arith.constant 0 : i32
          %broadcast_in_dim3A_300 = vector.broadcast %jit3A_298 : i32 to vector<16xi32>
          %broadcast_in_dim3A_301 = vector.broadcast %jit3A_299 : i32 to vector<16xi32>
          %select_n3A_302 = arith.select %and3A_297, %broadcast_in_dim3A_300, %broadcast_in_dim3A_301 : vector<16xi1>, vector<16xi32>
          %add3A_303 = arith.addi %while3A_230, %select_n3A_302 : vector<16xi32>
          %ge3A_304 = arith.constant 7 : i32
          %ge3A_305 = vector.broadcast %ge3A_304 : i32 to vector<16xi32>
          %ge3A_306 = arith.cmpi uge, %and3A_243, %ge3A_305 : vector<16xi32>
          %and3A_307 = arith.andi %and3A, %ge3A_306 : vector<16xi1>
          %jit3A_308 = arith.constant 1 : i32
          %jit3A_309 = arith.constant 0 : i32
          %broadcast_in_dim3A_310 = vector.broadcast %jit3A_308 : i32 to vector<16xi32>
          %broadcast_in_dim3A_311 = vector.broadcast %jit3A_309 : i32 to vector<16xi32>
          %select_n3A_312 = arith.select %and3A_307, %broadcast_in_dim3A_310, %broadcast_in_dim3A_311 : vector<16xi1>, vector<16xi32>
          %add3A_313 = arith.addi %while3A_231, %select_n3A_312 : vector<16xi32>
          scf.yield %add3A_253, %add3A_263, %add3A_273, %add3A_283, %add3A_293, %add3A_303, %add3A_313 : vector<16xi32>, vector<16xi32>, vector<16xi32>, vector<16xi32>, vector<16xi32>, vector<16xi32>, vector<16xi32>
        }
        %reduce_sum3A_163 = arith.constant true
        %reduce_sum3A_164 = vector.broadcast %reduce_sum3A_163 : i1 to vector<16xi1>
        %reduce_sum3A_165 = tpu.scan <sum>, %while3A_162#0 masked %reduce_sum3A_164 : vector<16xi32>, vector<16xi1> -> vector<16xi32>
        %reduce_sum3A_166 = vector.extract %reduce_sum3A_165[15] : i32 from vector<16xi32>
        %reduce_sum3A_167 = arith.constant true
        %reduce_sum3A_168 = vector.broadcast %reduce_sum3A_167 : i1 to vector<16xi1>
        %reduce_sum3A_169 = tpu.scan <sum>, %while3A_162#1 masked %reduce_sum3A_168 : vector<16xi32>, vector<16xi1> -> vector<16xi32>
        %reduce_sum3A_170 = vector.extract %reduce_sum3A_169[15] : i32 from vector<16xi32>
        %reduce_sum3A_171 = arith.constant true
        %reduce_sum3A_172 = vector.broadcast %reduce_sum3A_171 : i1 to vector<16xi1>
        %reduce_sum3A_173 = tpu.scan <sum>, %while3A_162#2 masked %reduce_sum3A_172 : vector<16xi32>, vector<16xi1> -> vector<16xi32>
        %reduce_sum3A_174 = vector.extract %reduce_sum3A_173[15] : i32 from vector<16xi32>
        %reduce_sum3A_175 = arith.constant true
        %reduce_sum3A_176 = vector.broadcast %reduce_sum3A_175 : i1 to vector<16xi1>
        %reduce_sum3A_177 = tpu.scan <sum>, %while3A_162#3 masked %reduce_sum3A_176 : vector<16xi32>, vector<16xi1> -> vector<16xi32>
        %reduce_sum3A_178 = vector.extract %reduce_sum3A_177[15] : i32 from vector<16xi32>
        %reduce_sum3A_179 = arith.constant true
        %reduce_sum3A_180 = vector.broadcast %reduce_sum3A_179 : i1 to vector<16xi1>
        %reduce_sum3A_181 = tpu.scan <sum>, %while3A_162#4 masked %reduce_sum3A_180 : vector<16xi32>, vector<16xi1> -> vector<16xi32>
        %reduce_sum3A_182 = vector.extract %reduce_sum3A_181[15] : i32 from vector<16xi32>
        %reduce_sum3A_183 = arith.constant true
        %reduce_sum3A_184 = vector.broadcast %reduce_sum3A_183 : i1 to vector<16xi1>
        %reduce_sum3A_185 = tpu.scan <sum>, %while3A_162#5 masked %reduce_sum3A_184 : vector<16xi32>, vector<16xi1> -> vector<16xi32>
        %reduce_sum3A_186 = vector.extract %reduce_sum3A_185[15] : i32 from vector<16xi32>
        %reduce_sum3A_187 = arith.constant true
        %reduce_sum3A_188 = vector.broadcast %reduce_sum3A_187 : i1 to vector<16xi1>
        %reduce_sum3A_189 = tpu.scan <sum>, %while3A_162#6 masked %reduce_sum3A_188 : vector<16xi32>, vector<16xi1> -> vector<16xi32>
        %reduce_sum3A_190 = vector.extract %reduce_sum3A_189[15] : i32 from vector<16xi32>
        %ge3A_191 = arith.cmpi sge, %reduce_sum3A_166, %scan3A_144 : i32
        %jit3A_192 = arith.constant 1 : i32
        %jit3A_193 = arith.constant 0 : i32
        %select_n3A_194 = arith.select %ge3A_191, %jit3A_192, %jit3A_193 : i32
        %select_n3A_195 = arith.select %ge3A_191, %reduce_sum3A_170, %reduce_sum3A_166 : i32
        %ge3A_196 = arith.cmpi sge, %reduce_sum3A_170, %scan3A_144 : i32
        %jit3A_197 = arith.constant 2 : i32
        %select_n3A_198 = arith.select %ge3A_196, %jit3A_197, %select_n3A_194 : i32
        %select_n3A_199 = arith.select %ge3A_196, %reduce_sum3A_174, %select_n3A_195 : i32
        %ge3A_200 = arith.cmpi sge, %reduce_sum3A_174, %scan3A_144 : i32
        %jit3A_201 = arith.constant 3 : i32
        %select_n3A_202 = arith.select %ge3A_200, %jit3A_201, %select_n3A_198 : i32
        %select_n3A_203 = arith.select %ge3A_200, %reduce_sum3A_178, %select_n3A_199 : i32
        %ge3A_204 = arith.cmpi sge, %reduce_sum3A_178, %scan3A_144 : i32
        %jit3A_205 = arith.constant 4 : i32
        %select_n3A_206 = arith.select %ge3A_204, %jit3A_205, %select_n3A_202 : i32
        %select_n3A_207 = arith.select %ge3A_204, %reduce_sum3A_182, %select_n3A_203 : i32
        %ge3A_208 = arith.cmpi sge, %reduce_sum3A_182, %scan3A_144 : i32
        %jit3A_209 = arith.constant 5 : i32
        %select_n3A_210 = arith.select %ge3A_208, %jit3A_209, %select_n3A_206 : i32
        %select_n3A_211 = arith.select %ge3A_208, %reduce_sum3A_186, %select_n3A_207 : i32
        %ge3A_212 = arith.cmpi sge, %reduce_sum3A_186, %scan3A_144 : i32
        %jit3A_213 = arith.constant 6 : i32
        %select_n3A_214 = arith.select %ge3A_212, %jit3A_213, %select_n3A_210 : i32
        %select_n3A_215 = arith.select %ge3A_212, %reduce_sum3A_190, %select_n3A_211 : i32
        %ge3A_216 = arith.cmpi sge, %reduce_sum3A_190, %scan3A_144 : i32
        %jit3A_217 = arith.constant 7 : i32
        %select_n3A_218 = arith.select %ge3A_216, %jit3A_217, %select_n3A_214 : i32
        %jit3A_219 = arith.constant 0 : i32
        %select_n3A_220 = arith.select %ge3A_216, %jit3A_219, %select_n3A_215 : i32
        %sub3A_221 = arith.subi %scan3A_144, %select_n3A_220 : i32
        %shift_left3A_222 = arith.constant 3 : i32
        %shift_left3A_223 = arith.shli %scan3A_143, %shift_left3A_222 : i32
        %or3A = arith.ori %shift_left3A_223, %select_n3A_218 : i32
        scf.yield %or3A, %sub3A_221 : i32, i32
      }
      %scan3A_91 = arith.constant 10 : i32
      %broadcast_in_dim3A_92 = vector.broadcast %scan3A_90#0 : i32 to vector<16xi32>
      %bitcast3A = vector.bitcast %broadcast_in_dim3A_92 : vector<16xi32> to vector<16xi32>
      %lt3A = arith.constant 0 : i32
      %lt3A_93 = vector.broadcast %lt3A : i32 to vector<16xi32>
      %lt3A_94 = arith.cmpi slt, %bitcast3A, %lt3A_93 : vector<16xi32>
      %jit3A_95 = arith.constant -2147483648 : i32
      %jit3A_96 = arith.constant -1 : i32
      %broadcast_in_dim3A_97 = vector.broadcast %jit3A_95 : i32 to vector<16xi32>
      %broadcast_in_dim3A_98 = vector.broadcast %jit3A_96 : i32 to vector<16xi32>
      %select_n3A_99 = arith.select %lt3A_94, %broadcast_in_dim3A_97, %broadcast_in_dim3A_98 : vector<16xi1>, vector<16xi32>
      %xor3A_100 = arith.xori %bitcast3A, %select_n3A_99 : vector<16xi32>
      %bitcast3A_101 = vector.bitcast %xor3A_100 : vector<16xi32> to vector<16xf32>
      %eq3A = arith.constant 2147483647 : i32
      %eq3A_102 = arith.cmpi eq, %scan3A_90#0, %eq3A : i32
      %convert_element_type3A = arith.extui %eq3A_102 : i1 to i32
      %cond3A = arith.constant 0 : i32
      %cond3A_103 = arith.constant 0 : i32
      %cond3A_104 = arith.cmpi ne, %convert_element_type3A, %cond3A_103 : i32
      %cond3A_105 = scf.if %cond3A_104 -> (i32) {
        %scan3A_142 = arith.constant 0 : i32
        %scan3A_143 = arith.constant 0 : i32
        %scan3A_144 = arith.constant 512 : i32
        %scan3A_145 = arith.addi %scan3A_143, %scan3A_144 : i32
        %scan3A_146 = arith.constant 1 : i32
        scf.for %scan3A_149 = %scan3A_143 to %scan3A_145 step %scan3A_146  : i32 {
          %mul3A_150 = arith.constant 4 : i32
          %mul3A_151 = arith.muli %scan3A_149, %mul3A_150 : i32
          %add3A_152 = arith.constant 0 : i32
          %add3A_153 = arith.addi %mul3A_151, %add3A_152 : i32
          %mul3A_154 = arith.constant 16 : i32
          %mul3A_155 = arith.muli %add3A_153, %mul3A_154 : i32
          %get3A = arith.index_cast %mul3A_155 : i32 to index
          %get3A_156 = tpu.vector_load %arg5[%get3A] {strides = array<i32>} : memref<32768xf32, #tpu.memory_space<vmem>>, vector<16xf32>,
          %bitcast3A_157 = vector.bitcast %get3A_156 : vector<16xf32> to vector<16xi32>
          %shift_right_arithmetic3A = arith.constant 31 : i32
          %shift_right_arithmetic3A_158 = vector.broadcast %shift_right_arithmetic3A : i32 to vector<16xi32>
          %shift_right_arithmetic3A_159 = arith.shrsi %bitcast3A_157, %shift_right_arithmetic3A_158 : vector<16xi32>
          %or3A = arith.constant -2147483648 : i32
          %or3A_160 = vector.broadcast %or3A : i32 to vector<16xi32>
          %or3A_161 = arith.ori %shift_right_arithmetic3A_159, %or3A_160 : vector<16xi32>
          %xor3A_162 = arith.xori %bitcast3A_157, %or3A_161 : vector<16xi32>
          %bitcast3A_163 = vector.bitcast %xor3A_162 : vector<16xi32> to vector<16xi32>
          %gt3A = arith.cmpi ugt, %bitcast3A_163, %broadcast_in_dim3A_92 : vector<16xi32>
          %jit3A_164 = arith.constant -1.000000e+09 : f32
          %broadcast_in_dim3A_165 = vector.broadcast %jit3A_164 : f32 to vector<16xf32>
          %select_n3A_166 = arith.select %gt3A, %get3A_156, %broadcast_in_dim3A_165 : vector<16xi1>, vector<16xf32>
          %mul3A_167 = arith.constant 16 : i32
          %mul3A_168 = arith.muli %add3A_153, %mul3A_167 : i32
          %swap3A = arith.index_cast %mul3A_168 : i32 to index
          %swap3A_169 = tpu.vector_load %arg5[%swap3A] {strides = array<i32>} : memref<32768xf32, #tpu.memory_space<vmem>>, vector<16xf32>,
          tpu.vector_store %arg5[%swap3A], %select_n3A_166 {strides = array<i32>} : memref<32768xf32, #tpu.memory_space<vmem>>, vector<16xf32>,
          %mul3A_170 = arith.constant 4 : i32
          %mul3A_171 = arith.muli %scan3A_149, %mul3A_170 : i32
          %add3A_172 = arith.constant 1 : i32
          %add3A_173 = arith.addi %mul3A_171, %add3A_172 : i32
          %mul3A_174 = arith.constant 16 : i32
          %mul3A_175 = arith.muli %add3A_173, %mul3A_174 : i32
          %get3A_176 = arith.index_cast %mul3A_175 : i32 to index
          %get3A_177 = tpu.vector_load %arg5[%get3A_176] {strides = array<i32>} : memref<32768xf32, #tpu.memory_space<vmem>>, vector<16xf32>,
          %bitcast3A_178 = vector.bitcast %get3A_177 : vector<16xf32> to vector<16xi32>
          %shift_right_arithmetic3A_179 = arith.constant 31 : i32
          %shift_right_arithmetic3A_180 = vector.broadcast %shift_right_arithmetic3A_179 : i32 to vector<16xi32>
          %shift_right_arithmetic3A_181 = arith.shrsi %bitcast3A_178, %shift_right_arithmetic3A_180 : vector<16xi32>
          %or3A_182 = arith.constant -2147483648 : i32
          %or3A_183 = vector.broadcast %or3A_182 : i32 to vector<16xi32>
          %or3A_184 = arith.ori %shift_right_arithmetic3A_181, %or3A_183 : vector<16xi32>
          %xor3A_185 = arith.xori %bitcast3A_178, %or3A_184 : vector<16xi32>
          %bitcast3A_186 = vector.bitcast %xor3A_185 : vector<16xi32> to vector<16xi32>
          %gt3A_187 = arith.cmpi ugt, %bitcast3A_186, %broadcast_in_dim3A_92 : vector<16xi32>
          %jit3A_188 = arith.constant -1.000000e+09 : f32
          %broadcast_in_dim3A_189 = vector.broadcast %jit3A_188 : f32 to vector<16xf32>
          %select_n3A_190 = arith.select %gt3A_187, %get3A_177, %broadcast_in_dim3A_189 : vector<16xi1>, vector<16xf32>
          %mul3A_191 = arith.constant 16 : i32
          %mul3A_192 = arith.muli %add3A_173, %mul3A_191 : i32
          %swap3A_193 = arith.index_cast %mul3A_192 : i32 to index
          %swap3A_194 = tpu.vector_load %arg5[%swap3A_193] {strides = array<i32>} : memref<32768xf32, #tpu.memory_space<vmem>>, vector<16xf32>,
          tpu.vector_store %arg5[%swap3A_193], %select_n3A_190 {strides = array<i32>} : memref<32768xf32, #tpu.memory_space<vmem>>, vector<16xf32>,
          %mul3A_195 = arith.constant 4 : i32
          %mul3A_196 = arith.muli %scan3A_149, %mul3A_195 : i32
          %add3A_197 = arith.constant 2 : i32
          %add3A_198 = arith.addi %mul3A_196, %add3A_197 : i32
          %mul3A_199 = arith.constant 16 : i32
          %mul3A_200 = arith.muli %add3A_198, %mul3A_199 : i32
          %get3A_201 = arith.index_cast %mul3A_200 : i32 to index
          %get3A_202 = tpu.vector_load %arg5[%get3A_201] {strides = array<i32>} : memref<32768xf32, #tpu.memory_space<vmem>>, vector<16xf32>,
          %bitcast3A_203 = vector.bitcast %get3A_202 : vector<16xf32> to vector<16xi32>
          %shift_right_arithmetic3A_204 = arith.constant 31 : i32
          %shift_right_arithmetic3A_205 = vector.broadcast %shift_right_arithmetic3A_204 : i32 to vector<16xi32>
          %shift_right_arithmetic3A_206 = arith.shrsi %bitcast3A_203, %shift_right_arithmetic3A_205 : vector<16xi32>
          %or3A_207 = arith.constant -2147483648 : i32
          %or3A_208 = vector.broadcast %or3A_207 : i32 to vector<16xi32>
          %or3A_209 = arith.ori %shift_right_arithmetic3A_206, %or3A_208 : vector<16xi32>
          %xor3A_210 = arith.xori %bitcast3A_203, %or3A_209 : vector<16xi32>
          %bitcast3A_211 = vector.bitcast %xor3A_210 : vector<16xi32> to vector<16xi32>
          %gt3A_212 = arith.cmpi ugt, %bitcast3A_211, %broadcast_in_dim3A_92 : vector<16xi32>
          %jit3A_213 = arith.constant -1.000000e+09 : f32
          %broadcast_in_dim3A_214 = vector.broadcast %jit3A_213 : f32 to vector<16xf32>
          %select_n3A_215 = arith.select %gt3A_212, %get3A_202, %broadcast_in_dim3A_214 : vector<16xi1>, vector<16xf32>
          %mul3A_216 = arith.constant 16 : i32
          %mul3A_217 = arith.muli %add3A_198, %mul3A_216 : i32
          %swap3A_218 = arith.index_cast %mul3A_217 : i32 to index
          %swap3A_219 = tpu.vector_load %arg5[%swap3A_218] {strides = array<i32>} : memref<32768xf32, #tpu.memory_space<vmem>>, vector<16xf32>,
          tpu.vector_store %arg5[%swap3A_218], %select_n3A_215 {strides = array<i32>} : memref<32768xf32, #tpu.memory_space<vmem>>, vector<16xf32>,
          %mul3A_220 = arith.constant 4 : i32
          %mul3A_221 = arith.muli %scan3A_149, %mul3A_220 : i32
          %add3A_222 = arith.constant 3 : i32
          %add3A_223 = arith.addi %mul3A_221, %add3A_222 : i32
          %mul3A_224 = arith.constant 16 : i32
          %mul3A_225 = arith.muli %add3A_223, %mul3A_224 : i32
          %get3A_226 = arith.index_cast %mul3A_225 : i32 to index
          %get3A_227 = tpu.vector_load %arg5[%get3A_226] {strides = array<i32>} : memref<32768xf32, #tpu.memory_space<vmem>>, vector<16xf32>,
          %bitcast3A_228 = vector.bitcast %get3A_227 : vector<16xf32> to vector<16xi32>
          %shift_right_arithmetic3A_229 = arith.constant 31 : i32
          %shift_right_arithmetic3A_230 = vector.broadcast %shift_right_arithmetic3A_229 : i32 to vector<16xi32>
          %shift_right_arithmetic3A_231 = arith.shrsi %bitcast3A_228, %shift_right_arithmetic3A_230 : vector<16xi32>
          %or3A_232 = arith.constant -2147483648 : i32
          %or3A_233 = vector.broadcast %or3A_232 : i32 to vector<16xi32>
          %or3A_234 = arith.ori %shift_right_arithmetic3A_231, %or3A_233 : vector<16xi32>
          %xor3A_235 = arith.xori %bitcast3A_228, %or3A_234 : vector<16xi32>
          %bitcast3A_236 = vector.bitcast %xor3A_235 : vector<16xi32> to vector<16xi32>
          %gt3A_237 = arith.cmpi ugt, %bitcast3A_236, %broadcast_in_dim3A_92 : vector<16xi32>
          %jit3A_238 = arith.constant -1.000000e+09 : f32
          %broadcast_in_dim3A_239 = vector.broadcast %jit3A_238 : f32 to vector<16xf32>
          %select_n3A_240 = arith.select %gt3A_237, %get3A_227, %broadcast_in_dim3A_239 : vector<16xi1>, vector<16xf32>
          %mul3A_241 = arith.constant 16 : i32
          %mul3A_242 = arith.muli %add3A_223, %mul3A_241 : i32
          %swap3A_243 = arith.index_cast %mul3A_242 : i32 to index
          %swap3A_244 = tpu.vector_load %arg5[%swap3A_243] {strides = array<i32>} : memref<32768xf32, #tpu.memory_space<vmem>>, vector<16xf32>,
          tpu.vector_store %arg5[%swap3A_243], %select_n3A_240 {strides = array<i32>} : memref<32768xf32, #tpu.memory_space<vmem>>, vector<16xf32>,
        }
        %scan3A_147 = arith.constant 512 : i32
        %cond3A_148 = arith.constant 0 : i32
        scf.yield %cond3A_148 : i32
      } else {
        %scan3A_142 = arith.constant 0 : i32
        %scan3A_143 = arith.constant 0 : i32
        %scan3A_144 = arith.constant 512 : i32
        %scan3A_145 = arith.addi %scan3A_143, %scan3A_144 : i32
        %scan3A_146 = arith.constant 1 : i32
        scf.for %scan3A_149 = %scan3A_143 to %scan3A_145 step %scan3A_146  : i32 {
          %mul3A_150 = arith.constant 4 : i32
          %mul3A_151 = arith.muli %scan3A_149, %mul3A_150 : i32
          %add3A_152 = arith.constant 0 : i32
          %add3A_153 = arith.addi %mul3A_151, %add3A_152 : i32
          %mul3A_154 = arith.constant 16 : i32
          %mul3A_155 = arith.muli %add3A_153, %mul3A_154 : i32
          %get3A = arith.index_cast %mul3A_155 : i32 to index
          %get3A_156 = tpu.vector_load %arg5[%get3A] {strides = array<i32>} : memref<32768xf32, #tpu.memory_space<vmem>>, vector<16xf32>,
          %gt3A = arith.cmpf ogt, %get3A_156, %bitcast3A_101 : vector<16xf32>
          %jit3A_157 = arith.constant -1.000000e+09 : f32
          %broadcast_in_dim3A_158 = vector.broadcast %jit3A_157 : f32 to vector<16xf32>
          %select_n3A_159 = arith.select %gt3A, %get3A_156, %broadcast_in_dim3A_158 : vector<16xi1>, vector<16xf32>
          %mul3A_160 = arith.constant 16 : i32
          %mul3A_161 = arith.muli %add3A_153, %mul3A_160 : i32
          %swap3A = arith.index_cast %mul3A_161 : i32 to index
          %swap3A_162 = tpu.vector_load %arg5[%swap3A] {strides = array<i32>} : memref<32768xf32, #tpu.memory_space<vmem>>, vector<16xf32>,
          tpu.vector_store %arg5[%swap3A], %select_n3A_159 {strides = array<i32>} : memref<32768xf32, #tpu.memory_space<vmem>>, vector<16xf32>,
          %mul3A_163 = arith.constant 4 : i32
          %mul3A_164 = arith.muli %scan3A_149, %mul3A_163 : i32
          %add3A_165 = arith.constant 1 : i32
          %add3A_166 = arith.addi %mul3A_164, %add3A_165 : i32
          %mul3A_167 = arith.constant 16 : i32
          %mul3A_168 = arith.muli %add3A_166, %mul3A_167 : i32
          %get3A_169 = arith.index_cast %mul3A_168 : i32 to index
          %get3A_170 = tpu.vector_load %arg5[%get3A_169] {strides = array<i32>} : memref<32768xf32, #tpu.memory_space<vmem>>, vector<16xf32>,
          %gt3A_171 = arith.cmpf ogt, %get3A_170, %bitcast3A_101 : vector<16xf32>
          %jit3A_172 = arith.constant -1.000000e+09 : f32
          %broadcast_in_dim3A_173 = vector.broadcast %jit3A_172 : f32 to vector<16xf32>
          %select_n3A_174 = arith.select %gt3A_171, %get3A_170, %broadcast_in_dim3A_173 : vector<16xi1>, vector<16xf32>
          %mul3A_175 = arith.constant 16 : i32
          %mul3A_176 = arith.muli %add3A_166, %mul3A_175 : i32
          %swap3A_177 = arith.index_cast %mul3A_176 : i32 to index
          %swap3A_178 = tpu.vector_load %arg5[%swap3A_177] {strides = array<i32>} : memref<32768xf32, #tpu.memory_space<vmem>>, vector<16xf32>,
          tpu.vector_store %arg5[%swap3A_177], %select_n3A_174 {strides = array<i32>} : memref<32768xf32, #tpu.memory_space<vmem>>, vector<16xf32>,
          %mul3A_179 = arith.constant 4 : i32
          %mul3A_180 = arith.muli %scan3A_149, %mul3A_179 : i32
          %add3A_181 = arith.constant 2 : i32
          %add3A_182 = arith.addi %mul3A_180, %add3A_181 : i32
          %mul3A_183 = arith.constant 16 : i32
          %mul3A_184 = arith.muli %add3A_182, %mul3A_183 : i32
          %get3A_185 = arith.index_cast %mul3A_184 : i32 to index
          %get3A_186 = tpu.vector_load %arg5[%get3A_185] {strides = array<i32>} : memref<32768xf32, #tpu.memory_space<vmem>>, vector<16xf32>,
          %gt3A_187 = arith.cmpf ogt, %get3A_186, %bitcast3A_101 : vector<16xf32>
          %jit3A_188 = arith.constant -1.000000e+09 : f32
          %broadcast_in_dim3A_189 = vector.broadcast %jit3A_188 : f32 to vector<16xf32>
          %select_n3A_190 = arith.select %gt3A_187, %get3A_186, %broadcast_in_dim3A_189 : vector<16xi1>, vector<16xf32>
          %mul3A_191 = arith.constant 16 : i32
          %mul3A_192 = arith.muli %add3A_182, %mul3A_191 : i32
          %swap3A_193 = arith.index_cast %mul3A_192 : i32 to index
          %swap3A_194 = tpu.vector_load %arg5[%swap3A_193] {strides = array<i32>} : memref<32768xf32, #tpu.memory_space<vmem>>, vector<16xf32>,
          tpu.vector_store %arg5[%swap3A_193], %select_n3A_190 {strides = array<i32>} : memref<32768xf32, #tpu.memory_space<vmem>>, vector<16xf32>,
          %mul3A_195 = arith.constant 4 : i32
          %mul3A_196 = arith.muli %scan3A_149, %mul3A_195 : i32
          %add3A_197 = arith.constant 3 : i32
          %add3A_198 = arith.addi %mul3A_196, %add3A_197 : i32
          %mul3A_199 = arith.constant 16 : i32
          %mul3A_200 = arith.muli %add3A_198, %mul3A_199 : i32
          %get3A_201 = arith.index_cast %mul3A_200 : i32 to index
          %get3A_202 = tpu.vector_load %arg5[%get3A_201] {strides = array<i32>} : memref<32768xf32, #tpu.memory_space<vmem>>, vector<16xf32>,
          %gt3A_203 = arith.cmpf ogt, %get3A_202, %bitcast3A_101 : vector<16xf32>
          %jit3A_204 = arith.constant -1.000000e+09 : f32
          %broadcast_in_dim3A_205 = vector.broadcast %jit3A_204 : f32 to vector<16xf32>
          %select_n3A_206 = arith.select %gt3A_203, %get3A_202, %broadcast_in_dim3A_205 : vector<16xi1>, vector<16xf32>
          %mul3A_207 = arith.constant 16 : i32
          %mul3A_208 = arith.muli %add3A_198, %mul3A_207 : i32
          %swap3A_209 = arith.index_cast %mul3A_208 : i32 to index
          %swap3A_210 = tpu.vector_load %arg5[%swap3A_209] {strides = array<i32>} : memref<32768xf32, #tpu.memory_space<vmem>>, vector<16xf32>,
          tpu.vector_store %arg5[%swap3A_209], %select_n3A_206 {strides = array<i32>} : memref<32768xf32, #tpu.memory_space<vmem>>, vector<16xf32>,
        }
        %scan3A_147 = arith.constant 512 : i32
        %cond3A_148 = arith.constant 0 : i32
        scf.yield %cond3A_148 : i32
      }
      %scan3A_106 = arith.constant 0 : i32
      %scan3A_107 = arith.constant 0 : i32
      %scan3A_108 = arith.constant 5 : i32
      %scan3A_109 = arith.addi %scan3A_107, %scan3A_108 : i32
      %scan3A_110 = arith.constant 1 : i32
      %scan3A_111:2 = scf.for %scan3A_142 = %scan3A_107 to %scan3A_109 step %scan3A_110 iter_args(%scan3A_143 = %scan3A_106, %scan3A_144 = %scan3A_90#1) -> (i32, i32)  : i32 {
        %mul3A_145 = arith.constant 3 : i32
        %mul3A_146 = arith.muli %scan3A_142, %mul3A_145 : i32
        %sub3A_147 = arith.constant 12 : i32
        %sub3A_148 = arith.subi %sub3A_147, %mul3A_146 : i32
        %add3A_149 = arith.constant 3 : i32
        %add3A_150 = arith.addi %sub3A_148, %add3A_149 : i32
        %broadcast_in_dim3A_151 = vector.broadcast %scan3A_143 : i32 to vector<16xi32>
        %while3A_152 = arith.constant 0 : i32
        %while3A_153 = arith.subi %reduce_max3A_76, %while3A_152 : i32
        %while3A_154 = arith.addi %while3A_152, %while3A_153 : i32
        %while3A_155 = arith.constant 1 : i32
        %while3A_156 = arith.divsi %while3A_153, %while3A_155 : i32
        %while3A_157 = arith.muli %while3A_156, %while3A_155 : i32
        %while3A_158 = arith.addi %while3A_152, %while3A_157 : i32
        %while3A_159 = arith.constant 1 : i32
        %while3A_160:7 = scf.for %while3A_224 = %while3A_152 to %while3A_158 step %while3A_159 iter_args(%while3A_225 = %xor3A, %while3A_226 = %xor3A, %while3A_227 = %xor3A, %while3A_228 = %xor3A, %while3A_229 = %xor3A, %while3A_230 = %xor3A, %while3A_231 = %xor3A) -> (vector<16xi32>, vector<16xi32>, vector<16xi32>, vector<16xi32>, vector<16xi32>, vector<16xi32>, vector<16xi32>)  : i32 {
          %mul3A_232 = arith.constant 16 : i32
          %mul3A_233 = arith.muli %while3A_224, %mul3A_232 : i32
          %get3A = arith.index_cast %mul3A_233 : i32 to index
          %get3A_234 = tpu.vector_load %arg7[%get3A] {strides = array<i32>} : memref<32800xi32, #tpu.memory_space<vmem>>, vector<16xi32>,
          %bitcast3A_235 = vector.bitcast %get3A_234 : vector<16xi32> to vector<16xi32>
          %mul3A_236 = arith.constant 16 : i32
          %mul3A_237 = arith.muli %while3A_224, %mul3A_236 : i32
          %get3A_238 = arith.index_cast %mul3A_237 : i32 to index
          %get3A_239 = tpu.vector_load %arg6[%get3A_238] {strides = array<i32>} : memref<32800xi32, #tpu.memory_space<vmem>>, vector<16xi32>,
          %gt3A = vector.broadcast %while3A_224 : i32 to vector<16xi32>
          %gt3A_240 = arith.cmpi sgt, %scan3A_68, %gt3A : vector<16xi32>
          %sub3A_241 = arith.constant 32767 : i32
          %sub3A_242 = vector.broadcast %sub3A_241 : i32 to vector<16xi32>
          %sub3A_243 = arith.subi %sub3A_242, %get3A_239 : vector<16xi32>
          %eq3A_244 = arith.cmpi eq, %bitcast3A_235, %broadcast_in_dim3A_92 : vector<16xi32>
          %and3A = arith.andi %gt3A_240, %eq3A_244 : vector<16xi1>
          %shift_right_arithmetic3A = vector.broadcast %add3A_150 : i32 to vector<16xi32>
          %shift_right_arithmetic3A_245 = arith.shrsi %sub3A_243, %shift_right_arithmetic3A : vector<16xi32>
          %eq3A_246 = arith.cmpi eq, %shift_right_arithmetic3A_245, %broadcast_in_dim3A_151 : vector<16xi32>
          %and3A_247 = arith.andi %and3A, %eq3A_246 : vector<16xi1>
          %shift_right_arithmetic3A_248 = vector.broadcast %sub3A_148 : i32 to vector<16xi32>
          %shift_right_arithmetic3A_249 = arith.shrsi %sub3A_243, %shift_right_arithmetic3A_248 : vector<16xi32>
          %and3A_250 = arith.constant 7 : i32
          %and3A_251 = vector.broadcast %and3A_250 : i32 to vector<16xi32>
          %and3A_252 = arith.andi %shift_right_arithmetic3A_249, %and3A_251 : vector<16xi32>
          %ge3A_253 = arith.constant 1 : i32
          %ge3A_254 = vector.broadcast %ge3A_253 : i32 to vector<16xi32>
          %ge3A_255 = arith.cmpi sge, %and3A_252, %ge3A_254 : vector<16xi32>
          %and3A_256 = arith.andi %and3A_247, %ge3A_255 : vector<16xi1>
          %jit3A_257 = arith.constant 1 : i32
          %jit3A_258 = arith.constant 0 : i32
          %broadcast_in_dim3A_259 = vector.broadcast %jit3A_257 : i32 to vector<16xi32>
          %broadcast_in_dim3A_260 = vector.broadcast %jit3A_258 : i32 to vector<16xi32>
          %select_n3A_261 = arith.select %and3A_256, %broadcast_in_dim3A_259, %broadcast_in_dim3A_260 : vector<16xi1>, vector<16xi32>
          %add3A_262 = arith.addi %while3A_225, %select_n3A_261 : vector<16xi32>
          %ge3A_263 = arith.constant 2 : i32
          %ge3A_264 = vector.broadcast %ge3A_263 : i32 to vector<16xi32>
          %ge3A_265 = arith.cmpi sge, %and3A_252, %ge3A_264 : vector<16xi32>
          %and3A_266 = arith.andi %and3A_247, %ge3A_265 : vector<16xi1>
          %jit3A_267 = arith.constant 1 : i32
          %jit3A_268 = arith.constant 0 : i32
          %broadcast_in_dim3A_269 = vector.broadcast %jit3A_267 : i32 to vector<16xi32>
          %broadcast_in_dim3A_270 = vector.broadcast %jit3A_268 : i32 to vector<16xi32>
          %select_n3A_271 = arith.select %and3A_266, %broadcast_in_dim3A_269, %broadcast_in_dim3A_270 : vector<16xi1>, vector<16xi32>
          %add3A_272 = arith.addi %while3A_226, %select_n3A_271 : vector<16xi32>
          %ge3A_273 = arith.constant 3 : i32
          %ge3A_274 = vector.broadcast %ge3A_273 : i32 to vector<16xi32>
          %ge3A_275 = arith.cmpi sge, %and3A_252, %ge3A_274 : vector<16xi32>
          %and3A_276 = arith.andi %and3A_247, %ge3A_275 : vector<16xi1>
          %jit3A_277 = arith.constant 1 : i32
          %jit3A_278 = arith.constant 0 : i32
          %broadcast_in_dim3A_279 = vector.broadcast %jit3A_277 : i32 to vector<16xi32>
          %broadcast_in_dim3A_280 = vector.broadcast %jit3A_278 : i32 to vector<16xi32>
          %select_n3A_281 = arith.select %and3A_276, %broadcast_in_dim3A_279, %broadcast_in_dim3A_280 : vector<16xi1>, vector<16xi32>
          %add3A_282 = arith.addi %while3A_227, %select_n3A_281 : vector<16xi32>
          %ge3A_283 = arith.constant 4 : i32
          %ge3A_284 = vector.broadcast %ge3A_283 : i32 to vector<16xi32>
          %ge3A_285 = arith.cmpi sge, %and3A_252, %ge3A_284 : vector<16xi32>
          %and3A_286 = arith.andi %and3A_247, %ge3A_285 : vector<16xi1>
          %jit3A_287 = arith.constant 1 : i32
          %jit3A_288 = arith.constant 0 : i32
          %broadcast_in_dim3A_289 = vector.broadcast %jit3A_287 : i32 to vector<16xi32>
          %broadcast_in_dim3A_290 = vector.broadcast %jit3A_288 : i32 to vector<16xi32>
          %select_n3A_291 = arith.select %and3A_286, %broadcast_in_dim3A_289, %broadcast_in_dim3A_290 : vector<16xi1>, vector<16xi32>
          %add3A_292 = arith.addi %while3A_228, %select_n3A_291 : vector<16xi32>
          %ge3A_293 = arith.constant 5 : i32
          %ge3A_294 = vector.broadcast %ge3A_293 : i32 to vector<16xi32>
          %ge3A_295 = arith.cmpi sge, %and3A_252, %ge3A_294 : vector<16xi32>
          %and3A_296 = arith.andi %and3A_247, %ge3A_295 : vector<16xi1>
          %jit3A_297 = arith.constant 1 : i32
          %jit3A_298 = arith.constant 0 : i32
          %broadcast_in_dim3A_299 = vector.broadcast %jit3A_297 : i32 to vector<16xi32>
          %broadcast_in_dim3A_300 = vector.broadcast %jit3A_298 : i32 to vector<16xi32>
          %select_n3A_301 = arith.select %and3A_296, %broadcast_in_dim3A_299, %broadcast_in_dim3A_300 : vector<16xi1>, vector<16xi32>
          %add3A_302 = arith.addi %while3A_229, %select_n3A_301 : vector<16xi32>
          %ge3A_303 = arith.constant 6 : i32
          %ge3A_304 = vector.broadcast %ge3A_303 : i32 to vector<16xi32>
          %ge3A_305 = arith.cmpi sge, %and3A_252, %ge3A_304 : vector<16xi32>
          %and3A_306 = arith.andi %and3A_247, %ge3A_305 : vector<16xi1>
          %jit3A_307 = arith.constant 1 : i32
          %jit3A_308 = arith.constant 0 : i32
          %broadcast_in_dim3A_309 = vector.broadcast %jit3A_307 : i32 to vector<16xi32>
          %broadcast_in_dim3A_310 = vector.broadcast %jit3A_308 : i32 to vector<16xi32>
          %select_n3A_311 = arith.select %and3A_306, %broadcast_in_dim3A_309, %broadcast_in_dim3A_310 : vector<16xi1>, vector<16xi32>
          %add3A_312 = arith.addi %while3A_230, %select_n3A_311 : vector<16xi32>
          %ge3A_313 = arith.constant 7 : i32
          %ge3A_314 = vector.broadcast %ge3A_313 : i32 to vector<16xi32>
          %ge3A_315 = arith.cmpi sge, %and3A_252, %ge3A_314 : vector<16xi32>
          %and3A_316 = arith.andi %and3A_247, %ge3A_315 : vector<16xi1>
          %jit3A_317 = arith.constant 1 : i32
          %jit3A_318 = arith.constant 0 : i32
          %broadcast_in_dim3A_319 = vector.broadcast %jit3A_317 : i32 to vector<16xi32>
          %broadcast_in_dim3A_320 = vector.broadcast %jit3A_318 : i32 to vector<16xi32>
          %select_n3A_321 = arith.select %and3A_316, %broadcast_in_dim3A_319, %broadcast_in_dim3A_320 : vector<16xi1>, vector<16xi32>
          %add3A_322 = arith.addi %while3A_231, %select_n3A_321 : vector<16xi32>
          scf.yield %add3A_262, %add3A_272, %add3A_282, %add3A_292, %add3A_302, %add3A_312, %add3A_322 : vector<16xi32>, vector<16xi32>, vector<16xi32>, vector<16xi32>, vector<16xi32>, vector<16xi32>, vector<16xi32>
        }
        %while3A_161 = arith.constant 1 : i32
        %while3A_162:7 = scf.for %while3A_224 = %while3A_158 to %while3A_154 step %while3A_161 iter_args(%while3A_225 = %while3A_160#0, %while3A_226 = %while3A_160#1, %while3A_227 = %while3A_160#2, %while3A_228 = %while3A_160#3, %while3A_229 = %while3A_160#4, %while3A_230 = %while3A_160#5, %while3A_231 = %while3A_160#6) -> (vector<16xi32>, vector<16xi32>, vector<16xi32>, vector<16xi32>, vector<16xi32>, vector<16xi32>, vector<16xi32>)  : i32 {
          %mul3A_232 = arith.constant 16 : i32
          %mul3A_233 = arith.muli %while3A_224, %mul3A_232 : i32
          %get3A = arith.index_cast %mul3A_233 : i32 to index
          %get3A_234 = tpu.vector_load %arg7[%get3A] {strides = array<i32>} : memref<32800xi32, #tpu.memory_space<vmem>>, vector<16xi32>,
          %bitcast3A_235 = vector.bitcast %get3A_234 : vector<16xi32> to vector<16xi32>
          %mul3A_236 = arith.constant 16 : i32
          %mul3A_237 = arith.muli %while3A_224, %mul3A_236 : i32
          %get3A_238 = arith.index_cast %mul3A_237 : i32 to index
          %get3A_239 = tpu.vector_load %arg6[%get3A_238] {strides = array<i32>} : memref<32800xi32, #tpu.memory_space<vmem>>, vector<16xi32>,
          %gt3A = vector.broadcast %while3A_224 : i32 to vector<16xi32>
          %gt3A_240 = arith.cmpi sgt, %scan3A_68, %gt3A : vector<16xi32>
          %sub3A_241 = arith.constant 32767 : i32
          %sub3A_242 = vector.broadcast %sub3A_241 : i32 to vector<16xi32>
          %sub3A_243 = arith.subi %sub3A_242, %get3A_239 : vector<16xi32>
          %eq3A_244 = arith.cmpi eq, %bitcast3A_235, %broadcast_in_dim3A_92 : vector<16xi32>
          %and3A = arith.andi %gt3A_240, %eq3A_244 : vector<16xi1>
          %shift_right_arithmetic3A = vector.broadcast %add3A_150 : i32 to vector<16xi32>
          %shift_right_arithmetic3A_245 = arith.shrsi %sub3A_243, %shift_right_arithmetic3A : vector<16xi32>
          %eq3A_246 = arith.cmpi eq, %shift_right_arithmetic3A_245, %broadcast_in_dim3A_151 : vector<16xi32>
          %and3A_247 = arith.andi %and3A, %eq3A_246 : vector<16xi1>
          %shift_right_arithmetic3A_248 = vector.broadcast %sub3A_148 : i32 to vector<16xi32>
          %shift_right_arithmetic3A_249 = arith.shrsi %sub3A_243, %shift_right_arithmetic3A_248 : vector<16xi32>
          %and3A_250 = arith.constant 7 : i32
          %and3A_251 = vector.broadcast %and3A_250 : i32 to vector<16xi32>
          %and3A_252 = arith.andi %shift_right_arithmetic3A_249, %and3A_251 : vector<16xi32>
          %ge3A_253 = arith.constant 1 : i32
          %ge3A_254 = vector.broadcast %ge3A_253 : i32 to vector<16xi32>
          %ge3A_255 = arith.cmpi sge, %and3A_252, %ge3A_254 : vector<16xi32>
          %and3A_256 = arith.andi %and3A_247, %ge3A_255 : vector<16xi1>
          %jit3A_257 = arith.constant 1 : i32
          %jit3A_258 = arith.constant 0 : i32
          %broadcast_in_dim3A_259 = vector.broadcast %jit3A_257 : i32 to vector<16xi32>
          %broadcast_in_dim3A_260 = vector.broadcast %jit3A_258 : i32 to vector<16xi32>
          %select_n3A_261 = arith.select %and3A_256, %broadcast_in_dim3A_259, %broadcast_in_dim3A_260 : vector<16xi1>, vector<16xi32>
          %add3A_262 = arith.addi %while3A_225, %select_n3A_261 : vector<16xi32>
          %ge3A_263 = arith.constant 2 : i32
          %ge3A_264 = vector.broadcast %ge3A_263 : i32 to vector<16xi32>
          %ge3A_265 = arith.cmpi sge, %and3A_252, %ge3A_264 : vector<16xi32>
          %and3A_266 = arith.andi %and3A_247, %ge3A_265 : vector<16xi1>
          %jit3A_267 = arith.constant 1 : i32
          %jit3A_268 = arith.constant 0 : i32
          %broadcast_in_dim3A_269 = vector.broadcast %jit3A_267 : i32 to vector<16xi32>
          %broadcast_in_dim3A_270 = vector.broadcast %jit3A_268 : i32 to vector<16xi32>
          %select_n3A_271 = arith.select %and3A_266, %broadcast_in_dim3A_269, %broadcast_in_dim3A_270 : vector<16xi1>, vector<16xi32>
          %add3A_272 = arith.addi %while3A_226, %select_n3A_271 : vector<16xi32>
          %ge3A_273 = arith.constant 3 : i32
          %ge3A_274 = vector.broadcast %ge3A_273 : i32 to vector<16xi32>
          %ge3A_275 = arith.cmpi sge, %and3A_252, %ge3A_274 : vector<16xi32>
          %and3A_276 = arith.andi %and3A_247, %ge3A_275 : vector<16xi1>
          %jit3A_277 = arith.constant 1 : i32
          %jit3A_278 = arith.constant 0 : i32
          %broadcast_in_dim3A_279 = vector.broadcast %jit3A_277 : i32 to vector<16xi32>
          %broadcast_in_dim3A_280 = vector.broadcast %jit3A_278 : i32 to vector<16xi32>
          %select_n3A_281 = arith.select %and3A_276, %broadcast_in_dim3A_279, %broadcast_in_dim3A_280 : vector<16xi1>, vector<16xi32>
          %add3A_282 = arith.addi %while3A_227, %select_n3A_281 : vector<16xi32>
          %ge3A_283 = arith.constant 4 : i32
          %ge3A_284 = vector.broadcast %ge3A_283 : i32 to vector<16xi32>
          %ge3A_285 = arith.cmpi sge, %and3A_252, %ge3A_284 : vector<16xi32>
          %and3A_286 = arith.andi %and3A_247, %ge3A_285 : vector<16xi1>
          %jit3A_287 = arith.constant 1 : i32
          %jit3A_288 = arith.constant 0 : i32
          %broadcast_in_dim3A_289 = vector.broadcast %jit3A_287 : i32 to vector<16xi32>
          %broadcast_in_dim3A_290 = vector.broadcast %jit3A_288 : i32 to vector<16xi32>
          %select_n3A_291 = arith.select %and3A_286, %broadcast_in_dim3A_289, %broadcast_in_dim3A_290 : vector<16xi1>, vector<16xi32>
          %add3A_292 = arith.addi %while3A_228, %select_n3A_291 : vector<16xi32>
          %ge3A_293 = arith.constant 5 : i32
          %ge3A_294 = vector.broadcast %ge3A_293 : i32 to vector<16xi32>
          %ge3A_295 = arith.cmpi sge, %and3A_252, %ge3A_294 : vector<16xi32>
          %and3A_296 = arith.andi %and3A_247, %ge3A_295 : vector<16xi1>
          %jit3A_297 = arith.constant 1 : i32
          %jit3A_298 = arith.constant 0 : i32
          %broadcast_in_dim3A_299 = vector.broadcast %jit3A_297 : i32 to vector<16xi32>
          %broadcast_in_dim3A_300 = vector.broadcast %jit3A_298 : i32 to vector<16xi32>
          %select_n3A_301 = arith.select %and3A_296, %broadcast_in_dim3A_299, %broadcast_in_dim3A_300 : vector<16xi1>, vector<16xi32>
          %add3A_302 = arith.addi %while3A_229, %select_n3A_301 : vector<16xi32>
          %ge3A_303 = arith.constant 6 : i32
          %ge3A_304 = vector.broadcast %ge3A_303 : i32 to vector<16xi32>
          %ge3A_305 = arith.cmpi sge, %and3A_252, %ge3A_304 : vector<16xi32>
          %and3A_306 = arith.andi %and3A_247, %ge3A_305 : vector<16xi1>
          %jit3A_307 = arith.constant 1 : i32
          %jit3A_308 = arith.constant 0 : i32
          %broadcast_in_dim3A_309 = vector.broadcast %jit3A_307 : i32 to vector<16xi32>
          %broadcast_in_dim3A_310 = vector.broadcast %jit3A_308 : i32 to vector<16xi32>
          %select_n3A_311 = arith.select %and3A_306, %broadcast_in_dim3A_309, %broadcast_in_dim3A_310 : vector<16xi1>, vector<16xi32>
          %add3A_312 = arith.addi %while3A_230, %select_n3A_311 : vector<16xi32>
          %ge3A_313 = arith.constant 7 : i32
          %ge3A_314 = vector.broadcast %ge3A_313 : i32 to vector<16xi32>
          %ge3A_315 = arith.cmpi sge, %and3A_252, %ge3A_314 : vector<16xi32>
          %and3A_316 = arith.andi %and3A_247, %ge3A_315 : vector<16xi1>
          %jit3A_317 = arith.constant 1 : i32
          %jit3A_318 = arith.constant 0 : i32
          %broadcast_in_dim3A_319 = vector.broadcast %jit3A_317 : i32 to vector<16xi32>
          %broadcast_in_dim3A_320 = vector.broadcast %jit3A_318 : i32 to vector<16xi32>
          %select_n3A_321 = arith.select %and3A_316, %broadcast_in_dim3A_319, %broadcast_in_dim3A_320 : vector<16xi1>, vector<16xi32>
          %add3A_322 = arith.addi %while3A_231, %select_n3A_321 : vector<16xi32>
          scf.yield %add3A_262, %add3A_272, %add3A_282, %add3A_292, %add3A_302, %add3A_312, %add3A_322 : vector<16xi32>, vector<16xi32>, vector<16xi32>, vector<16xi32>, vector<16xi32>, vector<16xi32>, vector<16xi32>
        }
        %reduce_sum3A_163 = arith.constant true
        %reduce_sum3A_164 = vector.broadcast %reduce_sum3A_163 : i1 to vector<16xi1>
        %reduce_sum3A_165 = tpu.scan <sum>, %while3A_162#0 masked %reduce_sum3A_164 : vector<16xi32>, vector<16xi1> -> vector<16xi32>
        %reduce_sum3A_166 = vector.extract %reduce_sum3A_165[15] : i32 from vector<16xi32>
        %reduce_sum3A_167 = arith.constant true
        %reduce_sum3A_168 = vector.broadcast %reduce_sum3A_167 : i1 to vector<16xi1>
        %reduce_sum3A_169 = tpu.scan <sum>, %while3A_162#1 masked %reduce_sum3A_168 : vector<16xi32>, vector<16xi1> -> vector<16xi32>
        %reduce_sum3A_170 = vector.extract %reduce_sum3A_169[15] : i32 from vector<16xi32>
        %reduce_sum3A_171 = arith.constant true
        %reduce_sum3A_172 = vector.broadcast %reduce_sum3A_171 : i1 to vector<16xi1>
        %reduce_sum3A_173 = tpu.scan <sum>, %while3A_162#2 masked %reduce_sum3A_172 : vector<16xi32>, vector<16xi1> -> vector<16xi32>
        %reduce_sum3A_174 = vector.extract %reduce_sum3A_173[15] : i32 from vector<16xi32>
        %reduce_sum3A_175 = arith.constant true
        %reduce_sum3A_176 = vector.broadcast %reduce_sum3A_175 : i1 to vector<16xi1>
        %reduce_sum3A_177 = tpu.scan <sum>, %while3A_162#3 masked %reduce_sum3A_176 : vector<16xi32>, vector<16xi1> -> vector<16xi32>
        %reduce_sum3A_178 = vector.extract %reduce_sum3A_177[15] : i32 from vector<16xi32>
        %reduce_sum3A_179 = arith.constant true
        %reduce_sum3A_180 = vector.broadcast %reduce_sum3A_179 : i1 to vector<16xi1>
        %reduce_sum3A_181 = tpu.scan <sum>, %while3A_162#4 masked %reduce_sum3A_180 : vector<16xi32>, vector<16xi1> -> vector<16xi32>
        %reduce_sum3A_182 = vector.extract %reduce_sum3A_181[15] : i32 from vector<16xi32>
        %reduce_sum3A_183 = arith.constant true
        %reduce_sum3A_184 = vector.broadcast %reduce_sum3A_183 : i1 to vector<16xi1>
        %reduce_sum3A_185 = tpu.scan <sum>, %while3A_162#5 masked %reduce_sum3A_184 : vector<16xi32>, vector<16xi1> -> vector<16xi32>
        %reduce_sum3A_186 = vector.extract %reduce_sum3A_185[15] : i32 from vector<16xi32>
        %reduce_sum3A_187 = arith.constant true
        %reduce_sum3A_188 = vector.broadcast %reduce_sum3A_187 : i1 to vector<16xi1>
        %reduce_sum3A_189 = tpu.scan <sum>, %while3A_162#6 masked %reduce_sum3A_188 : vector<16xi32>, vector<16xi1> -> vector<16xi32>
        %reduce_sum3A_190 = vector.extract %reduce_sum3A_189[15] : i32 from vector<16xi32>
        %ge3A_191 = arith.cmpi sge, %reduce_sum3A_166, %scan3A_144 : i32
        %jit3A_192 = arith.constant 1 : i32
        %jit3A_193 = arith.constant 0 : i32
        %select_n3A_194 = arith.select %ge3A_191, %jit3A_192, %jit3A_193 : i32
        %select_n3A_195 = arith.select %ge3A_191, %reduce_sum3A_170, %reduce_sum3A_166 : i32
        %ge3A_196 = arith.cmpi sge, %reduce_sum3A_170, %scan3A_144 : i32
        %jit3A_197 = arith.constant 2 : i32
        %select_n3A_198 = arith.select %ge3A_196, %jit3A_197, %select_n3A_194 : i32
        %select_n3A_199 = arith.select %ge3A_196, %reduce_sum3A_174, %select_n3A_195 : i32
        %ge3A_200 = arith.cmpi sge, %reduce_sum3A_174, %scan3A_144 : i32
        %jit3A_201 = arith.constant 3 : i32
        %select_n3A_202 = arith.select %ge3A_200, %jit3A_201, %select_n3A_198 : i32
        %select_n3A_203 = arith.select %ge3A_200, %reduce_sum3A_178, %select_n3A_199 : i32
        %ge3A_204 = arith.cmpi sge, %reduce_sum3A_178, %scan3A_144 : i32
        %jit3A_205 = arith.constant 4 : i32
        %select_n3A_206 = arith.select %ge3A_204, %jit3A_205, %select_n3A_202 : i32
        %select_n3A_207 = arith.select %ge3A_204, %reduce_sum3A_182, %select_n3A_203 : i32
        %ge3A_208 = arith.cmpi sge, %reduce_sum3A_182, %scan3A_144 : i32
        %jit3A_209 = arith.constant 5 : i32
        %select_n3A_210 = arith.select %ge3A_208, %jit3A_209, %select_n3A_206 : i32
        %select_n3A_211 = arith.select %ge3A_208, %reduce_sum3A_186, %select_n3A_207 : i32
        %ge3A_212 = arith.cmpi sge, %reduce_sum3A_186, %scan3A_144 : i32
        %jit3A_213 = arith.constant 6 : i32
        %select_n3A_214 = arith.select %ge3A_212, %jit3A_213, %select_n3A_210 : i32
        %select_n3A_215 = arith.select %ge3A_212, %reduce_sum3A_190, %select_n3A_211 : i32
        %ge3A_216 = arith.cmpi sge, %reduce_sum3A_190, %scan3A_144 : i32
        %jit3A_217 = arith.constant 7 : i32
        %select_n3A_218 = arith.select %ge3A_216, %jit3A_217, %select_n3A_214 : i32
        %jit3A_219 = arith.constant 0 : i32
        %select_n3A_220 = arith.select %ge3A_216, %jit3A_219, %select_n3A_215 : i32
        %shift_left3A_221 = arith.constant 3 : i32
        %shift_left3A_222 = arith.shli %scan3A_143, %shift_left3A_221 : i32
        %or3A = arith.ori %shift_left3A_222, %select_n3A_218 : i32
        %sub3A_223 = arith.subi %scan3A_144, %select_n3A_220 : i32
        scf.yield %or3A, %sub3A_223 : i32, i32
      }
      %scan3A_112 = arith.constant 5 : i32
      %broadcast_in_dim3A_113 = vector.broadcast %scan3A_111#0 : i32 to vector<16xi32>
      %bitcast3A_114 = vector.bitcast %broadcast_in_dim3A_92 : vector<16xi32> to vector<16xi32>
      %lt3A_115 = arith.constant 0 : i32
      %lt3A_116 = vector.broadcast %lt3A_115 : i32 to vector<16xi32>
      %lt3A_117 = arith.cmpi slt, %bitcast3A_114, %lt3A_116 : vector<16xi32>
      %jit3A_118 = arith.constant -2147483648 : i32
      %jit3A_119 = arith.constant -1 : i32
      %broadcast_in_dim3A_120 = vector.broadcast %jit3A_118 : i32 to vector<16xi32>
      %broadcast_in_dim3A_121 = vector.broadcast %jit3A_119 : i32 to vector<16xi32>
      %select_n3A_122 = arith.select %lt3A_117, %broadcast_in_dim3A_120, %broadcast_in_dim3A_121 : vector<16xi1>, vector<16xi32>
      %xor3A_123 = arith.xori %bitcast3A_114, %select_n3A_122 : vector<16xi32>
      %bitcast3A_124 = vector.bitcast %xor3A_123 : vector<16xi32> to vector<16xf32>
      %while3A_125 = arith.constant 0 : i32
      %while3A_126 = arith.subi %reduce_max3A_76, %while3A_125 : i32
      %while3A_127 = arith.addi %while3A_125, %while3A_126 : i32
      %while3A_128 = arith.constant 1 : i32
      %while3A_129 = arith.divsi %while3A_126, %while3A_128 : i32
      %while3A_130 = arith.muli %while3A_129, %while3A_128 : i32
      %while3A_131 = arith.addi %while3A_125, %while3A_130 : i32
      %while3A_132 = arith.constant 1 : i32
      %while3A_133 = scf.for %while3A_142 = %while3A_125 to %while3A_131 step %while3A_132 iter_args(%while3A_143 = %xor3A) -> (vector<16xi32>)  : i32 {
        %mul3A_144 = arith.constant 16 : i32
        %mul3A_145 = arith.muli %while3A_142, %mul3A_144 : i32
        %get3A = arith.index_cast %mul3A_145 : i32 to index
        %get3A_146 = tpu.vector_load %arg7[%get3A] {strides = array<i32>} : memref<32800xi32, #tpu.memory_space<vmem>>, vector<16xi32>,
        %bitcast3A_147 = vector.bitcast %get3A_146 : vector<16xi32> to vector<16xi32>
        %mul3A_148 = arith.constant 16 : i32
        %mul3A_149 = arith.muli %while3A_142, %mul3A_148 : i32
        %get3A_150 = arith.index_cast %mul3A_149 : i32 to index
        %get3A_151 = tpu.vector_load %arg6[%get3A_150] {strides = array<i32>} : memref<32800xi32, #tpu.memory_space<vmem>>, vector<16xi32>,
        %gt3A = vector.broadcast %while3A_142 : i32 to vector<16xi32>
        %gt3A_152 = arith.cmpi sgt, %scan3A_68, %gt3A : vector<16xi32>
        %eq3A_153 = arith.cmpi eq, %bitcast3A_147, %broadcast_in_dim3A_92 : vector<16xi32>
        %and3A = arith.andi %gt3A_152, %eq3A_153 : vector<16xi1>
        %sub3A_154 = arith.constant 32767 : i32
        %sub3A_155 = vector.broadcast %sub3A_154 : i32 to vector<16xi32>
        %sub3A_156 = arith.subi %sub3A_155, %get3A_151 : vector<16xi32>
        %ge3A_157 = arith.cmpi sge, %sub3A_156, %broadcast_in_dim3A_113 : vector<16xi32>
        %and3A_158 = arith.andi %and3A, %ge3A_157 : vector<16xi1>
        %gt3A_159 = arith.cmpi ugt, %bitcast3A_147, %broadcast_in_dim3A_92 : vector<16xi32>
        %and3A_160 = arith.andi %gt3A_152, %gt3A_159 : vector<16xi1>
        %or3A = arith.ori %and3A_160, %and3A_158 : vector<16xi1>
        %jit3A_161 = arith.constant 1 : i32
        %jit3A_162 = arith.constant 0 : i32
        %broadcast_in_dim3A_163 = vector.broadcast %jit3A_161 : i32 to vector<16xi32>
        %broadcast_in_dim3A_164 = vector.broadcast %jit3A_162 : i32 to vector<16xi32>
        %select_n3A_165 = arith.select %or3A, %broadcast_in_dim3A_163, %broadcast_in_dim3A_164 : vector<16xi1>, vector<16xi32>
        %sub3A_166 = arith.constant 1 : i32
        %sub3A_167 = vector.broadcast %sub3A_166 : i32 to vector<16xi32>
        %sub3A_168 = arith.subi %iota3A, %sub3A_167 : vector<16xi32>
        %and3A_169 = arith.constant 15 : i32
        %and3A_170 = vector.broadcast %and3A_169 : i32 to vector<16xi32>
        %and3A_171 = arith.andi %sub3A_168, %and3A_170 : vector<16xi32>
        %lt3A_172 = arith.constant 0 : i32
        %lt3A_173 = vector.broadcast %lt3A_172 : i32 to vector<16xi32>
        %lt3A_174 = arith.cmpi slt, %and3A_171, %lt3A_173 : vector<16xi32>
        %add3A_175 = arith.constant 16 : i32
        %add3A_176 = vector.broadcast %add3A_175 : i32 to vector<16xi32>
        %add3A_177 = arith.addi %and3A_171, %add3A_176 : vector<16xi32>
        %select_n3A_178 = arith.select %lt3A_174, %add3A_177, %and3A_171 : vector<16xi1>, vector<16xi32>
        %broadcast_in_dim3A_179 = vector.shape_cast %select_n3A_178 : vector<16xi32> to vector<16x1xi32>
        %gather3A = vector.shape_cast %broadcast_in_dim3A_179 : vector<16x1xi32> to vector<16xi32>
        %gather3A_180 = tpu.dynamic_gather %select_n3A_165[%gather3A] in [0] : vector<16xi32>, vector<16xi32> -> vector<16xi32>
        %jit3A_181 = arith.constant 0 : i32
        %broadcast_in_dim3A_182 = vector.broadcast %jit3A_181 : i32 to vector<16xi32>
        %select_n3A_183 = arith.select %ge3A_3, %gather3A_180, %broadcast_in_dim3A_182 : vector<16xi1>, vector<16xi32>
        %add3A_184 = arith.addi %select_n3A_165, %select_n3A_183 : vector<16xi32>
        %sub3A_185 = arith.constant 2 : i32
        %sub3A_186 = vector.broadcast %sub3A_185 : i32 to vector<16xi32>
        %sub3A_187 = arith.subi %iota3A, %sub3A_186 : vector<16xi32>
        %and3A_188 = arith.constant 15 : i32
        %and3A_189 = vector.broadcast %and3A_188 : i32 to vector<16xi32>
        %and3A_190 = arith.andi %sub3A_187, %and3A_189 : vector<16xi32>
        %lt3A_191 = arith.constant 0 : i32
        %lt3A_192 = vector.broadcast %lt3A_191 : i32 to vector<16xi32>
        %lt3A_193 = arith.cmpi slt, %and3A_190, %lt3A_192 : vector<16xi32>
        %add3A_194 = arith.constant 16 : i32
        %add3A_195 = vector.broadcast %add3A_194 : i32 to vector<16xi32>
        %add3A_196 = arith.addi %and3A_190, %add3A_195 : vector<16xi32>
        %select_n3A_197 = arith.select %lt3A_193, %add3A_196, %and3A_190 : vector<16xi1>, vector<16xi32>
        %broadcast_in_dim3A_198 = vector.shape_cast %select_n3A_197 : vector<16xi32> to vector<16x1xi32>
        %gather3A_199 = vector.shape_cast %broadcast_in_dim3A_198 : vector<16x1xi32> to vector<16xi32>
        %gather3A_200 = tpu.dynamic_gather %add3A_184[%gather3A_199] in [0] : vector<16xi32>, vector<16xi32> -> vector<16xi32>
        %jit3A_201 = arith.constant 0 : i32
        %broadcast_in_dim3A_202 = vector.broadcast %jit3A_201 : i32 to vector<16xi32>
        %select_n3A_203 = arith.select %ge3A_6, %gather3A_200, %broadcast_in_dim3A_202 : vector<16xi1>, vector<16xi32>
        %add3A_204 = arith.addi %add3A_184, %select_n3A_203 : vector<16xi32>
        %sub3A_205 = arith.constant 4 : i32
        %sub3A_206 = vector.broadcast %sub3A_205 : i32 to vector<16xi32>
        %sub3A_207 = arith.subi %iota3A, %sub3A_206 : vector<16xi32>
        %and3A_208 = arith.constant 15 : i32
        %and3A_209 = vector.broadcast %and3A_208 : i32 to vector<16xi32>
        %and3A_210 = arith.andi %sub3A_207, %and3A_209 : vector<16xi32>
        %lt3A_211 = arith.constant 0 : i32
        %lt3A_212 = vector.broadcast %lt3A_211 : i32 to vector<16xi32>
        %lt3A_213 = arith.cmpi slt, %and3A_210, %lt3A_212 : vector<16xi32>
        %add3A_214 = arith.constant 16 : i32
        %add3A_215 = vector.broadcast %add3A_214 : i32 to vector<16xi32>
        %add3A_216 = arith.addi %and3A_210, %add3A_215 : vector<16xi32>
        %select_n3A_217 = arith.select %lt3A_213, %add3A_216, %and3A_210 : vector<16xi1>, vector<16xi32>
        %broadcast_in_dim3A_218 = vector.shape_cast %select_n3A_217 : vector<16xi32> to vector<16x1xi32>
        %gather3A_219 = vector.shape_cast %broadcast_in_dim3A_218 : vector<16x1xi32> to vector<16xi32>
        %gather3A_220 = tpu.dynamic_gather %add3A_204[%gather3A_219] in [0] : vector<16xi32>, vector<16xi32> -> vector<16xi32>
        %jit3A_221 = arith.constant 0 : i32
        %broadcast_in_dim3A_222 = vector.broadcast %jit3A_221 : i32 to vector<16xi32>
        %select_n3A_223 = arith.select %ge3A_9, %gather3A_220, %broadcast_in_dim3A_222 : vector<16xi1>, vector<16xi32>
        %add3A_224 = arith.addi %add3A_204, %select_n3A_223 : vector<16xi32>
        %sub3A_225 = arith.constant 8 : i32
        %sub3A_226 = vector.broadcast %sub3A_225 : i32 to vector<16xi32>
        %sub3A_227 = arith.subi %iota3A, %sub3A_226 : vector<16xi32>
        %and3A_228 = arith.constant 15 : i32
        %and3A_229 = vector.broadcast %and3A_228 : i32 to vector<16xi32>
        %and3A_230 = arith.andi %sub3A_227, %and3A_229 : vector<16xi32>
        %lt3A_231 = arith.constant 0 : i32
        %lt3A_232 = vector.broadcast %lt3A_231 : i32 to vector<16xi32>
        %lt3A_233 = arith.cmpi slt, %and3A_230, %lt3A_232 : vector<16xi32>
        %add3A_234 = arith.constant 16 : i32
        %add3A_235 = vector.broadcast %add3A_234 : i32 to vector<16xi32>
        %add3A_236 = arith.addi %and3A_230, %add3A_235 : vector<16xi32>
        %select_n3A_237 = arith.select %lt3A_233, %add3A_236, %and3A_230 : vector<16xi1>, vector<16xi32>
        %broadcast_in_dim3A_238 = vector.shape_cast %select_n3A_237 : vector<16xi32> to vector<16x1xi32>
        %gather3A_239 = vector.shape_cast %broadcast_in_dim3A_238 : vector<16x1xi32> to vector<16xi32>
        %gather3A_240 = tpu.dynamic_gather %add3A_224[%gather3A_239] in [0] : vector<16xi32>, vector<16xi32> -> vector<16xi32>
        %jit3A_241 = arith.constant 0 : i32
        %broadcast_in_dim3A_242 = vector.broadcast %jit3A_241 : i32 to vector<16xi32>
        %select_n3A_243 = arith.select %ge3A_12, %gather3A_240, %broadcast_in_dim3A_242 : vector<16xi1>, vector<16xi32>
        %add3A_244 = arith.addi %add3A_224, %select_n3A_243 : vector<16xi32>
        %sub3A_245 = arith.subi %add3A_244, %select_n3A_165 : vector<16xi32>
        %add3A_246 = arith.addi %while3A_143, %sub3A_245 : vector<16xi32>
        %bitcast3A_247 = vector.bitcast %bitcast3A_147 : vector<16xi32> to vector<16xi32>
        tpu.vector_store_idx %arg8[%add3A_246], %bitcast3A_247 masked %or3A : memref<272xi32, #tpu.memory_space<vmem>>[vector<16xi32>], vector<16xi32>, vector<16xi1>
        tpu.vector_store_idx %arg9[%add3A_246], %get3A_151 masked %or3A : memref<272xi32, #tpu.memory_space<vmem>>[vector<16xi32>], vector<16xi32>, vector<16xi1>
        tpu.vector_store_idx %arg5[%get3A_151], %bitcast3A_124 masked %and3A_158 : memref<32768xf32, #tpu.memory_space<vmem>>[vector<16xi32>], vector<16xf32>, vector<16xi1>
        %all_reduce_population_count3A = tpu.all_reduce %or3A {dim = 0 : i64, kind = #tpu.reduction_kind<sum>} : vector<16xi1> -> vector<16xi32>
        %add3A_248 = arith.addi %while3A_143, %all_reduce_population_count3A : vector<16xi32>
        scf.yield %add3A_248 : vector<16xi32>
      }
      %while3A_134 = arith.constant 1 : i32
      %while3A_135 = scf.for %while3A_142 = %while3A_131 to %while3A_127 step %while3A_134 iter_args(%while3A_143 = %while3A_133) -> (vector<16xi32>)  : i32 {
        %mul3A_144 = arith.constant 16 : i32
        %mul3A_145 = arith.muli %while3A_142, %mul3A_144 : i32
        %get3A = arith.index_cast %mul3A_145 : i32 to index
        %get3A_146 = tpu.vector_load %arg7[%get3A] {strides = array<i32>} : memref<32800xi32, #tpu.memory_space<vmem>>, vector<16xi32>,
        %bitcast3A_147 = vector.bitcast %get3A_146 : vector<16xi32> to vector<16xi32>
        %mul3A_148 = arith.constant 16 : i32
        %mul3A_149 = arith.muli %while3A_142, %mul3A_148 : i32
        %get3A_150 = arith.index_cast %mul3A_149 : i32 to index
        %get3A_151 = tpu.vector_load %arg6[%get3A_150] {strides = array<i32>} : memref<32800xi32, #tpu.memory_space<vmem>>, vector<16xi32>,
        %gt3A = vector.broadcast %while3A_142 : i32 to vector<16xi32>
        %gt3A_152 = arith.cmpi sgt, %scan3A_68, %gt3A : vector<16xi32>
        %eq3A_153 = arith.cmpi eq, %bitcast3A_147, %broadcast_in_dim3A_92 : vector<16xi32>
        %and3A = arith.andi %gt3A_152, %eq3A_153 : vector<16xi1>
        %sub3A_154 = arith.constant 32767 : i32
        %sub3A_155 = vector.broadcast %sub3A_154 : i32 to vector<16xi32>
        %sub3A_156 = arith.subi %sub3A_155, %get3A_151 : vector<16xi32>
        %ge3A_157 = arith.cmpi sge, %sub3A_156, %broadcast_in_dim3A_113 : vector<16xi32>
        %and3A_158 = arith.andi %and3A, %ge3A_157 : vector<16xi1>
        %gt3A_159 = arith.cmpi ugt, %bitcast3A_147, %broadcast_in_dim3A_92 : vector<16xi32>
        %and3A_160 = arith.andi %gt3A_152, %gt3A_159 : vector<16xi1>
        %or3A = arith.ori %and3A_160, %and3A_158 : vector<16xi1>
        %jit3A_161 = arith.constant 1 : i32
        %jit3A_162 = arith.constant 0 : i32
        %broadcast_in_dim3A_163 = vector.broadcast %jit3A_161 : i32 to vector<16xi32>
        %broadcast_in_dim3A_164 = vector.broadcast %jit3A_162 : i32 to vector<16xi32>
        %select_n3A_165 = arith.select %or3A, %broadcast_in_dim3A_163, %broadcast_in_dim3A_164 : vector<16xi1>, vector<16xi32>
        %sub3A_166 = arith.constant 1 : i32
        %sub3A_167 = vector.broadcast %sub3A_166 : i32 to vector<16xi32>
        %sub3A_168 = arith.subi %iota3A, %sub3A_167 : vector<16xi32>
        %and3A_169 = arith.constant 15 : i32
        %and3A_170 = vector.broadcast %and3A_169 : i32 to vector<16xi32>
        %and3A_171 = arith.andi %sub3A_168, %and3A_170 : vector<16xi32>
        %lt3A_172 = arith.constant 0 : i32
        %lt3A_173 = vector.broadcast %lt3A_172 : i32 to vector<16xi32>
        %lt3A_174 = arith.cmpi slt, %and3A_171, %lt3A_173 : vector<16xi32>
        %add3A_175 = arith.constant 16 : i32
        %add3A_176 = vector.broadcast %add3A_175 : i32 to vector<16xi32>
        %add3A_177 = arith.addi %and3A_171, %add3A_176 : vector<16xi32>
        %select_n3A_178 = arith.select %lt3A_174, %add3A_177, %and3A_171 : vector<16xi1>, vector<16xi32>
        %broadcast_in_dim3A_179 = vector.shape_cast %select_n3A_178 : vector<16xi32> to vector<16x1xi32>
        %gather3A = vector.shape_cast %broadcast_in_dim3A_179 : vector<16x1xi32> to vector<16xi32>
        %gather3A_180 = tpu.dynamic_gather %select_n3A_165[%gather3A] in [0] : vector<16xi32>, vector<16xi32> -> vector<16xi32>
        %jit3A_181 = arith.constant 0 : i32
        %broadcast_in_dim3A_182 = vector.broadcast %jit3A_181 : i32 to vector<16xi32>
        %select_n3A_183 = arith.select %ge3A_3, %gather3A_180, %broadcast_in_dim3A_182 : vector<16xi1>, vector<16xi32>
        %add3A_184 = arith.addi %select_n3A_165, %select_n3A_183 : vector<16xi32>
        %sub3A_185 = arith.constant 2 : i32
        %sub3A_186 = vector.broadcast %sub3A_185 : i32 to vector<16xi32>
        %sub3A_187 = arith.subi %iota3A, %sub3A_186 : vector<16xi32>
        %and3A_188 = arith.constant 15 : i32
        %and3A_189 = vector.broadcast %and3A_188 : i32 to vector<16xi32>
        %and3A_190 = arith.andi %sub3A_187, %and3A_189 : vector<16xi32>
        %lt3A_191 = arith.constant 0 : i32
        %lt3A_192 = vector.broadcast %lt3A_191 : i32 to vector<16xi32>
        %lt3A_193 = arith.cmpi slt, %and3A_190, %lt3A_192 : vector<16xi32>
        %add3A_194 = arith.constant 16 : i32
        %add3A_195 = vector.broadcast %add3A_194 : i32 to vector<16xi32>
        %add3A_196 = arith.addi %and3A_190, %add3A_195 : vector<16xi32>
        %select_n3A_197 = arith.select %lt3A_193, %add3A_196, %and3A_190 : vector<16xi1>, vector<16xi32>
        %broadcast_in_dim3A_198 = vector.shape_cast %select_n3A_197 : vector<16xi32> to vector<16x1xi32>
        %gather3A_199 = vector.shape_cast %broadcast_in_dim3A_198 : vector<16x1xi32> to vector<16xi32>
        %gather3A_200 = tpu.dynamic_gather %add3A_184[%gather3A_199] in [0] : vector<16xi32>, vector<16xi32> -> vector<16xi32>
        %jit3A_201 = arith.constant 0 : i32
        %broadcast_in_dim3A_202 = vector.broadcast %jit3A_201 : i32 to vector<16xi32>
        %select_n3A_203 = arith.select %ge3A_6, %gather3A_200, %broadcast_in_dim3A_202 : vector<16xi1>, vector<16xi32>
        %add3A_204 = arith.addi %add3A_184, %select_n3A_203 : vector<16xi32>
        %sub3A_205 = arith.constant 4 : i32
        %sub3A_206 = vector.broadcast %sub3A_205 : i32 to vector<16xi32>
        %sub3A_207 = arith.subi %iota3A, %sub3A_206 : vector<16xi32>
        %and3A_208 = arith.constant 15 : i32
        %and3A_209 = vector.broadcast %and3A_208 : i32 to vector<16xi32>
        %and3A_210 = arith.andi %sub3A_207, %and3A_209 : vector<16xi32>
        %lt3A_211 = arith.constant 0 : i32
        %lt3A_212 = vector.broadcast %lt3A_211 : i32 to vector<16xi32>
        %lt3A_213 = arith.cmpi slt, %and3A_210, %lt3A_212 : vector<16xi32>
        %add3A_214 = arith.constant 16 : i32
        %add3A_215 = vector.broadcast %add3A_214 : i32 to vector<16xi32>
        %add3A_216 = arith.addi %and3A_210, %add3A_215 : vector<16xi32>
        %select_n3A_217 = arith.select %lt3A_213, %add3A_216, %and3A_210 : vector<16xi1>, vector<16xi32>
        %broadcast_in_dim3A_218 = vector.shape_cast %select_n3A_217 : vector<16xi32> to vector<16x1xi32>
        %gather3A_219 = vector.shape_cast %broadcast_in_dim3A_218 : vector<16x1xi32> to vector<16xi32>
        %gather3A_220 = tpu.dynamic_gather %add3A_204[%gather3A_219] in [0] : vector<16xi32>, vector<16xi32> -> vector<16xi32>
        %jit3A_221 = arith.constant 0 : i32
        %broadcast_in_dim3A_222 = vector.broadcast %jit3A_221 : i32 to vector<16xi32>
        %select_n3A_223 = arith.select %ge3A_9, %gather3A_220, %broadcast_in_dim3A_222 : vector<16xi1>, vector<16xi32>
        %add3A_224 = arith.addi %add3A_204, %select_n3A_223 : vector<16xi32>
        %sub3A_225 = arith.constant 8 : i32
        %sub3A_226 = vector.broadcast %sub3A_225 : i32 to vector<16xi32>
        %sub3A_227 = arith.subi %iota3A, %sub3A_226 : vector<16xi32>
        %and3A_228 = arith.constant 15 : i32
        %and3A_229 = vector.broadcast %and3A_228 : i32 to vector<16xi32>
        %and3A_230 = arith.andi %sub3A_227, %and3A_229 : vector<16xi32>
        %lt3A_231 = arith.constant 0 : i32
        %lt3A_232 = vector.broadcast %lt3A_231 : i32 to vector<16xi32>
        %lt3A_233 = arith.cmpi slt, %and3A_230, %lt3A_232 : vector<16xi32>
        %add3A_234 = arith.constant 16 : i32
        %add3A_235 = vector.broadcast %add3A_234 : i32 to vector<16xi32>
        %add3A_236 = arith.addi %and3A_230, %add3A_235 : vector<16xi32>
        %select_n3A_237 = arith.select %lt3A_233, %add3A_236, %and3A_230 : vector<16xi1>, vector<16xi32>
        %broadcast_in_dim3A_238 = vector.shape_cast %select_n3A_237 : vector<16xi32> to vector<16x1xi32>
        %gather3A_239 = vector.shape_cast %broadcast_in_dim3A_238 : vector<16x1xi32> to vector<16xi32>
        %gather3A_240 = tpu.dynamic_gather %add3A_224[%gather3A_239] in [0] : vector<16xi32>, vector<16xi32> -> vector<16xi32>
        %jit3A_241 = arith.constant 0 : i32
        %broadcast_in_dim3A_242 = vector.broadcast %jit3A_241 : i32 to vector<16xi32>
        %select_n3A_243 = arith.select %ge3A_12, %gather3A_240, %broadcast_in_dim3A_242 : vector<16xi1>, vector<16xi32>
        %add3A_244 = arith.addi %add3A_224, %select_n3A_243 : vector<16xi32>
        %sub3A_245 = arith.subi %add3A_244, %select_n3A_165 : vector<16xi32>
        %add3A_246 = arith.addi %while3A_143, %sub3A_245 : vector<16xi32>
        %bitcast3A_247 = vector.bitcast %bitcast3A_147 : vector<16xi32> to vector<16xi32>
        tpu.vector_store_idx %arg8[%add3A_246], %bitcast3A_247 masked %or3A : memref<272xi32, #tpu.memory_space<vmem>>[vector<16xi32>], vector<16xi32>, vector<16xi1>
        tpu.vector_store_idx %arg9[%add3A_246], %get3A_151 masked %or3A : memref<272xi32, #tpu.memory_space<vmem>>[vector<16xi32>], vector<16xi32>, vector<16xi1>
        tpu.vector_store_idx %arg5[%get3A_151], %bitcast3A_124 masked %and3A_158 : memref<32768xf32, #tpu.memory_space<vmem>>[vector<16xi32>], vector<16xf32>, vector<16xi1>
        %all_reduce_population_count3A = tpu.all_reduce %or3A {dim = 0 : i64, kind = #tpu.reduction_kind<sum>} : vector<16xi1> -> vector<16xi32>
        %add3A_248 = arith.addi %while3A_143, %all_reduce_population_count3A : vector<16xi32>
        scf.yield %add3A_248 : vector<16xi32>
      }
      %scan3A_136 = arith.constant 0 : i32
      %scan3A_137 = arith.constant 0 : i32
      %scan3A_138 = arith.constant 16 : i32
      %scan3A_139 = arith.addi %scan3A_137, %scan3A_138 : i32
      %scan3A_140 = arith.constant 1 : i32
      scf.for %scan3A_142 = %scan3A_137 to %scan3A_139 step %scan3A_140  : i32 {
        %mul3A_143 = arith.constant 16 : i32
        %mul3A_144 = arith.muli %scan3A_142, %mul3A_143 : i32
        %get3A = arith.index_cast %mul3A_144 : i32 to index
        %get3A_145 = tpu.vector_load %arg8[%get3A] {strides = array<i32>} : memref<272xi32, #tpu.memory_space<vmem>>, vector<16xi32>,
        %bitcast3A_146 = vector.bitcast %get3A_145 : vector<16xi32> to vector<16xi32>
        %mul3A_147 = arith.constant 16 : i32
        %mul3A_148 = arith.muli %scan3A_142, %mul3A_147 : i32
        %get3A_149 = arith.index_cast %mul3A_148 : i32 to index
        %get3A_150 = tpu.vector_load %arg9[%get3A_149] {strides = array<i32>} : memref<272xi32, #tpu.memory_space<vmem>>, vector<16xi32>,
        %scan3A_151 = arith.constant 0 : i32
        %scan3A_152 = arith.constant 16 : i32
        %scan3A_153 = arith.addi %scan3A_151, %scan3A_152 : i32
        %scan3A_154 = arith.constant 1 : i32
        %scan3A_155 = scf.for %scan3A_157 = %scan3A_151 to %scan3A_153 step %scan3A_154 iter_args(%scan3A_158 = %xor3A) -> (vector<16xi32>)  : i32 {
          %mul3A_159 = arith.constant 16 : i32
          %mul3A_160 = arith.muli %scan3A_157, %mul3A_159 : i32
          %get3A_161 = arith.index_cast %mul3A_160 : i32 to index
          %get3A_162 = tpu.vector_load %arg8[%get3A_161] {strides = array<i32>} : memref<272xi32, #tpu.memory_space<vmem>>, vector<16xi32>,
          %mul3A_163 = arith.constant 16 : i32
          %mul3A_164 = arith.muli %scan3A_157, %mul3A_163 : i32
          %get3A_165 = arith.index_cast %mul3A_164 : i32 to index
          %get3A_166 = tpu.vector_load %arg9[%get3A_165] {strides = array<i32>} : memref<272xi32, #tpu.memory_space<vmem>>, vector<16xi32>,
          %slice3A = vector.extract_strided_slice %get3A_162 {offsets = [0], sizes = [1], strides = [1]} : vector<16xi32> to vector<1xi32>
          %squeeze3A = vector.extract %slice3A[0] : i32 from vector<1xi32>
          %broadcast_in_dim3A_167 = vector.broadcast %squeeze3A : i32 to vector<16xi32>
          %bitcast3A_168 = vector.bitcast %broadcast_in_dim3A_167 : vector<16xi32> to vector<16xi32>
          %slice3A_169 = vector.extract_strided_slice %get3A_166 {offsets = [0], sizes = [1], strides = [1]} : vector<16xi32> to vector<1xi32>
          %squeeze3A_170 = vector.extract %slice3A_169[0] : i32 from vector<1xi32>
          %broadcast_in_dim3A_171 = vector.broadcast %squeeze3A_170 : i32 to vector<16xi32>
          %gt3A = arith.cmpi ugt, %bitcast3A_168, %bitcast3A_146 : vector<16xi32>
          %eq3A_172 = arith.cmpi eq, %bitcast3A_168, %bitcast3A_146 : vector<16xi32>
          %lt3A_173 = arith.cmpi slt, %broadcast_in_dim3A_171, %get3A_150 : vector<16xi32>
          %and3A = arith.andi %eq3A_172, %lt3A_173 : vector<16xi1>
          %or3A = arith.ori %gt3A, %and3A : vector<16xi1>
          %jit3A_174 = arith.constant 1 : i32
          %jit3A_175 = arith.constant 0 : i32
          %broadcast_in_dim3A_176 = vector.broadcast %jit3A_174 : i32 to vector<16xi32>
          %broadcast_in_dim3A_177 = vector.broadcast %jit3A_175 : i32 to vector<16xi32>
          %select_n3A_178 = arith.select %or3A, %broadcast_in_dim3A_176, %broadcast_in_dim3A_177 : vector<16xi1>, vector<16xi32>
          %add3A_179 = arith.addi %scan3A_158, %select_n3A_178 : vector<16xi32>
          %slice3A_180 = vector.extract_strided_slice %get3A_162 {offsets = [1], sizes = [1], strides = [1]} : vector<16xi32> to vector<1xi32>
          %squeeze3A_181 = vector.extract %slice3A_180[0] : i32 from vector<1xi32>
          %broadcast_in_dim3A_182 = vector.broadcast %squeeze3A_181 : i32 to vector<16xi32>
          %bitcast3A_183 = vector.bitcast %broadcast_in_dim3A_182 : vector<16xi32> to vector<16xi32>
          %slice3A_184 = vector.extract_strided_slice %get3A_166 {offsets = [1], sizes = [1], strides = [1]} : vector<16xi32> to vector<1xi32>
          %squeeze3A_185 = vector.extract %slice3A_184[0] : i32 from vector<1xi32>
          %broadcast_in_dim3A_186 = vector.broadcast %squeeze3A_185 : i32 to vector<16xi32>
          %gt3A_187 = arith.cmpi ugt, %bitcast3A_183, %bitcast3A_146 : vector<16xi32>
          %eq3A_188 = arith.cmpi eq, %bitcast3A_183, %bitcast3A_146 : vector<16xi32>
          %lt3A_189 = arith.cmpi slt, %broadcast_in_dim3A_186, %get3A_150 : vector<16xi32>
          %and3A_190 = arith.andi %eq3A_188, %lt3A_189 : vector<16xi1>
          %or3A_191 = arith.ori %gt3A_187, %and3A_190 : vector<16xi1>
          %jit3A_192 = arith.constant 1 : i32
          %jit3A_193 = arith.constant 0 : i32
          %broadcast_in_dim3A_194 = vector.broadcast %jit3A_192 : i32 to vector<16xi32>
          %broadcast_in_dim3A_195 = vector.broadcast %jit3A_193 : i32 to vector<16xi32>
          %select_n3A_196 = arith.select %or3A_191, %broadcast_in_dim3A_194, %broadcast_in_dim3A_195 : vector<16xi1>, vector<16xi32>
          %add3A_197 = arith.addi %add3A_179, %select_n3A_196 : vector<16xi32>
          %slice3A_198 = vector.extract_strided_slice %get3A_162 {offsets = [2], sizes = [1], strides = [1]} : vector<16xi32> to vector<1xi32>
          %squeeze3A_199 = vector.extract %slice3A_198[0] : i32 from vector<1xi32>
          %broadcast_in_dim3A_200 = vector.broadcast %squeeze3A_199 : i32 to vector<16xi32>
          %bitcast3A_201 = vector.bitcast %broadcast_in_dim3A_200 : vector<16xi32> to vector<16xi32>
          %slice3A_202 = vector.extract_strided_slice %get3A_166 {offsets = [2], sizes = [1], strides = [1]} : vector<16xi32> to vector<1xi32>
          %squeeze3A_203 = vector.extract %slice3A_202[0] : i32 from vector<1xi32>
          %broadcast_in_dim3A_204 = vector.broadcast %squeeze3A_203 : i32 to vector<16xi32>
          %gt3A_205 = arith.cmpi ugt, %bitcast3A_201, %bitcast3A_146 : vector<16xi32>
          %eq3A_206 = arith.cmpi eq, %bitcast3A_201, %bitcast3A_146 : vector<16xi32>
          %lt3A_207 = arith.cmpi slt, %broadcast_in_dim3A_204, %get3A_150 : vector<16xi32>
          %and3A_208 = arith.andi %eq3A_206, %lt3A_207 : vector<16xi1>
          %or3A_209 = arith.ori %gt3A_205, %and3A_208 : vector<16xi1>
          %jit3A_210 = arith.constant 1 : i32
          %jit3A_211 = arith.constant 0 : i32
          %broadcast_in_dim3A_212 = vector.broadcast %jit3A_210 : i32 to vector<16xi32>
          %broadcast_in_dim3A_213 = vector.broadcast %jit3A_211 : i32 to vector<16xi32>
          %select_n3A_214 = arith.select %or3A_209, %broadcast_in_dim3A_212, %broadcast_in_dim3A_213 : vector<16xi1>, vector<16xi32>
          %add3A_215 = arith.addi %add3A_197, %select_n3A_214 : vector<16xi32>
          %slice3A_216 = vector.extract_strided_slice %get3A_162 {offsets = [3], sizes = [1], strides = [1]} : vector<16xi32> to vector<1xi32>
          %squeeze3A_217 = vector.extract %slice3A_216[0] : i32 from vector<1xi32>
          %broadcast_in_dim3A_218 = vector.broadcast %squeeze3A_217 : i32 to vector<16xi32>
          %bitcast3A_219 = vector.bitcast %broadcast_in_dim3A_218 : vector<16xi32> to vector<16xi32>
          %slice3A_220 = vector.extract_strided_slice %get3A_166 {offsets = [3], sizes = [1], strides = [1]} : vector<16xi32> to vector<1xi32>
          %squeeze3A_221 = vector.extract %slice3A_220[0] : i32 from vector<1xi32>
          %broadcast_in_dim3A_222 = vector.broadcast %squeeze3A_221 : i32 to vector<16xi32>
          %gt3A_223 = arith.cmpi ugt, %bitcast3A_219, %bitcast3A_146 : vector<16xi32>
          %eq3A_224 = arith.cmpi eq, %bitcast3A_219, %bitcast3A_146 : vector<16xi32>
          %lt3A_225 = arith.cmpi slt, %broadcast_in_dim3A_222, %get3A_150 : vector<16xi32>
          %and3A_226 = arith.andi %eq3A_224, %lt3A_225 : vector<16xi1>
          %or3A_227 = arith.ori %gt3A_223, %and3A_226 : vector<16xi1>
          %jit3A_228 = arith.constant 1 : i32
          %jit3A_229 = arith.constant 0 : i32
          %broadcast_in_dim3A_230 = vector.broadcast %jit3A_228 : i32 to vector<16xi32>
          %broadcast_in_dim3A_231 = vector.broadcast %jit3A_229 : i32 to vector<16xi32>
          %select_n3A_232 = arith.select %or3A_227, %broadcast_in_dim3A_230, %broadcast_in_dim3A_231 : vector<16xi1>, vector<16xi32>
          %add3A_233 = arith.addi %add3A_215, %select_n3A_232 : vector<16xi32>
          %slice3A_234 = vector.extract_strided_slice %get3A_162 {offsets = [4], sizes = [1], strides = [1]} : vector<16xi32> to vector<1xi32>
          %squeeze3A_235 = vector.extract %slice3A_234[0] : i32 from vector<1xi32>
          %broadcast_in_dim3A_236 = vector.broadcast %squeeze3A_235 : i32 to vector<16xi32>
          %bitcast3A_237 = vector.bitcast %broadcast_in_dim3A_236 : vector<16xi32> to vector<16xi32>
          %slice3A_238 = vector.extract_strided_slice %get3A_166 {offsets = [4], sizes = [1], strides = [1]} : vector<16xi32> to vector<1xi32>
          %squeeze3A_239 = vector.extract %slice3A_238[0] : i32 from vector<1xi32>
          %broadcast_in_dim3A_240 = vector.broadcast %squeeze3A_239 : i32 to vector<16xi32>
          %gt3A_241 = arith.cmpi ugt, %bitcast3A_237, %bitcast3A_146 : vector<16xi32>
          %eq3A_242 = arith.cmpi eq, %bitcast3A_237, %bitcast3A_146 : vector<16xi32>
          %lt3A_243 = arith.cmpi slt, %broadcast_in_dim3A_240, %get3A_150 : vector<16xi32>
          %and3A_244 = arith.andi %eq3A_242, %lt3A_243 : vector<16xi1>
          %or3A_245 = arith.ori %gt3A_241, %and3A_244 : vector<16xi1>
          %jit3A_246 = arith.constant 1 : i32
          %jit3A_247 = arith.constant 0 : i32
          %broadcast_in_dim3A_248 = vector.broadcast %jit3A_246 : i32 to vector<16xi32>
          %broadcast_in_dim3A_249 = vector.broadcast %jit3A_247 : i32 to vector<16xi32>
          %select_n3A_250 = arith.select %or3A_245, %broadcast_in_dim3A_248, %broadcast_in_dim3A_249 : vector<16xi1>, vector<16xi32>
          %add3A_251 = arith.addi %add3A_233, %select_n3A_250 : vector<16xi32>
          %slice3A_252 = vector.extract_strided_slice %get3A_162 {offsets = [5], sizes = [1], strides = [1]} : vector<16xi32> to vector<1xi32>
          %squeeze3A_253 = vector.extract %slice3A_252[0] : i32 from vector<1xi32>
          %broadcast_in_dim3A_254 = vector.broadcast %squeeze3A_253 : i32 to vector<16xi32>
          %bitcast3A_255 = vector.bitcast %broadcast_in_dim3A_254 : vector<16xi32> to vector<16xi32>
          %slice3A_256 = vector.extract_strided_slice %get3A_166 {offsets = [5], sizes = [1], strides = [1]} : vector<16xi32> to vector<1xi32>
          %squeeze3A_257 = vector.extract %slice3A_256[0] : i32 from vector<1xi32>
          %broadcast_in_dim3A_258 = vector.broadcast %squeeze3A_257 : i32 to vector<16xi32>
          %gt3A_259 = arith.cmpi ugt, %bitcast3A_255, %bitcast3A_146 : vector<16xi32>
          %eq3A_260 = arith.cmpi eq, %bitcast3A_255, %bitcast3A_146 : vector<16xi32>
          %lt3A_261 = arith.cmpi slt, %broadcast_in_dim3A_258, %get3A_150 : vector<16xi32>
          %and3A_262 = arith.andi %eq3A_260, %lt3A_261 : vector<16xi1>
          %or3A_263 = arith.ori %gt3A_259, %and3A_262 : vector<16xi1>
          %jit3A_264 = arith.constant 1 : i32
          %jit3A_265 = arith.constant 0 : i32
          %broadcast_in_dim3A_266 = vector.broadcast %jit3A_264 : i32 to vector<16xi32>
          %broadcast_in_dim3A_267 = vector.broadcast %jit3A_265 : i32 to vector<16xi32>
          %select_n3A_268 = arith.select %or3A_263, %broadcast_in_dim3A_266, %broadcast_in_dim3A_267 : vector<16xi1>, vector<16xi32>
          %add3A_269 = arith.addi %add3A_251, %select_n3A_268 : vector<16xi32>
          %slice3A_270 = vector.extract_strided_slice %get3A_162 {offsets = [6], sizes = [1], strides = [1]} : vector<16xi32> to vector<1xi32>
          %squeeze3A_271 = vector.extract %slice3A_270[0] : i32 from vector<1xi32>
          %broadcast_in_dim3A_272 = vector.broadcast %squeeze3A_271 : i32 to vector<16xi32>
          %bitcast3A_273 = vector.bitcast %broadcast_in_dim3A_272 : vector<16xi32> to vector<16xi32>
          %slice3A_274 = vector.extract_strided_slice %get3A_166 {offsets = [6], sizes = [1], strides = [1]} : vector<16xi32> to vector<1xi32>
          %squeeze3A_275 = vector.extract %slice3A_274[0] : i32 from vector<1xi32>
          %broadcast_in_dim3A_276 = vector.broadcast %squeeze3A_275 : i32 to vector<16xi32>
          %gt3A_277 = arith.cmpi ugt, %bitcast3A_273, %bitcast3A_146 : vector<16xi32>
          %eq3A_278 = arith.cmpi eq, %bitcast3A_273, %bitcast3A_146 : vector<16xi32>
          %lt3A_279 = arith.cmpi slt, %broadcast_in_dim3A_276, %get3A_150 : vector<16xi32>
          %and3A_280 = arith.andi %eq3A_278, %lt3A_279 : vector<16xi1>
          %or3A_281 = arith.ori %gt3A_277, %and3A_280 : vector<16xi1>
          %jit3A_282 = arith.constant 1 : i32
          %jit3A_283 = arith.constant 0 : i32
          %broadcast_in_dim3A_284 = vector.broadcast %jit3A_282 : i32 to vector<16xi32>
          %broadcast_in_dim3A_285 = vector.broadcast %jit3A_283 : i32 to vector<16xi32>
          %select_n3A_286 = arith.select %or3A_281, %broadcast_in_dim3A_284, %broadcast_in_dim3A_285 : vector<16xi1>, vector<16xi32>
          %add3A_287 = arith.addi %add3A_269, %select_n3A_286 : vector<16xi32>
          %slice3A_288 = vector.extract_strided_slice %get3A_162 {offsets = [7], sizes = [1], strides = [1]} : vector<16xi32> to vector<1xi32>
          %squeeze3A_289 = vector.extract %slice3A_288[0] : i32 from vector<1xi32>
          %broadcast_in_dim3A_290 = vector.broadcast %squeeze3A_289 : i32 to vector<16xi32>
          %bitcast3A_291 = vector.bitcast %broadcast_in_dim3A_290 : vector<16xi32> to vector<16xi32>
          %slice3A_292 = vector.extract_strided_slice %get3A_166 {offsets = [7], sizes = [1], strides = [1]} : vector<16xi32> to vector<1xi32>
          %squeeze3A_293 = vector.extract %slice3A_292[0] : i32 from vector<1xi32>
          %broadcast_in_dim3A_294 = vector.broadcast %squeeze3A_293 : i32 to vector<16xi32>
          %gt3A_295 = arith.cmpi ugt, %bitcast3A_291, %bitcast3A_146 : vector<16xi32>
          %eq3A_296 = arith.cmpi eq, %bitcast3A_291, %bitcast3A_146 : vector<16xi32>
          %lt3A_297 = arith.cmpi slt, %broadcast_in_dim3A_294, %get3A_150 : vector<16xi32>
          %and3A_298 = arith.andi %eq3A_296, %lt3A_297 : vector<16xi1>
          %or3A_299 = arith.ori %gt3A_295, %and3A_298 : vector<16xi1>
          %jit3A_300 = arith.constant 1 : i32
          %jit3A_301 = arith.constant 0 : i32
          %broadcast_in_dim3A_302 = vector.broadcast %jit3A_300 : i32 to vector<16xi32>
          %broadcast_in_dim3A_303 = vector.broadcast %jit3A_301 : i32 to vector<16xi32>
          %select_n3A_304 = arith.select %or3A_299, %broadcast_in_dim3A_302, %broadcast_in_dim3A_303 : vector<16xi1>, vector<16xi32>
          %add3A_305 = arith.addi %add3A_287, %select_n3A_304 : vector<16xi32>
          %slice3A_306 = vector.extract_strided_slice %get3A_162 {offsets = [8], sizes = [1], strides = [1]} : vector<16xi32> to vector<1xi32>
          %squeeze3A_307 = vector.extract %slice3A_306[0] : i32 from vector<1xi32>
          %broadcast_in_dim3A_308 = vector.broadcast %squeeze3A_307 : i32 to vector<16xi32>
          %bitcast3A_309 = vector.bitcast %broadcast_in_dim3A_308 : vector<16xi32> to vector<16xi32>
          %slice3A_310 = vector.extract_strided_slice %get3A_166 {offsets = [8], sizes = [1], strides = [1]} : vector<16xi32> to vector<1xi32>
          %squeeze3A_311 = vector.extract %slice3A_310[0] : i32 from vector<1xi32>
          %broadcast_in_dim3A_312 = vector.broadcast %squeeze3A_311 : i32 to vector<16xi32>
          %gt3A_313 = arith.cmpi ugt, %bitcast3A_309, %bitcast3A_146 : vector<16xi32>
          %eq3A_314 = arith.cmpi eq, %bitcast3A_309, %bitcast3A_146 : vector<16xi32>
          %lt3A_315 = arith.cmpi slt, %broadcast_in_dim3A_312, %get3A_150 : vector<16xi32>
          %and3A_316 = arith.andi %eq3A_314, %lt3A_315 : vector<16xi1>
          %or3A_317 = arith.ori %gt3A_313, %and3A_316 : vector<16xi1>
          %jit3A_318 = arith.constant 1 : i32
          %jit3A_319 = arith.constant 0 : i32
          %broadcast_in_dim3A_320 = vector.broadcast %jit3A_318 : i32 to vector<16xi32>
          %broadcast_in_dim3A_321 = vector.broadcast %jit3A_319 : i32 to vector<16xi32>
          %select_n3A_322 = arith.select %or3A_317, %broadcast_in_dim3A_320, %broadcast_in_dim3A_321 : vector<16xi1>, vector<16xi32>
          %add3A_323 = arith.addi %add3A_305, %select_n3A_322 : vector<16xi32>
          %slice3A_324 = vector.extract_strided_slice %get3A_162 {offsets = [9], sizes = [1], strides = [1]} : vector<16xi32> to vector<1xi32>
          %squeeze3A_325 = vector.extract %slice3A_324[0] : i32 from vector<1xi32>
          %broadcast_in_dim3A_326 = vector.broadcast %squeeze3A_325 : i32 to vector<16xi32>
          %bitcast3A_327 = vector.bitcast %broadcast_in_dim3A_326 : vector<16xi32> to vector<16xi32>
          %slice3A_328 = vector.extract_strided_slice %get3A_166 {offsets = [9], sizes = [1], strides = [1]} : vector<16xi32> to vector<1xi32>
          %squeeze3A_329 = vector.extract %slice3A_328[0] : i32 from vector<1xi32>
          %broadcast_in_dim3A_330 = vector.broadcast %squeeze3A_329 : i32 to vector<16xi32>
          %gt3A_331 = arith.cmpi ugt, %bitcast3A_327, %bitcast3A_146 : vector<16xi32>
          %eq3A_332 = arith.cmpi eq, %bitcast3A_327, %bitcast3A_146 : vector<16xi32>
          %lt3A_333 = arith.cmpi slt, %broadcast_in_dim3A_330, %get3A_150 : vector<16xi32>
          %and3A_334 = arith.andi %eq3A_332, %lt3A_333 : vector<16xi1>
          %or3A_335 = arith.ori %gt3A_331, %and3A_334 : vector<16xi1>
          %jit3A_336 = arith.constant 1 : i32
          %jit3A_337 = arith.constant 0 : i32
          %broadcast_in_dim3A_338 = vector.broadcast %jit3A_336 : i32 to vector<16xi32>
          %broadcast_in_dim3A_339 = vector.broadcast %jit3A_337 : i32 to vector<16xi32>
          %select_n3A_340 = arith.select %or3A_335, %broadcast_in_dim3A_338, %broadcast_in_dim3A_339 : vector<16xi1>, vector<16xi32>
          %add3A_341 = arith.addi %add3A_323, %select_n3A_340 : vector<16xi32>
          %slice3A_342 = vector.extract_strided_slice %get3A_162 {offsets = [10], sizes = [1], strides = [1]} : vector<16xi32> to vector<1xi32>
          %squeeze3A_343 = vector.extract %slice3A_342[0] : i32 from vector<1xi32>
          %broadcast_in_dim3A_344 = vector.broadcast %squeeze3A_343 : i32 to vector<16xi32>
          %bitcast3A_345 = vector.bitcast %broadcast_in_dim3A_344 : vector<16xi32> to vector<16xi32>
          %slice3A_346 = vector.extract_strided_slice %get3A_166 {offsets = [10], sizes = [1], strides = [1]} : vector<16xi32> to vector<1xi32>
          %squeeze3A_347 = vector.extract %slice3A_346[0] : i32 from vector<1xi32>
          %broadcast_in_dim3A_348 = vector.broadcast %squeeze3A_347 : i32 to vector<16xi32>
          %gt3A_349 = arith.cmpi ugt, %bitcast3A_345, %bitcast3A_146 : vector<16xi32>
          %eq3A_350 = arith.cmpi eq, %bitcast3A_345, %bitcast3A_146 : vector<16xi32>
          %lt3A_351 = arith.cmpi slt, %broadcast_in_dim3A_348, %get3A_150 : vector<16xi32>
          %and3A_352 = arith.andi %eq3A_350, %lt3A_351 : vector<16xi1>
          %or3A_353 = arith.ori %gt3A_349, %and3A_352 : vector<16xi1>
          %jit3A_354 = arith.constant 1 : i32
          %jit3A_355 = arith.constant 0 : i32
          %broadcast_in_dim3A_356 = vector.broadcast %jit3A_354 : i32 to vector<16xi32>
          %broadcast_in_dim3A_357 = vector.broadcast %jit3A_355 : i32 to vector<16xi32>
          %select_n3A_358 = arith.select %or3A_353, %broadcast_in_dim3A_356, %broadcast_in_dim3A_357 : vector<16xi1>, vector<16xi32>
          %add3A_359 = arith.addi %add3A_341, %select_n3A_358 : vector<16xi32>
          %slice3A_360 = vector.extract_strided_slice %get3A_162 {offsets = [11], sizes = [1], strides = [1]} : vector<16xi32> to vector<1xi32>
          %squeeze3A_361 = vector.extract %slice3A_360[0] : i32 from vector<1xi32>
          %broadcast_in_dim3A_362 = vector.broadcast %squeeze3A_361 : i32 to vector<16xi32>
          %bitcast3A_363 = vector.bitcast %broadcast_in_dim3A_362 : vector<16xi32> to vector<16xi32>
          %slice3A_364 = vector.extract_strided_slice %get3A_166 {offsets = [11], sizes = [1], strides = [1]} : vector<16xi32> to vector<1xi32>
          %squeeze3A_365 = vector.extract %slice3A_364[0] : i32 from vector<1xi32>
          %broadcast_in_dim3A_366 = vector.broadcast %squeeze3A_365 : i32 to vector<16xi32>
          %gt3A_367 = arith.cmpi ugt, %bitcast3A_363, %bitcast3A_146 : vector<16xi32>
          %eq3A_368 = arith.cmpi eq, %bitcast3A_363, %bitcast3A_146 : vector<16xi32>
          %lt3A_369 = arith.cmpi slt, %broadcast_in_dim3A_366, %get3A_150 : vector<16xi32>
          %and3A_370 = arith.andi %eq3A_368, %lt3A_369 : vector<16xi1>
          %or3A_371 = arith.ori %gt3A_367, %and3A_370 : vector<16xi1>
          %jit3A_372 = arith.constant 1 : i32
          %jit3A_373 = arith.constant 0 : i32
          %broadcast_in_dim3A_374 = vector.broadcast %jit3A_372 : i32 to vector<16xi32>
          %broadcast_in_dim3A_375 = vector.broadcast %jit3A_373 : i32 to vector<16xi32>
          %select_n3A_376 = arith.select %or3A_371, %broadcast_in_dim3A_374, %broadcast_in_dim3A_375 : vector<16xi1>, vector<16xi32>
          %add3A_377 = arith.addi %add3A_359, %select_n3A_376 : vector<16xi32>
          %slice3A_378 = vector.extract_strided_slice %get3A_162 {offsets = [12], sizes = [1], strides = [1]} : vector<16xi32> to vector<1xi32>
          %squeeze3A_379 = vector.extract %slice3A_378[0] : i32 from vector<1xi32>
          %broadcast_in_dim3A_380 = vector.broadcast %squeeze3A_379 : i32 to vector<16xi32>
          %bitcast3A_381 = vector.bitcast %broadcast_in_dim3A_380 : vector<16xi32> to vector<16xi32>
          %slice3A_382 = vector.extract_strided_slice %get3A_166 {offsets = [12], sizes = [1], strides = [1]} : vector<16xi32> to vector<1xi32>
          %squeeze3A_383 = vector.extract %slice3A_382[0] : i32 from vector<1xi32>
          %broadcast_in_dim3A_384 = vector.broadcast %squeeze3A_383 : i32 to vector<16xi32>
          %gt3A_385 = arith.cmpi ugt, %bitcast3A_381, %bitcast3A_146 : vector<16xi32>
          %eq3A_386 = arith.cmpi eq, %bitcast3A_381, %bitcast3A_146 : vector<16xi32>
          %lt3A_387 = arith.cmpi slt, %broadcast_in_dim3A_384, %get3A_150 : vector<16xi32>
          %and3A_388 = arith.andi %eq3A_386, %lt3A_387 : vector<16xi1>
          %or3A_389 = arith.ori %gt3A_385, %and3A_388 : vector<16xi1>
          %jit3A_390 = arith.constant 1 : i32
          %jit3A_391 = arith.constant 0 : i32
          %broadcast_in_dim3A_392 = vector.broadcast %jit3A_390 : i32 to vector<16xi32>
          %broadcast_in_dim3A_393 = vector.broadcast %jit3A_391 : i32 to vector<16xi32>
          %select_n3A_394 = arith.select %or3A_389, %broadcast_in_dim3A_392, %broadcast_in_dim3A_393 : vector<16xi1>, vector<16xi32>
          %add3A_395 = arith.addi %add3A_377, %select_n3A_394 : vector<16xi32>
          %slice3A_396 = vector.extract_strided_slice %get3A_162 {offsets = [13], sizes = [1], strides = [1]} : vector<16xi32> to vector<1xi32>
          %squeeze3A_397 = vector.extract %slice3A_396[0] : i32 from vector<1xi32>
          %broadcast_in_dim3A_398 = vector.broadcast %squeeze3A_397 : i32 to vector<16xi32>
          %bitcast3A_399 = vector.bitcast %broadcast_in_dim3A_398 : vector<16xi32> to vector<16xi32>
          %slice3A_400 = vector.extract_strided_slice %get3A_166 {offsets = [13], sizes = [1], strides = [1]} : vector<16xi32> to vector<1xi32>
          %squeeze3A_401 = vector.extract %slice3A_400[0] : i32 from vector<1xi32>
          %broadcast_in_dim3A_402 = vector.broadcast %squeeze3A_401 : i32 to vector<16xi32>
          %gt3A_403 = arith.cmpi ugt, %bitcast3A_399, %bitcast3A_146 : vector<16xi32>
          %eq3A_404 = arith.cmpi eq, %bitcast3A_399, %bitcast3A_146 : vector<16xi32>
          %lt3A_405 = arith.cmpi slt, %broadcast_in_dim3A_402, %get3A_150 : vector<16xi32>
          %and3A_406 = arith.andi %eq3A_404, %lt3A_405 : vector<16xi1>
          %or3A_407 = arith.ori %gt3A_403, %and3A_406 : vector<16xi1>
          %jit3A_408 = arith.constant 1 : i32
          %jit3A_409 = arith.constant 0 : i32
          %broadcast_in_dim3A_410 = vector.broadcast %jit3A_408 : i32 to vector<16xi32>
          %broadcast_in_dim3A_411 = vector.broadcast %jit3A_409 : i32 to vector<16xi32>
          %select_n3A_412 = arith.select %or3A_407, %broadcast_in_dim3A_410, %broadcast_in_dim3A_411 : vector<16xi1>, vector<16xi32>
          %add3A_413 = arith.addi %add3A_395, %select_n3A_412 : vector<16xi32>
          %slice3A_414 = vector.extract_strided_slice %get3A_162 {offsets = [14], sizes = [1], strides = [1]} : vector<16xi32> to vector<1xi32>
          %squeeze3A_415 = vector.extract %slice3A_414[0] : i32 from vector<1xi32>
          %broadcast_in_dim3A_416 = vector.broadcast %squeeze3A_415 : i32 to vector<16xi32>
          %bitcast3A_417 = vector.bitcast %broadcast_in_dim3A_416 : vector<16xi32> to vector<16xi32>
          %slice3A_418 = vector.extract_strided_slice %get3A_166 {offsets = [14], sizes = [1], strides = [1]} : vector<16xi32> to vector<1xi32>
          %squeeze3A_419 = vector.extract %slice3A_418[0] : i32 from vector<1xi32>
          %broadcast_in_dim3A_420 = vector.broadcast %squeeze3A_419 : i32 to vector<16xi32>
          %gt3A_421 = arith.cmpi ugt, %bitcast3A_417, %bitcast3A_146 : vector<16xi32>
          %eq3A_422 = arith.cmpi eq, %bitcast3A_417, %bitcast3A_146 : vector<16xi32>
          %lt3A_423 = arith.cmpi slt, %broadcast_in_dim3A_420, %get3A_150 : vector<16xi32>
          %and3A_424 = arith.andi %eq3A_422, %lt3A_423 : vector<16xi1>
          %or3A_425 = arith.ori %gt3A_421, %and3A_424 : vector<16xi1>
          %jit3A_426 = arith.constant 1 : i32
          %jit3A_427 = arith.constant 0 : i32
          %broadcast_in_dim3A_428 = vector.broadcast %jit3A_426 : i32 to vector<16xi32>
          %broadcast_in_dim3A_429 = vector.broadcast %jit3A_427 : i32 to vector<16xi32>
          %select_n3A_430 = arith.select %or3A_425, %broadcast_in_dim3A_428, %broadcast_in_dim3A_429 : vector<16xi1>, vector<16xi32>
          %add3A_431 = arith.addi %add3A_413, %select_n3A_430 : vector<16xi32>
          %slice3A_432 = vector.extract_strided_slice %get3A_162 {offsets = [15], sizes = [1], strides = [1]} : vector<16xi32> to vector<1xi32>
          %squeeze3A_433 = vector.extract %slice3A_432[0] : i32 from vector<1xi32>
          %broadcast_in_dim3A_434 = vector.broadcast %squeeze3A_433 : i32 to vector<16xi32>
          %bitcast3A_435 = vector.bitcast %broadcast_in_dim3A_434 : vector<16xi32> to vector<16xi32>
          %slice3A_436 = vector.extract_strided_slice %get3A_166 {offsets = [15], sizes = [1], strides = [1]} : vector<16xi32> to vector<1xi32>
          %squeeze3A_437 = vector.extract %slice3A_436[0] : i32 from vector<1xi32>
          %broadcast_in_dim3A_438 = vector.broadcast %squeeze3A_437 : i32 to vector<16xi32>
          %gt3A_439 = arith.cmpi ugt, %bitcast3A_435, %bitcast3A_146 : vector<16xi32>
          %eq3A_440 = arith.cmpi eq, %bitcast3A_435, %bitcast3A_146 : vector<16xi32>
          %lt3A_441 = arith.cmpi slt, %broadcast_in_dim3A_438, %get3A_150 : vector<16xi32>
          %and3A_442 = arith.andi %eq3A_440, %lt3A_441 : vector<16xi1>
          %or3A_443 = arith.ori %gt3A_439, %and3A_442 : vector<16xi1>
          %jit3A_444 = arith.constant 1 : i32
          %jit3A_445 = arith.constant 0 : i32
          %broadcast_in_dim3A_446 = vector.broadcast %jit3A_444 : i32 to vector<16xi32>
          %broadcast_in_dim3A_447 = vector.broadcast %jit3A_445 : i32 to vector<16xi32>
          %select_n3A_448 = arith.select %or3A_443, %broadcast_in_dim3A_446, %broadcast_in_dim3A_447 : vector<16xi1>, vector<16xi32>
          %add3A_449 = arith.addi %add3A_431, %select_n3A_448 : vector<16xi32>
          scf.yield %add3A_449 : vector<16xi32>
        }
        %scan3A_156 = arith.constant 16 : i32
        tpu.vector_store_idx %arg10[%scan3A_155], %get3A_150 : memref<256xi32, #tpu.memory_space<vmem>>[vector<16xi32>], vector<16xi32>,
      }
      %scan3A_141 = arith.constant 16 : i32
      "tpu.region"() ({
        %run_scoped3A = tpu.sem_alloc : memref<!tpu.dma_semaphore, #tpu.memory_space<semaphore_mem>>
        %dma_start3A = arith.constant 0 : i32
        %dma_start3A_142 = tpu.memref_slice %arg3[%add3A_23, %dma_start3A] : memref<128x32768xf32, #tpu.memory_space<hbm>> -> memref<1x32768xf32, #tpu.memory_space<hbm>>
        %dma_start3A_143 = tpu.memref_squeeze %dma_start3A_142 : memref<1x32768xf32, #tpu.memory_space<hbm>> -> memref<32768xf32, #tpu.memory_space<hbm>>
        %dma_start3A_144 = arith.constant 0 : i32
        %dma_start3A_145 = tpu.memref_slice %arg3[%add3A_23, %dma_start3A_144] : memref<128x32768xf32, #tpu.memory_space<hbm>> -> memref<1x32768xf32, #tpu.memory_space<hbm>>
        %dma_start3A_146 = tpu.memref_squeeze %dma_start3A_145 : memref<1x32768xf32, #tpu.memory_space<hbm>> -> memref<32768xf32, #tpu.memory_space<hbm>>
        tpu.enqueue_dma source(%arg5 : memref<32768xf32, #tpu.memory_space<vmem>>) target(%dma_start3A_146 : memref<32768xf32, #tpu.memory_space<hbm>>) target_semaphore(%run_scoped3A : memref<!tpu.dma_semaphore, #tpu.memory_space<semaphore_mem>>)
        %dma_wait3A = arith.constant 0 : i32
        %dma_wait3A_147 = tpu.memref_slice %arg3[%add3A_23, %dma_wait3A] : memref<128x32768xf32, #tpu.memory_space<hbm>> -> memref<1x32768xf32, #tpu.memory_space<hbm>>
        %dma_wait3A_148 = tpu.memref_squeeze %dma_wait3A_147 : memref<1x32768xf32, #tpu.memory_space<hbm>> -> memref<32768xf32, #tpu.memory_space<hbm>>
        %dma_wait3A_149 = arith.constant 0 : i32
        %dma_wait3A_150 = tpu.memref_slice %arg3[%add3A_23, %dma_wait3A_149] : memref<128x32768xf32, #tpu.memory_space<hbm>> -> memref<1x32768xf32, #tpu.memory_space<hbm>>
        %dma_wait3A_151 = tpu.memref_squeeze %dma_wait3A_150 : memref<1x32768xf32, #tpu.memory_space<hbm>> -> memref<32768xf32, #tpu.memory_space<hbm>>
        tpu.wait_dma2 semaphore(%run_scoped3A : memref<!tpu.dma_semaphore, #tpu.memory_space<semaphore_mem>>) src(%arg5 : memref<32768xf32, #tpu.memory_space<vmem>>) dst(%dma_wait3A_151 : memref<32768xf32, #tpu.memory_space<hbm>>)
        tpu.yield
      }) : () -> ()
      "tpu.region"() ({
        %run_scoped3A = tpu.sem_alloc : memref<!tpu.dma_semaphore, #tpu.memory_space<semaphore_mem>>
        %dma_start3A = arith.constant 0 : i32
        %dma_start3A_142 = tpu.memref_slice %arg4[%add3A_23, %dma_start3A] : memref<128x256xi32, #tpu.memory_space<hbm>> -> memref<1x256xi32, #tpu.memory_space<hbm>>
        %dma_start3A_143 = tpu.memref_squeeze %dma_start3A_142 : memref<1x256xi32, #tpu.memory_space<hbm>> -> memref<256xi32, #tpu.memory_space<hbm>>
        %dma_start3A_144 = arith.constant 0 : i32
        %dma_start3A_145 = tpu.memref_slice %arg4[%add3A_23, %dma_start3A_144] : memref<128x256xi32, #tpu.memory_space<hbm>> -> memref<1x256xi32, #tpu.memory_space<hbm>>
        %dma_start3A_146 = tpu.memref_squeeze %dma_start3A_145 : memref<1x256xi32, #tpu.memory_space<hbm>> -> memref<256xi32, #tpu.memory_space<hbm>>
        tpu.enqueue_dma source(%arg10 : memref<256xi32, #tpu.memory_space<vmem>>) target(%dma_start3A_146 : memref<256xi32, #tpu.memory_space<hbm>>) target_semaphore(%run_scoped3A : memref<!tpu.dma_semaphore, #tpu.memory_space<semaphore_mem>>)
        %dma_wait3A = arith.constant 0 : i32
        %dma_wait3A_147 = tpu.memref_slice %arg4[%add3A_23, %dma_wait3A] : memref<128x256xi32, #tpu.memory_space<hbm>> -> memref<1x256xi32, #tpu.memory_space<hbm>>
        %dma_wait3A_148 = tpu.memref_squeeze %dma_wait3A_147 : memref<1x256xi32, #tpu.memory_space<hbm>> -> memref<256xi32, #tpu.memory_space<hbm>>
        %dma_wait3A_149 = arith.constant 0 : i32
        %dma_wait3A_150 = tpu.memref_slice %arg4[%add3A_23, %dma_wait3A_149] : memref<128x256xi32, #tpu.memory_space<hbm>> -> memref<1x256xi32, #tpu.memory_space<hbm>>
        %dma_wait3A_151 = tpu.memref_squeeze %dma_wait3A_150 : memref<1x256xi32, #tpu.memory_space<hbm>> -> memref<256xi32, #tpu.memory_space<hbm>>
        tpu.wait_dma2 semaphore(%run_scoped3A : memref<!tpu.dma_semaphore, #tpu.memory_space<semaphore_mem>>) src(%arg10 : memref<256xi32, #tpu.memory_space<vmem>>) dst(%dma_wait3A_151 : memref<256xi32, #tpu.memory_space<hbm>>)
        tpu.yield
      }) : () -> ()
    }
    %scan3A_19 = arith.constant 4 : i32
    return
  }
}

</mosaic_0001>

<sc_bundles>
// kernel: kernel.3.cloned.1.call-start
scs
__scs_entry_jumppad:
0x0: {  	(pc) =	sbr.rel $0x88, $3  }
0x1: {  	(tag) =	ssettag $0x0;
	lr =	simm.s32 $0x1  }
0x2: {  	[smem:$0x3FA0] =	sst lr;
	_ =	strace $0xD0000000  }
0x3: {  	_ = 	snop  }
0x4: {  	_ = 	snop  }
0x5: {  	_ = 	snop  }
0x6: {  	_ = 	snop  }
0x7: {  	_ = 	snop  }
__scs_overlays_trampoline_lowered:
0x8: {  	[smem:$0x3FAF] =	sst s0  }
0x9: {  	[smem:$0x3FB0] =	sst s1  }
0xa: {  	[smem:$0x3FB1] =	sst s2  }
0xb: {  	[smem:$0x3FB2] =	sst s3  }
0xc: {  	[smem:$0x3FB3] =	sst s4  }
0xd: {  	[smem:$0x3FB4] =	sst s5  }
0xe: {  	[smem:$0x3FB5] =	sst s6  }
0xf: {  	[smem:$0x3FB6] =	sst s7  }
0x10: {  	[smem:$0x3FB7] =	sst s8  }
0x11: {  	[smem:$0x3FB8] =	sst s9;
	s0 =	simm.s32 @!p0 $0x0  }
0x12: {  	s1 =	sld [smem:$0x3F9E];
	s0 =	simm.s32 @p0 $0x1  }
0x13: {  	[smem:$0x3FB9] =	sst s0;
	s0 =	simm.s32 @!p1 $0x0  }
0x14: {  	s2 =	sld [smem:$0x3F9D];
	s0 =	simm.s32 @p1 $0x1  }
0x15: {  	[smem:$0x3FBA] =	sst s0;
	s0 =	simm.s32 @!p2 $0x0  }
0x16: {  	s3 =	sld [smem:$0x3FDB];
	s0 =	simm.s32 @p2 $0x1  }
0x17: {  	s4 =	simm.s32 $0x1BF5;
	[smem:$0x3FBC] =	sst s0  }
0x18: {  	s0 =	sld [smem:$0x3F9F];
	_ =	swait.ge [sflag:s4], $0x0  }
0x19: {  	s7 =	sld [smem:$0x3FA0]  }
0x1a: {  	s8 =	sadd.s32 $0xFFFFE003, lr  }
0x1b: {  	s9 =	sadd.s32 $0xFFFFFEF7, lr;
	s5 =	simm.s32 $0xFFFFFFFF;
	p2 =	slt.u32 s8, $0xFFFFF086  }
0x1c: {  	p1 =	slt.u32 s9, $0xF7A;
	s5 =	simm.s32 @!p2 $0x0  }
0x1d: {  	s5 =	simm.s32 @p1 $0x1;
	p0 =	seq.s32 s7, s2  }
0x1e: {  	s7 =	smul.u32 @!p0 $0xF7A, s2;
	p2 =	seq.s32 @!p0 s5, $0x0  }
0x1f: {  	s9 =	smul.u32 $0xF7A, s1;
	s8 =	simm.s32 @!p0 $0x1BF5;
	p2 =	por !p2, p0  }
0x20: {  	[sflag:s8] =	ssyncset.s32 @!p0 $0xFFFFF086;
	s6 =	sadd.s32 @!p0 s3, s7;
	s7 =	simm.s32 @!p0 $0x108  }
0x21: {  	s3 =	sadd.s32 s3, s9;
	s6 =	sadd.s32 @!p0 $0x88, s6;
	s7 =	simm.s32 @p2 $0x1082  }
0x22: {  	[simem:s7], [sflag:s8] =	dma.local @!p0 [hbm:s6], $0xF7A  }
0x23: {  	s9 =	sor.u32 $0xD0000000, s2;
	s6 =	simm.s32 $0x108;
	_ =	swait.ge @!p0 [sflag:s8], $0x0  }
0x24: {  	s3 =	sadd.s32 $0x88, s3;
	s6 =	simm.s32 @!p1 $0x1082;
	[sflag:s4] =	ssyncset.s32 $0xFFFFF086  }
0x25: {  	[simem:s6], [sflag:s4] =	dma.local [hbm:s3], $0xF7A  }
0x26: {  	[smem:$0x3FA0] =	sst s1;
	(tag) =	ssettag s2;
	_ =	strace s9  }
0x27: {  	s1 =	sld [smem:$0x3FB0]  }
0x28: {  	s2 =	sld [smem:$0x3FB1]  }
0x29: {  	s4 =	sld [smem:$0x3FB3]  }
0x2a: {  	p0 =	seq.s32 s5, $0x0;
	s5 =	sld [smem:$0x3FB4]  }
0x2b: {  	s6 =	sld [smem:$0x3FB5]  }
0x2c: {  	s7 =	sld [smem:$0x3FB6]  }
0x2d: {  	s3 =	simm.s32 $0x108;
	s8 =	sld [smem:$0x3FB7]  }
0x2e: {  	s3 =	simm.s32 @!p0 $0x1082;
	s9 =	sld [smem:$0x3FB8]  }
0x2f: {  	lr =	sadd.s32 s0, s3;
	s0 =	sld [smem:$0x3FAF]  }
0x30: {  	s3 =	sld [smem:$0x3FB2]  }
0x31: {  	[smem:$0x3FBB] =	sst s10  }
0x32: {  	s10 =	sld [smem:$0x3FB9];
	_ =	sdelay $0x3  }
0x33: {  	p0 =	seq.s32 s10, $0x1;
	s10 =	sld [smem:$0x3FBB];
	_ =	sdelay $0x3  }
0x34: {  	[smem:$0x3FBB] =	sst s10  }
0x35: {  	s10 =	sld [smem:$0x3FBA];
	_ =	sdelay $0x3  }
0x36: {  	p1 =	seq.s32 s10, $0x1;
	s10 =	sld [smem:$0x3FBB];
	_ =	sdelay $0x3  }
0x37: {  	[smem:$0x3FBB] =	sst s10  }
0x38: {  	s10 =	sld [smem:$0x3FBC]  }
0x39: {  	_ = 	snop;
	(pc) =	sbr.ind lr, $3  }
0x3a: {  	_ = 	snop  }
0x3b: {  	_ = 	snop  }
0x3c: {  	p2 =	seq.s32 s10, $0x1;
	s10 =	sld [smem:$0x3FBB]  }
0x3d: {  	_ =	shalt  }
0x3e: {  	_ =	shalt  }
0x3f: {  	_ =	shalt  }
0x40: {  	_ =	shalt  }
0x41: {  	_ =	shalt  }
0x42: {  	_ =	shalt  }
0x43: {  	_ =	shalt  }
0x44: {  	_ =	shalt  }
0x45: {  	_ =	shalt  }
0x46: {  	_ =	shalt  }
0x47: {  	_ =	shalt  }
0x48: {  	_ =	shalt  }
0x49: {  	_ =	shalt  }
0x4a: {  	_ =	shalt  }
0x4b: {  	_ =	shalt  }
0x4c: {  	_ =	shalt  }
0x4d: {  	_ =	shalt  }
0x4e: {  	_ =	shalt  }
0x4f: {  	_ =	shalt  }
0x50: {  	_ =	shalt  }
0x51: {  	_ =	shalt  }
0x52: {  	_ =	shalt  }
0x53: {  	_ =	shalt  }
0x54: {  	_ =	shalt  }
0x55: {  	_ =	shalt  }
0x56: {  	_ =	shalt  }
0x57: {  	_ =	shalt  }
0x58: {  	_ =	shalt  }
0x59: {  	_ =	shalt  }
0x5a: {  	_ =	shalt  }
0x5b: {  	_ =	shalt  }
0x5c: {  	_ =	shalt  }
0x5d: {  	_ =	shalt  }
0x5e: {  	_ =	shalt  }
0x5f: {  	_ =	shalt  }
0x60: {  	_ =	shalt  }
0x61: {  	_ =	shalt  }
0x62: {  	_ =	shalt  }
0x63: {  	_ =	shalt  }
0x64: {  	_ =	shalt  }
0x65: {  	_ =	shalt  }
0x66: {  	_ =	shalt  }
0x67: {  	_ =	shalt  }
0x68: {  	_ =	shalt  }
0x69: {  	_ =	shalt  }
0x6a: {  	_ =	shalt  }
0x6b: {  	_ =	shalt  }
0x6c: {  	_ =	shalt  }
0x6d: {  	_ =	shalt  }
0x6e: {  	_ =	shalt  }
0x6f: {  	_ =	shalt  }
0x70: {  	_ =	shalt  }
0x71: {  	_ =	shalt  }
0x72: {  	_ =	shalt  }
0x73: {  	_ =	shalt  }
0x74: {  	_ =	shalt  }
0x75: {  	_ =	shalt  }
0x76: {  	_ =	shalt  }
0x77: {  	_ =	shalt  }
0x78: {  	_ =	shalt  }
0x79: {  	_ =	shalt  }
0x7a: {  	_ =	shalt  }
0x7b: {  	_ =	shalt  }
0x7c: {  	_ =	shalt  }
0x7d: {  	_ =	shalt  }
0x7e: {  	_ =	shalt  }
0x7f: {  	_ =	shalt  }
0x80: {  	_ =	shalt  }
0x81: {  	_ =	shalt  }
0x82: {  	_ =	shalt  }
0x83: {  	_ =	shalt  }
0x84: {  	_ =	shalt  }
0x85: {  	_ =	shalt  }
0x86: {  	_ =	shalt  }
0x87: {  	_ =	shalt  }
.Lfunc_end0:
.L_simem_size_0:
called_computation_lowered:
.L_overlay_start_0:
0x88: {  	s2 =	sld [smem:$0x3FD9]  }
0x89: {  	s3 =	sld [smem:$0x3FFE];
	_ =	sdelay $0x1  }
0x8a: {  	s1 =	srdreg.scid  }
0x8b: {  	s0 =	sand.u32 $0x1, s1  }
0x8c: {  	s15 =	sshll.u32 s0, $0xA;
	s2 =	sadd.s32 s3, s2  }
0x8d: {  	s2 =	sadd.s32 s2, s15  }
0x8e: {  	[smem:$0x3FC7] =	sst s2  }
0x8f: {  	_ = 	snop  }
0x90: {  	s2 =	sld [smem:$0x3FD0];
	_ =	sdelay $0x2  }
0x91: {  	s4 =	simm.s32 $0xA;
	s5 =	simm.s32 $0x10;
	s16 =	sld [smem:$0x3FC9]  }
0x92: {  	[smem:s5], [sflag:s4] =	dma.local [hbm:s2], $0x1  }
0x93: {  	_ =	swait.eq [sflag:s4], $0x1  }
0x94: {  	[sflag:s4] =	ssyncset.done $0x0  }
0x95: {  	s17 =	sld [smem:$0x10];
	[sflag:s4] =	ssyncadd.s32 $0xFFFFFFFF  }
0x96: {  	s18 =	sld [smem:$0x11];
	(tm) =	ssettm $0x1  }
0x97: {  	s19 =	sld [smem:$0x3FFB];
	_ =	sdelay $0x3  }
0x98: {  	_ =	strace s19  }
0x99: {  	s5 =	sld [smem:$0x3FFC];
	_ =	sdelay $0x3  }
0x9a: {  	_ =	strace s5  }
0x9b: {  	s5 =	sld [smem:$0x3FFD];
	_ =	sdelay $0x3  }
0x9c: {  	_ =	strace s5  }
0x9d: {  	_ =	strace $0x8FFFFFFF  }
0x9e: {  	s20 =	sld [smem:$0x3FDB];
	_ =	sdelay $0x1  }
0x9f: {  	s6 =	simm.s32 $_scs_section_size  }
0xa0: {  	s7 =	simm.s32 $_size__tile_overlayer_lowered;
	s8 =	simm.s32 $_tile_overlayer_lowered  }
0xa1: {  	s23 =	simm.s32 $0x1BFF;
	s22 =	sshll.u32 s8, $0x1;
	s5 =	sadd.s32 s6, s20  }
0xa2: {  	s9 =	simm.s32 $0x0;
	s21 =	sshll.u32 s7, $0x1;
	s7 =	sadd.s32 s22, s5  }
0xa3: {  	[timem:s9], [sflag:s23] =	dma.local [hbm:s7], s21  }
0xa4: {  	_ =	swait.ge [sflag:s23], s21  }
0xa5: {  	s6 =	ssub.s32 $0x0, s21;
	[sflag:s23] =	ssyncset.done $0x0  }
0xa6: {  	[sflag:s23] =	ssyncadd.s32 s6;
	_ =	sdelay $0x1  }
0xa7: {  	s24 =	simm.s32 $0x1B8B  }
0xa8: {  	_ =	swait.ge [sflag:s24], $0x1  }
0xa9: {  	[sflag:s24] =	ssyncset.done $0x0  }
0xaa: {  	s25 =	simm.s32 $0x1B8E;
	[sflag:s24] =	ssyncadd.s32 $0xFFFFFFFF  }
0xab: {  	s26 =	simm.s32 $execute0_lowered;
	[smem:$0x3FD2] =	sst s25  }
0xac: {  	s6 =	sshll.u32 s26, $0x1;
	_ =	strace $0x80000046;
	[dreg:$0x1] =	wrdreg $0xFFFFFFFF  }
0xad: {  	s28 =	simm.s32 $_size_execute0_lowered;
	s5 =	sadd.s32 s5, s6;
	[dreg:$0x0] =	wrdreg $0x0  }
0xae: {  	s6 =	sshll.u32 s28, $0x1;
	[dreg:$0x2] =	wrdreg s5  }
0xaf: {  	[dreg:$0x3] =	wrdreg s6  }
0xb0: {  	[dreg:$0x4] =	wrdreg $0xC0  }
0xb1: {  	_ =	task [dreg:s9], $0x5FFFF  }
0xb2: {  	[dreg:$0x1] =	wrdreg $0xFFFFFFFF  }
0xb3: {  	[dreg:$0x0] =	wrdreg $0x60  }
0xb4: {  	[dreg:$0x2] =	wrdreg s16  }
0xb5: {  	[dreg:$0x3] =	wrdreg s17  }
0xb6: {  	[dreg:$0x4] =	wrdreg s18  }
0xb7: {  	[dreg:$0x5] =	wrdreg $0x9  }
0xb8: {  	_ =	task.clear_ibuf [dreg:s9], $0x6FFFF;
	_ =	strace $0x90000046  }
0xb9: {  	s29 =	simm.s32 $0x9;
	_ =	strace $0x80000048  }
0xba: {  	_ =	swait.ge [sflag:s29], $0x1  }
0xbb: {  	[sflag:s29] =	ssyncadd.s32 $0xFFFFFFFF  }
0xbc: {  	_ =	strace $0x90000048  }
0xbd: {  	_ =	sfence  }
0xbe: {  	s30 =	sld [smem:$0x0];
	_ =	sdelay $0x2  }
0xbf: {  	s31 =	sshll.u32 s1, $0xD;
	s1 =	sshrl.u32 s1, $0x2  }
0xc0: {  	s3 =	sand.u32 $0x4000, s31;
	s1 =	sadd.s32 s1, s30  }
0xc1: {  	s0 =	sor.u32 s3, s0;
	s1 =	sshll.u32 s1, $0x11  }
0xc2: {  	s0 =	sor.u32 s1, s0  }
0xc3: {  	s0 =	sadd.s32 $0x8F2B, s0  }
0xc4: {  	[sflag:s0] =	ssyncadd.remote.s32 $0x1  }
0xc5: {  	_ =	sfence.sel $0xFFFF  }
0xc6: {  	[dreg:$0x0] =	wrdreg $0xFFFFFFFF;
	(pc) =	sbr.abs _section_cstart, $3  }
0xc7: {  	[dreg:$0x1] =	wrdreg $0xFFFFFFFF  }
0xc8: {  	_ =	task.clear_ibuf [dreg:s9], $0x2FFFF;
	_ =	strace $0x9FFFFFFF  }
0xc9: {  	(tm) =	ssettm $0x7FFFFFFF  }
tec
execute0_lowered:
.L_overlay_start_1:
0x0: {  	(tag) =	ssettag $0x1  }
0x1: {  	v0 =	vimm.s32 $0xEDCBA987;
	v1 =	vimm.s32 $0x6543210F  }
0x2: {  	v3 =	vimm.s32 $0xDCBA9876;
	v0 =	vunpack.c.l.s4.s8 v0;
	v1 =	vunpack.c.l.s4.s8 v1  }
0x3: {  	s0 =	rddreg [dreg:$0x0];
	v4 =	vimm.s32 $0xBA987654;
	v5 =	vimm.s32 $0xFEDCBA98;
	v6 =	vimm.s32 $0x3210FEDC  }
0x4: {  	s1 =	rddreg [dreg:$0x1];
	s2 =	srdreg.scid;
	v7 =	vimm.s32 $0x76543210;
	v2 =	vunpack.c.0.s8.s32 v0;
	v1 =	vunpack.c.0.s8.s32 v1  }
0x5: {  	s3 =	rddreg [dreg:$0x2];
	s4 =	simm.s32 $0x0;
	s31 =	stileid.u32;
	v5 =	vunpack.c.l.s4.s8 v5;
	v4 =	vunpack.c.l.s4.s8 v4;
	v6 =	vunpack.c.l.s4.s8 v6  }
0x6: {  	s10 =	simm.s32 $0x80;
	s11 =	simm.s32 $0x400;
	s12 =	simm.s32 $0x1;
	v1 =	vcombine.low v1, v2;
	v2 =	vunpack.c.l.s4.s8 v3;
	v3 =	vimm.s32 $0x543210FE  }
0x7: {  	s13 =	simm.s32 $0x8000;
	s14 =	simm.s32 $0x18100;
	s6 =	sand.u32 $0x1, s2;
	v7 =	vunpack.c.l.s4.s8 v7;
	v0 =	vimm.s32 $0x0;
	v3 =	vunpack.c.l.s4.s8 v3  }
0x8: {  	s15 =	simm.s32 $0x18280;
	s16 =	simm.s32 $0x18400;
	s7 =	ssub.s32 $0x2, s6;
	v5 =	vunpack.c.0.s8.s32 v5;
	v4 =	vunpack.c.0.s8.s32 v4;
	v6 =	vunpack.c.0.s8.s32 v6  }
0x9: {  	s17 =	simm.s32 $0x0;
	[smem:$0x7FF] =	sst s4;
	s8 =	sshrl.u32 s7, $0x1;
	v7 =	vunpack.c.0.s8.s32 v7;
	v2 =	vunpack.c.0.s8.s32 v2;
	v3 =	vunpack.c.0.s8.s32 v3  }
0xa: {  	_ =	strace $0x80000047;
	s6 =	sshll.u32 s6, $0x9;
	s9 =	ssub.s32 s7, s8;
	v8 =	vand.u32 $0xF, v5;
	v4 =	vcombine.low v6, v4;
	v5 =	vimm.s32 $0x80000000  }
0xb: {  	s7 =	sshll.u32 s31, $0x12;
	s8 =	sshll.u32 s31, $0xB;
	s9 =	smax.u32 s9, $0x1;
	v6 =	vcombine.low v8, v7;
	v2 =	vcombine.low v3, v2;
	v3 =	vlaneseq.u32  }
.LBB2_1:
0xc: {  	s18 =	simm.s32 $0x0  }
.LBB2_2:
0xd: {  	s19 =	sshll.u32 s18, $0x7  }
0xe: {  	s19 =	sadd.s32 s6, s19  }
0xf: {  	s20 =	sadd.s32 s7, s19  }
0x10: {  	s20 =	sshrl.u32 s20, $0x3  }
0x11: {  	s22 =	simm.s32 $0x0;
	s21 =	sadd.s32 s0, s20  }
0x12: {  	[tilespmem:s22], [sflag:$0x1] =	stream.strided.gather [hbm4b:s21+s10], $0x8000, s11, s10, $0x38;
	[tilespmem:$0x18500] =	vst v63  }
0x13: {  	_ =	swait.ge [sflag:s12], $0x8000  }
0x14: {  	[sflag:s12] =	ssyncset.done $0x0  }
0x15: {  	s31 =	simm.s32 $0x0;
	[sflag:s12] =	ssyncadd.s32 $0xFFFF8000  }
0x16: {  	v11 =	vld [tilespmem:s31+$0x20]  }
0x17: {  	v10 =	vld [tilespmem:s31+$0x30]  }
0x18: {  	v13 =	vld [tilespmem:s31+$0x10]  }
0x19: {  	v12 =	vld [tilespmem:s31+$0x0];
	_ =	sdelay $0x2  }
0x1a: {  	v7 =	vimm.s32 $0x0;
	v9 =	vimm.s32 $0x0  }
0x1b: {  	v8 =	vimm.s32 $0x0;
	s21 =	simm.s32 $0x100;
	v14 =	vshra.s32 v11, $0x1F;
	v15 =	vshra.s32 v10, $0x1F  }
.LBB2_3:
0x1c: {  	p0 =	sne.s32 s21, $0x1FF00;
	v16 =	vshra.s32 v12, $0x1F;
	v17 =	vshra.s32 v13, $0x1F;
	v15 =	vor.u32 $0x80000000, v15  }
0x1d: {  	v14 =	vor.u32 $0x80000000, v14;
	v16 =	vor.u32 $0x80000000, v16;
	v17 =	vor.u32 $0x80000000, v17  }
0x1e: {  	v11 =	vxor.u32 v11, v14;
	v10 =	vxor.u32 v10, v15;
	v13 =	vxor.u32 v13, v17  }
0x1f: {  	v12 =	vxor.u32 v12, v16;
	v14 =	vshrl.u32 v11, $0x1F;
	v15 =	vshrl.u32 v10, $0x1F  }
0x20: {  	vm0 =	vgt.u32 v10, $0x3FFFFFFF;
	vm1 =	vgt.u32 v10, $0xBFFFFFFF;
	v16 =	vshrl.u32 v13, $0x1F  }
0x21: {  	vm2 =	vgt.u32 v11, $0x3FFFFFFF;
	vm3 =	vgt.u32 v11, $0xBFFFFFFF;
	v17 =	vshrl.u32 v12, $0x1F  }
0x22: {  	s22 =	sshra.s32 s21, $0x2;
	vm4 =	vgt.u32 v12, $0x3FFFFFFF;
	vm5 =	vgt.u32 v13, $0x3FFFFFFF;
	vm6 =	vgt.u32 v13, $0xBFFFFFFF  }
0x23: {  	vm7 =	vgt.u32 v12, $0xBFFFFFFF;
	v18 =	vsel vm0, $0x1, v0;
	v19 =	vsel vm1, $0x1, v0;
	v10 =	vld [tilespmem:s22+$0x30]  }
0x24: {  	v21 =	vsel vm2, $0x1, v0;
	v22 =	vsel vm3, $0x1, v0;
	v20 =	vsel vm5, $0x1, v0;
	v11 =	vld [tilespmem:s22+$0x20]  }
0x25: {  	v23 =	vsel vm4, $0x1, v0;
	v24 =	vsel vm7, $0x1, v0;
	v25 =	vsel vm6, $0x1, v0;
	v13 =	vld [tilespmem:s22+$0x10]  }
.Ltmp0:
0x26: {  	v9 =	vadd.s32 v9, v17;
	v7 =	vadd.s32 v23, v7;
	v8 =	vadd.s32 v24, v8;
	v12 =	vld [tilespmem:s22+$0x0];
	(pc) =	sbr.rel @p0 .LBB2_3-.Ltmp0, $4  }
0x27: {  	v9 =	vadd.s32 v16, v9;
	v7 =	vadd.s32 v20, v7;
	v8 =	vadd.s32 v25, v8  }
0x28: {  	v9 =	vadd.s32 v14, v9;
	v7 =	vadd.s32 v21, v7;
	v8 =	vadd.s32 v22, v8  }
0x29: {  	v9 =	vadd.s32 v15, v9;
	v7 =	vadd.s32 v18, v7;
	v8 =	vadd.s32 v19, v8  }
0x2a: {  	s21 =	sadd.s32 $0x100, s21;
	v15 =	vshra.s32 v10, $0x1F;
	v14 =	vshra.s32 v11, $0x1F  }
0x2b: {  	v16 =	vshra.s32 v12, $0x1F;
	v17 =	vshra.s32 v13, $0x1F  }
0x2c: {  	v15 =	vor.u32 $0x80000000, v15;
	v14 =	vor.u32 $0x80000000, v14;
	v17 =	vor.u32 $0x80000000, v17  }
0x2d: {  	v16 =	vor.u32 $0x80000000, v16;
	v11 =	vxor.u32 v11, v14;
	v10 =	vxor.u32 v10, v15  }
0x2e: {  	v57 =	vxor.u32 v13, v17;
	v58 =	vxor.u32 v12, v16;
	v14 =	vshrl.u32 v11, $0x1F  }
0x2f: {  	v15 =	vshrl.u32 v10, $0x1F;
	vm0 =	vgt.u32 v10, $0x3FFFFFFF;
	vm1 =	vgt.u32 v10, $0xBFFFFFFF  }
0x30: {  	vm2 =	vgt.u32 v11, $0x3FFFFFFF;
	vm3 =	vgt.u32 v11, $0xBFFFFFFF;
	v59 =	vshrl.u32 v57, $0x1F  }
0x31: {  	v10 =	vshrl.u32 v58, $0x1F;
	vm4 =	vgt.u32 v58, $0x3FFFFFFF;
	vm5 =	vgt.u32 v57, $0x3FFFFFFF  }
0x32: {  	vm6 =	vgt.u32 v57, $0xBFFFFFFF;
	vm7 =	vgt.u32 v58, $0xBFFFFFFF;
	v11 =	vsel vm0, $0x1, v0  }
0x33: {  	v61 =	vsel vm2, $0x1, v0;
	v18 =	vsel vm3, $0x1, v0;
	v62 =	vsel vm4, $0x1, v0  }
0x34: {  	v60 =	vsel vm5, $0x1, v0;
	v19 =	vsel vm7, $0x1, v0;
	v7 =	vadd.s32 v62, v7  }
0x35: {  	v63 =	vsel vm6, $0x1, v0;
	v9 =	vadd.s32 v9, v10;
	v7 =	vadd.s32 v60, v7  }
0x36: {  	v8 =	vadd.s32 v19, v8;
	v9 =	vadd.s32 v59, v9;
	v7 =	vadd.s32 v61, v7  }
0x37: {  	v8 =	vadd.s32 v63, v8;
	v9 =	vadd.s32 v14, v9;
	v7 =	vadd.s32 v11, v7  }
0x38: {  	v10 =	vsel vm1, $0x1, v0;
	v8 =	vadd.s32 v18, v8;
	v9 =	vadd.s32 v15, v9;
	(xrf0) =	vadd.scan.msk.s32 $0xffff, v7  }
0x39: {  	v7 =	vadd.s32 v10, v8;
	(xrf0) =	vadd.scan.msk.s32 $0xffff, v9  }
0x3a: {  	(xrf0) =	vadd.scan.msk.s32 $0xffff, v7;
	_ =	sdelay $0x3  }
0x3b: {  	v7, _, _ =	vpop (xrf0)  }
0x3c: {  	v8, _, _ =	vpop (xrf0);
	(v2sf) =	vpush v7, $0xF  }
0x3d: {  	(v2sf) =	vpush v8, $0xF;
	v7, _, _ =	vpop (xrf0)  }
0x3e: {  	(v2sf) =	vpush v7, $0xF;
	_ =	sdelay $0xc  }
0x3f: {  	s22 =	spop (v2sf)  }
0x40: {  	s23 =	simm.s32 $0x1;
	s24 =	spop (v2sf);
	p1 =	sgt.s32 s22, $0xFF  }
0x41: {  	s25 =	spop (v2sf);
	p3 =	sgt.s32 s24, $0xFF;
	s23 =	simm.s32 @!p1 $0x0  }
0x42: {  	p2 =	sgt.s32 s25, $0xFF;
	s23 =	simm.s32 @p3 $0x2  }
0x43: {  	s23 =	simm.s32 @p2 $0x3  }
0x44: {  	s21 =	sshll.u32 s23, $0x1E  }
0x45: {  	s26 =	simm.s32 $0x20;
	v7 =	vimm.s32 $0x0;
	v8 =	vmov s21;
	s21 =	simm.s32 $0x0  }
.LBB2_5:
0x46: {  	v9 =	vld [tilespmem:s26+$0xFFFFFFE0];
	_ =	sdelay $0x4  }
0x47: {  	v10 =	vshra.s32 v9, $0x1F  }
0x48: {  	v10 =	vor.u32 $0x80000000, v10  }
0x49: {  	v9 =	vxor.u32 v9, v10  }
0x4a: {  	vm0 =	vge.u32 v9, v8;
	v9 =	vshll.u32 v7, $0x4  }
0x4b: {  	v9 =	vor.u32 v3, v9;
	_ =	sdelay $0x3  }
0x4c: {  	v10 =	vor.u32 s21, v3  }
0x4d: {  	[tilespmem:v9+s13+$0x0] =	vst.idx.msk vm0, v10  }
0x4e: {  	v9 =	vld [tilespmem:s26+$0xFFFFFFF0];
	_ =	sdelay $0x4  }
0x4f: {  	v10 =	vshra.s32 v9, $0x1F  }
0x50: {  	v11 =	vsel vm0, $0x1, v0;
	v10 =	vor.u32 $0x80000000, v10  }
0x51: {  	v7 =	vadd.s32 v11, v7;
	v9 =	vxor.u32 v9, v10  }
0x52: {  	vm13 =	vge.u32 v9, v8;
	v9 =	vshll.u32 v7, $0x4  }
0x53: {  	v9 =	vor.u32 v3, v9;
	_ =	sdelay $0x2  }
0x54: {  	s28 =	sadd.s32 $0x10, s21  }
0x55: {  	v10 =	vor.u32 s28, v3  }
0x56: {  	[tilespmem:v9+s13+$0x0] =	vst.idx.msk vm13, v10  }
0x57: {  	v9 =	vld [tilespmem:s26+$0x0];
	_ =	sdelay $0x4  }
0x58: {  	v10 =	vshra.s32 v9, $0x1F  }
0x59: {  	v11 =	vsel vm13, $0x1, v0;
	v10 =	vor.u32 $0x80000000, v10  }
0x5a: {  	v7 =	vadd.s32 v11, v7;
	v9 =	vxor.u32 v9, v10  }
0x5b: {  	vm14 =	vge.u32 v9, v8;
	v9 =	vshll.u32 v7, $0x4  }
0x5c: {  	v9 =	vor.u32 v3, v9;
	_ =	sdelay $0x2  }
0x5d: {  	s30 =	sadd.s32 $0x20, s21  }
0x5e: {  	v10 =	vor.u32 s30, v3  }
0x5f: {  	[tilespmem:v9+s13+$0x0] =	vst.idx.msk vm14, v10  }
0x60: {  	v9 =	vld [tilespmem:s26+$0x10];
	_ =	sdelay $0x4  }
0x61: {  	v10 =	vshra.s32 v9, $0x1F  }
0x62: {  	v11 =	vsel vm14, $0x1, v0;
	v10 =	vor.u32 $0x80000000, v10  }
0x63: {  	v7 =	vadd.s32 v11, v7;
	v9 =	vxor.u32 v9, v10  }
0x64: {  	vm15 =	vge.u32 v9, v8;
	v9 =	vshll.u32 v7, $0x4  }
0x65: {  	p0 =	sne.s32 s21, $0x7FC0;
	v9 =	vor.u32 v3, v9  }
.Ltmp1:
0x66: {  	_ = 	snop;
	(pc) =	sbr.rel @p0 .LBB2_5-.Ltmp1, $4  }
0x67: {  	_ = 	snop  }
0x68: {  	s31 =	sadd.s32 $0x30, s21  }
0x69: {  	v10 =	vor.u32 s31, v3;
	v11 =	vsel vm15, $0x1, v0  }
0x6a: {  	s21 =	sadd.s32 $0x40, s21;
	s26 =	sadd.s32 $0x40, s26;
	v7 =	vadd.s32 v11, v7;
	[tilespmem:v9+s13+$0x0] =	vst.idx.msk vm15, v10  }
0x6b: {  	v8 =	vxor.u32 $0x80000000, v7  }
0x6c: {  	(xrf0) =	vmax.scan.msk.u32 $0xffff, v8;
	_ =	sdelay $0x5  }
0x6d: {  	v8, _, _ =	vpop (xrf0)  }
0x6e: {  	(v2sf) =	vpush v8, $0xF;
	_ =	sdelay $0xe  }
0x6f: {  	s21 =	spop (v2sf)  }
0x70: {  	s21 =	sxor.u32 $0x80000000, s21  }
0x71: {  	p0 =	slt.s32 s21, $0x1  }
.Ltmp2:
0x72: {  	_ = 	snop;
	(pc) =	sbr.rel @p0 .LBB2_9-.Ltmp2, $1  }
0x73: {  	_ =	sdelay $0x3  }
0x74: {  	s26 =	simm.s32 $0x8000  }
0x75: {  	v8 =	vld [tilespmem:s26+$0x0]  }
0x76: {  	s31 =	simm.s32 $0x0  }
0x77: {  	vm0 =	vgt.s32 v7, s31;
	_ =	sdelay $0x5  }
0x78: {  	v8 =	vld.idx.msk [tilespmem:v8+s4+$0x0], vm0;
	_ =	sdelay $0x2  }
0x79: {  	p4 =	sne.s32 s21, $0x1  }
.Ltmp3:
0x7a: {  	_ = 	snop;
	(pc) =	sbr.rel @!p4 .LBB2_9-.Ltmp3, $4  }
0x7b: {  	v9 =	vshra.s32 v8, $0x1F  }
0x7c: {  	v9 =	vor.u32 $0x80000000, v9  }
0x7d: {  	s26 =	simm.s32 $0x10080;
	v8 =	vxor.u32 v8, v9  }
0x7e: {  	s28 =	simm.s32 $0x1;
	s29 =	simm.s32 $0x8010;
	[tilespmem:s26+$0x0] =	vst v8  }
.LBB2_8:
0x7f: {  	v8 =	vld [tilespmem:s29+$0x0];
	s30 =	smov.u32 s28;
	s28 =	sadd.s32 $0x1, s28  }
0x80: {  	p4 =	sne.s32 s21, s28  }
0x81: {  	vm0 =	vgt.s32 v7, s30;
	_ =	sdelay $0x5  }
0x82: {  	v8 =	vld.idx.msk [tilespmem:v8+s4+$0x0], vm0;
	_ =	sdelay $0x4  }
.Ltmp4:
0x83: {  	(pc) =	sbr.rel @p4 .LBB2_8-.Ltmp4, $4  }
0x84: {  	v9 =	vshra.s32 v8, $0x1F  }
0x85: {  	v9 =	vor.u32 $0x80000000, v9  }
0x86: {  	s26 =	sadd.s32 $0x10, s26;
	v8 =	vxor.u32 v8, v9  }
0x87: {  	s29 =	sadd.s32 $0x10, s29;
	[tilespmem:s26+$0x0] =	vst v8  }
.LBB2_9:
.Ltmp5:
0x88: {  	(pc) =	sbr.rel .LBB2_10-.Ltmp5, $4  }
0x89: {  	s22 =	smov.u32 @p1 s24  }
0x8a: {  	s22 =	smov.u32 @p3 s25  }
0x8b: {  	s22 =	ssub.s32 $0x100, s22  }
0x8c: {  	s24 =	simm.s32 $0x0;
	s22 =	simm.s32 @p2 $0x100  }
.LBB2_11:
0x8d: {  	v9 =	vimm.s32 $0x0  }
0x8e: {  	v10 =	vimm.s32 $0x0;
	v11 =	vimm.s32 $0x0;
	v12 =	vimm.s32 $0x0  }
0x8f: {  	v13 =	vimm.s32 $0x0;
	v14 =	vimm.s32 $0x0;
	v8 =	vimm.s32 $0x0  }
.LBB2_15:
0x90: {  	(xrf0) =	vadd.scan.msk.s32 $0xffff, v9  }
0x91: {  	(xrf0) =	vadd.scan.msk.s32 $0xffff, v10  }
0x92: {  	(xrf0) =	vadd.scan.msk.s32 $0xffff, v11  }
0x93: {  	(xrf0) =	vadd.scan.msk.s32 $0xffff, v12;
	_ =	sdelay $0x1  }
0x94: {  	(xrf0) =	vadd.scan.msk.s32 $0xffff, v13  }
0x95: {  	(xrf0) =	vadd.scan.msk.s32 $0xffff, v14;
	v9, _, _ =	vpop (xrf0)  }
0x96: {  	(xrf0) =	vadd.scan.msk.s32 $0xffff, v8;
	v8, _, _ =	vpop (xrf0);
	(v2sf) =	vpush v9, $0xF  }
0x97: {  	v62, _, _ =	vpop (xrf0);
	(v2sf) =	vpush v8, $0xF  }
0x98: {  	v8, _, _ =	vpop (xrf0);
	(v2sf) =	vpush v62, $0xF  }
0x99: {  	(v2sf) =	vpush v8, $0xF  }
0x9a: {  	v63, _, _ =	vpop (xrf0)  }
0x9b: {  	v8, _, _ =	vpop (xrf0);
	(v2sf) =	vpush v63, $0xF  }
0x9c: {  	(v2sf) =	vpush v8, $0xF;
	v8, _, _ =	vpop (xrf0)  }
0x9d: {  	(v2sf) =	vpush v8, $0xF;
	_ =	sdelay $0x7  }
0x9e: {  	s25 =	spop (v2sf)  }
0x9f: {  	s2 =	simm.s32 $0x1;
	s26 =	spop (v2sf);
	p1 =	sge.s32 s25, s22  }
0xa0: {  	s24 =	sadd.s32 $0x1, s24;
	s28 =	spop (v2sf);
	s2 =	simm.s32 @!p1 $0x0  }
0xa1: {  	p2 =	slt.s32 s26, s22;
	s25 =	smov.u32 @p1 s26;
	s29 =	spop (v2sf)  }
0xa2: {  	s2 =	simm.s32 @!p2 $0x2;
	p1 =	slt.s32 s28, s22;
	s28 =	smov.u32 @p2 s25  }
0xa3: {  	s30 =	spop (v2sf);
	s2 =	simm.s32 @!p1 $0x3;
	p2 =	slt.s32 s29, s22  }
0xa4: {  	s29 =	smov.u32 @p1 s28;
	s31 =	spop (v2sf);
	s2 =	simm.s32 @!p2 $0x4  }
0xa5: {  	p1 =	slt.s32 s30, s22;
	s30 =	smov.u32 @p2 s29;
	s5 =	spop (v2sf)  }
0xa6: {  	s2 =	simm.s32 @!p1 $0x5;
	p2 =	slt.s32 s31, s22;
	s31 =	smov.u32 @p1 s30  }
0xa7: {  	s2 =	simm.s32 @!p2 $0x6;
	p1 =	slt.s32 s5, s22;
	s5 =	smov.u32 @p2 s31  }
0xa8: {  	s2 =	simm.s32 @!p1 $0x7;
	s5 =	simm.s32 @!p1 $0x0;
	p1 =	sne.s32 s24, $0xA  }
.Ltmp6:
0xa9: {  	_ = 	snop;
	(pc) =	sbr.rel @!p1 .LBB2_16-.Ltmp6, $3  }
0xaa: {  	_ =	sdelay $0x1  }
0xab: {  	s23 =	sshll.u32 s23, $0x3  }
0xac: {  	s22 =	ssub.s32 s22, s5;
	s23 =	sor.u32 s23, s2  }
.LBB2_10:
.Ltmp7:
0xad: {  	(pc) =	sbr.rel @p0 .LBB2_11-.Ltmp7, $1  }
0xae: {  	_ =	sdelay $0x3  }
0xaf: {  	s25 =	simm.s32 $0x10080  }
0xb0: {  	v8 =	vld [tilespmem:s25+$0x0]  }
0xb1: {  	s30 =	smul.u32 $0x3, s24;
	_ =	sdelay $0x1  }
0xb2: {  	v12 =	vmov s23;
	v14 =	vimm.s32 $0x0;
	s26 =	ssub.s32 $0x1E, s30  }
0xb3: {  	v15 =	vimm.s32 $0x0;
	v16 =	vimm.s32 $0x0;
	s25 =	ssub.s32 $0x1B, s30;
	v9 =	vmov s26  }
0xb4: {  	s31 =	simm.s32 $0x0;
	v17 =	vimm.s32 $0x0;
	v10 =	vmov s25;
	v11 =	vshrl.u32 v8, v9  }
0xb5: {  	vm0 =	vgt.s32 v7, s31;
	v8 =	vshrl.u32 v8, v10;
	vm1 =	veq.s32 v11, v12  }
0xb6: {  	p1 =	sne.s32 s21, $0x1;
	v8 =	vand.u32 $0x7, v8;
	v11 =	vimm.s32 $0x0;
	vm0 =	vmand vm0, vm1  }
.Ltmp8:
0xb7: {  	vm2 =	vne.s32 v8, $0x0;
	vm1 =	veq.s32 v8, $0x7;
	vm3 =	vgt.u32 v8, $0x1;
	(pc) =	sbr.rel @!p1 .LBB2_14-.Ltmp8, $4  }
0xb8: {  	vm5 =	vgt.u32 v8, $0x2;
	vm7 =	vgt.u32 v8, $0x3;
	vm4 =	vmand vm0, vm1  }
0xb9: {  	vm1 =	vgt.u32 v8, $0x4;
	vm6 =	vmand vm0, vm2;
	vm2 =	vmand vm0, vm3  }
0xba: {  	vm3 =	vmand vm0, vm5;
	vm5 =	vmand vm0, vm7;
	v13 =	vsel vm4, $0x1, v0  }
0xbb: {  	s25 =	simm.s32 $0x1;
	s26 =	simm.s32 $0x10090;
	vm4 =	vgt.u32 v8, $0x5;
	v8 =	vadd.s32 v13, v11;
	v13 =	vimm.s32 $0x0  }
.LBB2_13:
0xbc: {  	v18 =	vld [tilespmem:s26+$0x0];
	v19 =	vsel vm6, $0x1, v0;
	vm1 =	vmand vm0, vm1;
	vm0 =	vmand vm0, vm4;
	s28 =	smov.u32 s25;
	s25 =	sadd.s32 $0x1, s25  }
0xbd: {  	v20 =	vsel vm2, $0x1, v0;
	v21 =	vsel vm3, $0x1, v0;
	v22 =	vsel vm5, $0x1, v0;
	p1 =	sne.s32 s21, s25  }
0xbe: {  	v11 =	vadd.s32 v19, v11;
	v19 =	vsel vm1, $0x1, v0;
	v23 =	vsel vm0, $0x1, v0  }
0xbf: {  	v13 =	vadd.s32 v20, v13;
	v14 =	vadd.s32 v21, v14;
	v15 =	vadd.s32 v22, v15  }
0xc0: {  	v16 =	vadd.s32 v19, v16;
	v17 =	vadd.s32 v23, v17  }
0xc1: {  	v19 =	vshrl.u32 v18, v9;
	v18 =	vshrl.u32 v18, v10  }
0xc2: {  	vm0 =	vgt.s32 v7, s28;
	vm1 =	veq.s32 v19, v12;
	v18 =	vand.u32 $0x7, v18  }
.Ltmp9:
0xc3: {  	vm0 =	vmand vm0, vm1;
	vm2 =	vne.s32 v18, $0x0;
	vm1 =	veq.s32 v18, $0x7;
	(pc) =	sbr.rel @p1 .LBB2_13-.Ltmp9, $4  }
0xc4: {  	vm3 =	vgt.u32 v18, $0x1;
	vm5 =	vgt.u32 v18, $0x2;
	vm4 =	vmand vm0, vm1  }
0xc5: {  	vm7 =	vgt.u32 v18, $0x3;
	vm1 =	vgt.u32 v18, $0x4;
	v19 =	vsel vm4, $0x1, v0  }
0xc6: {  	vm6 =	vmand vm0, vm2;
	vm4 =	vgt.u32 v18, $0x5;
	v8 =	vadd.s32 v19, v8  }
0xc7: {  	s26 =	sadd.s32 $0x10, s26;
	vm2 =	vmand vm0, vm3;
	vm3 =	vmand vm0, vm5;
	vm5 =	vmand vm0, vm7  }
.LBB2_14:
.Ltmp10:
0xc8: {  	v9 =	vsel vm6, $0x1, v0;
	vm1 =	vmand vm0, vm1;
	(pc) =	sbr.rel .LBB2_15-.Ltmp10, $4  }
0xc9: {  	vm15 =	vmand vm0, vm4;
	v10 =	vsel vm2, $0x1, v0;
	v12 =	vsel vm3, $0x1, v0  }
0xca: {  	v18 =	vsel vm5, $0x1, v0;
	v9 =	vadd.s32 v9, v11;
	v19 =	vsel vm1, $0x1, v0  }
0xcb: {  	v20 =	vsel vm15, $0x1, v0;
	v10 =	vadd.s32 v10, v13;
	v11 =	vadd.s32 v12, v14  }
0xcc: {  	v12 =	vadd.s32 v18, v15;
	v13 =	vadd.s32 v19, v16;
	v14 =	vadd.s32 v20, v17  }
.LBB2_16:
0xcd: {  	p1 =	sne.s32 s23, $0x7FFFFFFF  }
.Ltmp11:
0xce: {  	_ = 	snop;
	(pc) =	sbr.rel @p1 .LBB2_20-.Ltmp11, $4  }
0xcf: {  	v8 =	vmov s23  }
0xd0: {  	vm0 =	vgt.s32 v8, $0xFFFFFFFF  }
0xd1: {  	v9 =	vsel vm0, $0xFFFFFFFF, v5  }
0xd2: {  	v9 =	vxor.u32 s23, v9;
	s23 =	simm.s32 $0x0  }
0xd3: {  	v14 =	vld [tilespmem:s23+$0x30];
	_ =	sdelay $0x2  }
0xd4: {  	v12 =	vld [tilespmem:s23+$0x20]  }
0xd5: {  	v10 =	vld [tilespmem:s23+$0x0]  }
0xd6: {  	v11 =	vshra.s32 v14, $0x1F  }
0xd7: {  	v11 =	vor.u32 $0x80000000, v11  }
0xd8: {  	v11 =	vxor.u32 v14, v11  }
0xd9: {  	v13 =	vshra.s32 v12, $0x1F;
	vm1 =	vgt.u32 v11, v8;
	v11 =	vld [tilespmem:s23+$0x10]  }
0xda: {  	v15 =	vshra.s32 v10, $0x1F;
	v13 =	vor.u32 $0x80000000, v13  }
0xdb: {  	v15 =	vor.u32 $0x80000000, v15;
	v16 =	vxor.u32 v12, v13  }
0xdc: {  	s25 =	simm.s32 $0x100;
	s24 =	simm.s32 $0x200;
	v13 =	vxor.u32 v10, v15;
	vm0 =	vgt.u32 v16, v8;
	v14 =	vnsel vm1, $0xCE6E6B28, v14  }
.LBB2_18:
0xdd: {  	p1 =	seq.s32 s24, $0x1FF00  }
0xde: {  	s2 =	sshra.s32 s25, $0x2;
	vm1 =	vgt.u32 v13, v8;
	v13 =	vshra.s32 v11, $0x1F;
	v12 =	vnsel vm0, $0xCE6E6B28, v12;
	[tilespmem:s23+$0x30] =	vst v14;
	s25 =	smov.u32 s24;
	s24 =	sadd.s32 $0x100, s24  }
0xdf: {  	v14 =	vld [tilespmem:s2+$0x30];
	v10 =	vnsel vm1, $0xCE6E6B28, v10;
	v13 =	vor.u32 $0x80000000, v13;
	[tilespmem:s23+$0x20] =	vst v12  }
0xe0: {  	v12 =	vld [tilespmem:s2+$0x20];
	[tilespmem:s23+$0x0] =	vst v10;
	v13 =	vxor.u32 v11, v13  }
0xe1: {  	v10 =	vld [tilespmem:s2+$0x0];
	vm0 =	vgt.u32 v13, v8  }
0xe2: {  	v11 =	vnsel vm0, $0xCE6E6B28, v11  }
0xe3: {  	[tilespmem:s23+$0x10] =	vst v11;
	s23 =	smov.u32 s2  }
.Ltmp12:
0xe4: {  	v11 =	vld [tilespmem:s23+$0x10];
	v13 =	vshra.s32 v14, $0x1F;
	(pc) =	sbr.rel @!p1 .LBB2_18-.Ltmp12, $4  }
0xe5: {  	v15 =	vshra.s32 v12, $0x1F;
	v13 =	vor.u32 $0x80000000, v13  }
0xe6: {  	v16 =	vshra.s32 v10, $0x1F;
	v15 =	vor.u32 $0x80000000, v15;
	v13 =	vxor.u32 v14, v13  }
0xe7: {  	v16 =	vor.u32 $0x80000000, v16;
	v15 =	vxor.u32 v12, v15;
	vm1 =	vgt.u32 v13, v8  }
0xe8: {  	v13 =	vxor.u32 v10, v16;
	vm0 =	vgt.u32 v15, v8;
	v14 =	vnsel vm1, $0xCE6E6B28, v14  }
0xe9: {  	v56 =	vshra.s32 v11, $0x1F  }
0xea: {  	s2 =	sshra.s32 s25, $0x2;
	[tilespmem:s23+$0x30] =	vst v14;
	v12 =	vnsel vm0, $0xCE6E6B28, v12;
	vm11 =	vgt.u32 v13, v8;
	v57 =	vor.u32 $0x80000000, v56  }
0xeb: {  	v15 =	vld [tilespmem:s2+$0x30];
	[tilespmem:s23+$0x20] =	vst v12;
	v10 =	vnsel vm11, $0xCE6E6B28, v10;
	v13 =	vxor.u32 v11, v57  }
0xec: {  	v12 =	vld [tilespmem:s2+$0x20];
	[tilespmem:s23+$0x0] =	vst v10;
	vm12 =	vgt.u32 v13, v8  }
0xed: {  	v10 =	vld [tilespmem:s2+$0x0];
	v11 =	vnsel vm12, $0xCE6E6B28, v11  }
0xee: {  	[tilespmem:s23+$0x10] =	vst v11  }
0xef: {  	v11 =	vld [tilespmem:s2+$0x10]  }
0xf0: {  	v58 =	vshra.s32 v15, $0x1F  }
0xf1: {  	v13 =	vor.u32 $0x80000000, v58  }
0xf2: {  	v59 =	vshra.s32 v12, $0x1F;
	v16 =	vshra.s32 v10, $0x1F;
	v13 =	vxor.u32 v15, v13  }
0xf3: {  	v14 =	vor.u32 $0x80000000, v59;
	v16 =	vor.u32 $0x80000000, v16;
	vm13 =	vgt.u32 v13, v8  }
0xf4: {  	v60 =	vxor.u32 v12, v14;
	v61 =	vnsel vm13, $0xCE6E6B28, v15;
	v62 =	vshra.s32 v11, $0x1F  }
.Ltmp13:
0xf5: {  	v16 =	vxor.u32 v10, v16;
	vm14 =	vgt.u32 v60, v8;
	v63 =	vor.u32 $0x80000000, v62;
	(pc) =	sbr.rel .LBB2_23-.Ltmp13, $4  }
0xf6: {  	vm1 =	vgt.u32 v16, v8;
	v12 =	vnsel vm14, $0xCE6E6B28, v12;
	[tilespmem:s2+$0x30] =	vst v61;
	v13 =	vxor.u32 v11, v63  }
0xf7: {  	v10 =	vnsel vm1, $0xCE6E6B28, v10;
	[tilespmem:s2+$0x20] =	vst v12;
	vm15 =	vgt.u32 v13, v8  }
0xf8: {  	[tilespmem:s2+$0x0] =	vst v10;
	v10 =	vnsel vm15, $0xCE6E6B28, v11  }
0xf9: {  	[tilespmem:s2+$0x10] =	vst v10  }
.LBB2_20:
0xfa: {  	v12 =	vld [tilespmem:s23+$0x0]  }
0xfb: {  	v11 =	vld [tilespmem:s23+$0x10]  }
0xfc: {  	v10 =	vld [tilespmem:s23+$0x20];
	s24 =	simm.s32 $0x100  }
.LBB2_21:
0xfd: {  	p1 =	sne.s32 s24, $0x1FF00;
	v13 =	vld [tilespmem:s23+$0x30];
	_ =	sdelay $0x1  }
0xfe: {  	vm0 =	vgt.f32 v12, v9  }
.Ltmp14:
0xff: {  	v12 =	vnsel vm0, $0xCE6E6B28, v12;
	vm0 =	vgt.f32 v11, v9;
	(pc) =	sbr.rel @p1 .LBB2_21-.Ltmp14, $4  }
0x100: {  	s2 =	sshra.s32 s24, $0x2;
	[tilespmem:s23+$0x0] =	vst v12;
	v11 =	vnsel vm0, $0xCE6E6B28, v11;
	vm0 =	vgt.f32 v10, v9  }
0x101: {  	v12 =	vld [tilespmem:s2+$0x0];
	[tilespmem:s23+$0x10] =	vst v11;
	v10 =	vnsel vm0, $0xCE6E6B28, v10;
	vm0 =	vgt.f32 v13, v9  }
0x102: {  	v11 =	vld [tilespmem:s2+$0x10];
	[tilespmem:s23+$0x20] =	vst v10;
	v13 =	vnsel vm0, $0xCE6E6B28, v13  }
0x103: {  	s24 =	sadd.s32 $0x100, s24;
	v10 =	vld [tilespmem:s2+$0x20];
	[tilespmem:s23+$0x30] =	vst v13;
	s23 =	smov.u32 s2  }
0x104: {  	v13 =	vld [tilespmem:s23+$0x30];
	_ =	sdelay $0x1  }
0x105: {  	vm0 =	vgt.f32 v12, v9  }
0x106: {  	v12 =	vnsel vm0, $0xCE6E6B28, v12;
	vm13 =	vgt.f32 v11, v9  }
0x107: {  	[tilespmem:s23+$0x0] =	vst v12;
	v11 =	vnsel vm13, $0xCE6E6B28, v11;
	vm14 =	vgt.f32 v10, v9  }
0x108: {  	[tilespmem:s23+$0x10] =	vst v11;
	v10 =	vnsel vm14, $0xCE6E6B28, v10;
	vm15 =	vgt.f32 v13, v9  }
0x109: {  	[tilespmem:s23+$0x20] =	vst v10;
	v10 =	vnsel vm15, $0xCE6E6B28, v13  }
0x10a: {  	[tilespmem:s23+$0x30] =	vst v10  }
.LBB2_23:
.Ltmp15:
0x10b: {  	(pc) =	sbr.rel .LBB2_24-.Ltmp15, $2  }
0x10c: {  	_ =	sdelay $0x2  }
0x10d: {  	s23 =	simm.s32 $0x0;
	s24 =	simm.s32 $0x0  }
.LBB2_25:
0x10e: {  	v11 =	vimm.s32 $0x0  }
0x10f: {  	v12 =	vimm.s32 $0x0;
	v13 =	vimm.s32 $0x0;
	v14 =	vimm.s32 $0x0  }
0x110: {  	v15 =	vimm.s32 $0x0;
	v16 =	vimm.s32 $0x0;
	v10 =	vimm.s32 $0x0  }
.LBB2_29:
0x111: {  	(xrf0) =	vadd.scan.msk.s32 $0xffff, v11  }
0x112: {  	(xrf0) =	vadd.scan.msk.s32 $0xffff, v12  }
0x113: {  	(xrf0) =	vadd.scan.msk.s32 $0xffff, v13  }
0x114: {  	(xrf0) =	vadd.scan.msk.s32 $0xffff, v14;
	_ =	sdelay $0x1  }
0x115: {  	(xrf0) =	vadd.scan.msk.s32 $0xffff, v15  }
0x116: {  	(xrf0) =	vadd.scan.msk.s32 $0xffff, v16;
	v11, _, _ =	vpop (xrf0)  }
0x117: {  	(xrf0) =	vadd.scan.msk.s32 $0xffff, v10;
	v10, _, _ =	vpop (xrf0);
	(v2sf) =	vpush v11, $0xF  }
0x118: {  	v11, _, _ =	vpop (xrf0);
	(v2sf) =	vpush v10, $0xF  }
0x119: {  	v10, _, _ =	vpop (xrf0);
	(v2sf) =	vpush v11, $0xF  }
0x11a: {  	(v2sf) =	vpush v10, $0xF  }
0x11b: {  	v11, _, _ =	vpop (xrf0)  }
0x11c: {  	v10, _, _ =	vpop (xrf0);
	(v2sf) =	vpush v11, $0xF  }
0x11d: {  	(v2sf) =	vpush v10, $0xF;
	v10, _, _ =	vpop (xrf0)  }
0x11e: {  	(v2sf) =	vpush v10, $0xF;
	_ =	sdelay $0x7  }
0x11f: {  	s2 =	spop (v2sf)  }
0x120: {  	s30 =	simm.s32 $0x1;
	s5 =	spop (v2sf);
	p1 =	sge.s32 s2, s22  }
0x121: {  	s24 =	sadd.s32 $0x1, s24;
	s25 =	spop (v2sf);
	s30 =	simm.s32 @!p1 $0x0  }
0x122: {  	p2 =	slt.s32 s5, s22;
	s2 =	smov.u32 @p1 s5;
	s26 =	spop (v2sf)  }
0x123: {  	s30 =	simm.s32 @!p2 $0x2;
	p1 =	slt.s32 s25, s22;
	s25 =	smov.u32 @p2 s2  }
0x124: {  	s28 =	spop (v2sf);
	s30 =	simm.s32 @!p1 $0x3;
	p2 =	slt.s32 s26, s22  }
0x125: {  	s26 =	smov.u32 @p1 s25;
	s29 =	spop (v2sf);
	s30 =	simm.s32 @!p2 $0x4  }
0x126: {  	p1 =	slt.s32 s28, s22;
	s28 =	smov.u32 @p2 s26;
	s31 =	spop (v2sf)  }
0x127: {  	s30 =	simm.s32 @!p1 $0x5;
	p2 =	slt.s32 s29, s22;
	s29 =	smov.u32 @p1 s28  }
0x128: {  	s30 =	simm.s32 @!p2 $0x6;
	p1 =	slt.s32 s31, s22;
	s31 =	smov.u32 @p2 s29  }
0x129: {  	s30 =	simm.s32 @!p1 $0x7;
	s31 =	simm.s32 @!p1 $0x0;
	p1 =	sne.s32 s24, $0x5  }
.Ltmp16:
0x12a: {  	_ = 	snop;
	(pc) =	sbr.rel @!p1 .LBB2_30-.Ltmp16, $3  }
0x12b: {  	_ =	sdelay $0x1  }
0x12c: {  	s29 =	sshll.u32 s23, $0x3  }
0x12d: {  	s23 =	sor.u32 s29, s30;
	s22 =	ssub.s32 s22, s31  }
.LBB2_24:
.Ltmp17:
0x12e: {  	(pc) =	sbr.rel @p0 .LBB2_25-.Ltmp17, $1  }
0x12f: {  	_ =	sdelay $0x3  }
0x130: {  	s2 =	simm.s32 $0x8000  }
0x131: {  	v10 =	vld [tilespmem:s2+$0x0]  }
0x132: {  	s25 =	simm.s32 $0x10080  }
0x133: {  	s30 =	smul.u32 $0x3, s24;
	v12 =	vld [tilespmem:s25+$0x0]  }
0x134: {  	v13 =	vmov s23;
	v16 =	vimm.s32 $0x0  }
0x135: {  	v17 =	vimm.s32 $0x0;
	v18 =	vimm.s32 $0x0;
	v19 =	vimm.s32 $0x0;
	s5 =	sxor.u32 $0xF, s30;
	s2 =	ssub.s32 $0xC, s30  }
0x136: {  	s31 =	simm.s32 $0x0;
	v11 =	vmov s5;
	v14 =	vmov s2;
	v10 =	vsub.s32 $0x7FFF, v10  }
0x137: {  	vm2 =	vgt.s32 v7, s31;
	v15 =	vshra.s32 v10, v11;
	v10 =	vshra.s32 v10, v14  }
0x138: {  	p1 =	sne.s32 s21, $0x1;
	vm0 =	veq.s32 v12, v8;
	vm1 =	veq.s32 v15, v13;
	v10 =	vand.u32 $0x7, v10  }
.Ltmp18:
0x139: {  	v12 =	vimm.s32 $0x0;
	vm0 =	vmand vm0, vm1;
	vm4 =	vne.s32 v10, $0x0;
	(pc) =	sbr.rel @!p1 .LBB2_28-.Ltmp18, $4  }
0x13a: {  	vm1 =	veq.s32 v10, $0x7;
	vm3 =	vgt.u32 v10, $0x2;
	vm0 =	vmand vm0, vm2  }
0x13b: {  	vm5 =	vgt.u32 v10, $0x3;
	vm2 =	vgt.u32 v10, $0x1;
	vm6 =	vmand vm0, vm1  }
0x13c: {  	vm1 =	vgt.u32 v10, $0x4;
	v15 =	vsel vm6, $0x1, v0;
	vm6 =	vmand vm0, vm4  }
0x13d: {  	s26 =	simm.s32 $0x1;
	s28 =	simm.s32 $0x8010;
	vm4 =	vgt.u32 v10, $0x5;
	v10 =	vadd.s32 v15, v12;
	v15 =	vimm.s32 $0x0  }
.LBB2_27:
0x13e: {  	v20 =	vld [tilespmem:s28+$0x0];
	vm2 =	vmand vm0, vm2;
	vm3 =	vmand vm0, vm3;
	vm5 =	vmand vm0, vm5;
	s2 =	smov.u32 s26;
	s26 =	sadd.s32 $0x1, s26  }
0x13f: {  	v21 =	vsel vm6, $0x1, v0;
	vm1 =	vmand vm0, vm1;
	vm0 =	vmand vm0, vm4;
	s25 =	sadd.s32 $0x10, s25;
	p1 =	sne.s32 s21, s26  }
0x140: {  	v23 =	vsel vm2, $0x1, v0;
	v24 =	vsel vm3, $0x1, v0;
	v25 =	vsel vm5, $0x1, v0;
	v22 =	vld [tilespmem:s25+$0x0]  }
0x141: {  	v12 =	vadd.s32 v21, v12;
	v21 =	vsel vm1, $0x1, v0;
	v26 =	vsel vm0, $0x1, v0  }
0x142: {  	v15 =	vadd.s32 v23, v15;
	v16 =	vadd.s32 v24, v16;
	v17 =	vadd.s32 v25, v17  }
0x143: {  	v18 =	vadd.s32 v21, v18;
	v19 =	vadd.s32 v26, v19;
	v20 =	vsub.s32 $0x7FFF, v20  }
0x144: {  	v21 =	vshra.s32 v20, v11  }
0x145: {  	v20 =	vshra.s32 v20, v14;
	vm0 =	veq.s32 v22, v8;
	vm1 =	veq.s32 v21, v13  }
.Ltmp19:
0x146: {  	vm2 =	vgt.s32 v7, s2;
	v20 =	vand.u32 $0x7, v20;
	vm0 =	vmand vm0, vm1;
	(pc) =	sbr.rel @p1 .LBB2_27-.Ltmp19, $4  }
0x147: {  	vm4 =	vne.s32 v20, $0x0;
	vm1 =	veq.s32 v20, $0x7;
	vm0 =	vmand vm0, vm2  }
0x148: {  	vm3 =	vgt.u32 v20, $0x2;
	vm2 =	vgt.u32 v20, $0x1;
	vm6 =	vmand vm0, vm1  }
0x149: {  	vm5 =	vgt.u32 v20, $0x3;
	vm1 =	vgt.u32 v20, $0x4;
	v21 =	vsel vm6, $0x1, v0  }
0x14a: {  	s28 =	sadd.s32 $0x10, s28;
	vm6 =	vmand vm0, vm4;
	vm4 =	vgt.u32 v20, $0x5;
	v10 =	vadd.s32 v21, v10  }
.LBB2_28:
0x14b: {  	vm2 =	vmand vm0, vm2;
	vm3 =	vmand vm0, vm3  }
.Ltmp20:
0x14c: {  	vm5 =	vmand vm0, vm5;
	v11 =	vsel vm6, $0x1, v0;
	vm1 =	vmand vm0, vm1;
	(pc) =	sbr.rel .LBB2_29-.Ltmp20, $4  }
0x14d: {  	vm15 =	vmand vm0, vm4;
	v13 =	vsel vm2, $0x1, v0;
	v14 =	vsel vm3, $0x1, v0  }
0x14e: {  	v20 =	vsel vm5, $0x1, v0;
	v11 =	vadd.s32 v11, v12;
	v21 =	vsel vm1, $0x1, v0  }
0x14f: {  	v22 =	vsel vm15, $0x1, v0;
	v12 =	vadd.s32 v13, v15;
	v13 =	vadd.s32 v14, v16  }
0x150: {  	v14 =	vadd.s32 v20, v17;
	v15 =	vadd.s32 v21, v18;
	v16 =	vadd.s32 v22, v19  }
.LBB2_30:
.Ltmp21:
0x151: {  	(pc) =	sbr.rel @p0 .LBB2_34-.Ltmp21, $1  }
0x152: {  	_ =	sdelay $0x3  }
0x153: {  	s22 =	simm.s32 $0x8000  }
0x154: {  	s24 =	simm.s32 $0x10080;
	v11 =	vld [tilespmem:s22+$0x0]  }
0x155: {  	v12 =	vld [tilespmem:s24+$0x0];
	_ =	sdelay $0x3  }
0x156: {  	v10 =	vmov s23;
	v13 =	vsub.s32 $0x7FFF, v11  }
0x157: {  	vm0 =	veq.s32 v12, v8;
	vm1 =	vge.s32 v13, v10  }
0x158: {  	s2 =	simm.s32 $0x0;
	vm4 =	vmand vm0, vm1;
	vm0 =	vgt.u32 v12, v8  }
0x159: {  	vm5 =	vgt.s32 v7, s2;
	vm0 =	vmor vm0, vm4  }
0x15a: {  	vm6 =	vmand vm5, vm0  }
0x15b: {  	v13 =	vsel vm6, $0x1, v0  }
0x15c: {  	v14 =	vperm.xlane v13, v1  }
0x15d: {  	vm0 =	veq.s32 v3, $0x0  }
0x15e: {  	v14 =	vsel vm0, $0x0, v14  }
0x15f: {  	v13 =	vadd.s32 v13, v14  }
0x160: {  	v14 =	vperm.xlane v13, v2  }
0x161: {  	vm1 =	vmmov $0x3  }
0x162: {  	v14 =	vsel vm1, $0x0, v14  }
0x163: {  	v13 =	vadd.s32 v14, v13  }
0x164: {  	v14 =	vperm.xlane v13, v4  }
0x165: {  	vm2 =	vmmov $0xf  }
0x166: {  	v14 =	vsel vm2, $0x0, v14  }
0x167: {  	v13 =	vadd.s32 v14, v13  }
0x168: {  	v14 =	vperm.xlane v13, v6  }
0x169: {  	vm3 =	vmmov $0xff  }
0x16a: {  	v15 =	vimm.s32 $0x0;
	v14 =	vsel vm3, $0x0, v14  }
0x16b: {  	v16 =	vsel vm6, $0xFFFFFFFF, v0;
	v14 =	vadd.s32 v15, v14  }
0x16c: {  	v14 =	vadd.s32 v16, v14  }
0x16d: {  	v13 =	vadd.s32 v13, v14  }
0x16e: {  	p0 =	sne.s32 s21, $0x1  }
.Ltmp22:
0x16f: {  	vm4 =	vmand vm5, vm4;
	(pc) =	sbr.rel @!p0 .LBB2_33-.Ltmp22, $4  }
0x170: {  	_ = 	snop  }
0x171: {  	v14 =	vmpcnt.ones.xlane vm6  }
0x172: {  	[tilespmem:v13+s14+$0x0] =	vst.idx.msk vm6, v12  }
0x173: {  	s23 =	simm.s32 $0x1;
	v12 =	vadd.s32 v15, v14;
	[tilespmem:v13+s15+$0x0] =	vst.idx.msk vm6, v11  }
.LBB2_32:
0x174: {  	s24 =	sadd.s32 $0x10, s24  }
0x175: {  	[tilespmem:v11+s4+$0x0] =	vst.idx.msk vm4, v9;
	s22 =	sadd.s32 $0x10, s22;
	v13 =	vmov v12;
	s2 =	smov.u32 s23;
	s23 =	sadd.s32 $0x1, s23  }
0x176: {  	v11 =	vld [tilespmem:s22+$0x0];
	p0 =	sne.s32 s21, s23  }
0x177: {  	v14 =	vld [tilespmem:s24+$0x0];
	_ =	sdelay $0x3  }
0x178: {  	v15 =	vsub.s32 $0x7FFF, v11  }
0x179: {  	vm4 =	veq.s32 v14, v8;
	vm5 =	vge.s32 v15, v10  }
0x17a: {  	vm4 =	vmand vm4, vm5;
	vm5 =	vgt.u32 v14, v8  }
0x17b: {  	vm6 =	vgt.s32 v7, s2;
	vm5 =	vmor vm5, vm4  }
0x17c: {  	vm4 =	vmand vm6, vm4;
	vm5 =	vmand vm6, vm5  }
0x17d: {  	v15 =	vsel vm5, $0x1, v0;
	v16 =	vmpcnt.ones.xlane vm5  }
0x17e: {  	v17 =	vperm.xlane v15, v1  }
0x17f: {  	v12 =	vadd.s32 v12, v16  }
0x180: {  	v16 =	vsel vm0, $0x0, v17  }
0x181: {  	v15 =	vadd.s32 v15, v16  }
0x182: {  	v16 =	vperm.xlane v15, v2;
	_ =	sdelay $0x1  }
0x183: {  	v16 =	vsel vm1, $0x0, v16  }
0x184: {  	v15 =	vadd.s32 v16, v15  }
0x185: {  	v16 =	vperm.xlane v15, v4;
	_ =	sdelay $0x1  }
0x186: {  	v16 =	vsel vm2, $0x0, v16  }
0x187: {  	v15 =	vadd.s32 v16, v15  }
0x188: {  	v16 =	vperm.xlane v15, v6;
	_ =	sdelay $0x1  }
0x189: {  	v16 =	vsel vm3, $0x0, v16  }
0x18a: {  	v17 =	vsel vm5, $0xFFFFFFFF, v0;
	v13 =	vadd.s32 v13, v16  }
0x18b: {  	v13 =	vadd.s32 v17, v13  }
0x18c: {  	v13 =	vadd.s32 v15, v13;
	_ =	sdelay $0x1  }
.Ltmp23:
0x18d: {  	(pc) =	sbr.rel @p0 .LBB2_32-.Ltmp23, $3  }
0x18e: {  	_ =	sdelay $0x1  }
0x18f: {  	[tilespmem:v13+s14+$0x0] =	vst.idx.msk vm5, v14  }
0x190: {  	[tilespmem:v13+s15+$0x0] =	vst.idx.msk vm5, v11  }
.LBB2_33:
0x191: {  	_ =	sdelay $0x4  }
0x192: {  	[tilespmem:v11+s4+$0x0] =	vst.idx.msk vm4, v9  }
.LBB2_34:
0x193: {  	s21 =	simm.s32 $0x0  }
.LBB2_35:
0x194: {  	s2 =	simm.s32 $0x0  }
0x195: {  	v14 =	vld [tilespmem:s2+$0x18100];
	_ =	sdelay $0x1  }
0x196: {  	v9 =	vld [tilespmem:s2+$0x18280];
	_ =	sdelay $0x2  }
0x197: {  	v11 =	vbroadcast v14, $0x0  }
0x198: {  	s5 =	sshll.u32 s21, $0x4;
	v10 =	vbroadcast v14, $0xF;
	v12 =	vbroadcast v14, $0x4  }
0x199: {  	v8 =	vld [tilespmem:s5+$0x18100];
	v16 =	vbroadcast v14, $0xE;
	v13 =	vbroadcast v9, $0x1  }
0x19a: {  	v17 =	vbroadcast v14, $0x1;
	v18 =	vbroadcast v9, $0x5  }
0x19b: {  	v7 =	vld [tilespmem:s5+$0x18280];
	v19 =	vbroadcast v14, $0x9;
	v24 =	vbroadcast v14, $0x7  }
0x19c: {  	v25 =	vbroadcast v9, $0x3;
	v59 =	vbroadcast v14, $0x6  }
0x19d: {  	v15 =	vimm.s32 $0x0;
	v60 =	vbroadcast v9, $0xC;
	v61 =	vbroadcast v9, $0xB  }
0x19e: {  	v27 =	vbroadcast v9, $0xA;
	v28 =	vbroadcast v14, $0xA;
	vm0 =	veq.s32 v11, v8  }
0x19f: {  	vm1 =	vgt.u32 v11, v8;
	vm2 =	veq.s32 v12, v8;
	v11 =	vbroadcast v9, $0x4  }
0x1a0: {  	vm3 =	vlt.s32 v13, v7;
	v13 =	vbroadcast v9, $0x0;
	vm4 =	veq.s32 v17, v8  }
0x1a1: {  	vm5 =	vlt.s32 v25, v7;
	vm3 =	vmand vm4, vm3;
	vm4 =	vlt.s32 v11, v7  }
0x1a2: {  	v11 =	vbroadcast v14, $0xD;
	vm2 =	vmand vm2, vm4;
	vm4 =	vlt.s32 v13, v7  }
0x1a3: {  	vm0 =	vmand vm0, vm4;
	vm4 =	vgt.u32 v12, v8;
	v12 =	vbroadcast v9, $0x2  }
0x1a4: {  	v13 =	vbroadcast v14, $0x2;
	vm2 =	vmor vm4, vm2;
	vm4 =	vlt.s32 v18, v7  }
0x1a5: {  	v18 =	vbroadcast v9, $0x7;
	vm0 =	vmor vm1, vm0;
	vm1 =	vlt.s32 v12, v7  }
0x1a6: {  	v20 =	vsel vm2, $0x1, v0;
	vm2 =	veq.s32 v13, v8;
	v21 =	vsel vm0, $0x1, v0  }
0x1a7: {  	vm0 =	vgt.u32 v17, v8;
	v17 =	vbroadcast v14, $0x3;
	v12 =	vbroadcast v14, $0x5  }
0x1a8: {  	vm1 =	vmand vm2, vm1;
	vm2 =	vlt.s32 v18, v7;
	vm0 =	vmor vm0, vm3  }
0x1a9: {  	vm3 =	vgt.u32 v13, v8;
	v13 =	vbroadcast v9, $0x8;
	v18 =	vbroadcast v14, $0x8  }
0x1aa: {  	v15 =	vadd.s32 v21, v15;
	vm1 =	vmor vm3, vm1;
	v22 =	vsel vm0, $0x1, v0  }
0x1ab: {  	vm0 =	veq.s32 v12, v8;
	v23 =	vsel vm1, $0x1, v0;
	vm1 =	veq.s32 v18, v8  }
0x1ac: {  	vm3 =	vlt.s32 v13, v7;
	vm0 =	vmand vm0, vm4;
	vm4 =	veq.s32 v24, v8  }
0x1ad: {  	v13 =	vbroadcast v9, $0x9;
	v15 =	vadd.s32 v22, v15;
	vm1 =	vmand vm1, vm3  }
0x1ae: {  	vm3 =	vgt.u32 v12, v8;
	vm2 =	vmand vm4, vm2;
	vm4 =	vgt.u32 v18, v8  }
0x1af: {  	v18 =	vbroadcast v9, $0x6;
	v63 =	vadd.s32 v23, v15;
	vm4 =	vmor vm4, vm1  }
0x1b0: {  	vm1 =	vmor vm3, vm0;
	vm0 =	veq.s32 v17, v8;
	vm3 =	veq.s32 v19, v8  }
0x1b1: {  	v12 =	vsel vm4, $0x1, v0;
	vm0 =	vmand vm0, vm5;
	vm4 =	vgt.u32 v24, v8  }
0x1b2: {  	v62 =	vsel vm1, $0x1, v0;
	vm2 =	vmor vm4, vm2;
	vm4 =	vlt.s32 v13, v7  }
0x1b3: {  	vm1 =	vlt.s32 v60, v7;
	vm3 =	vmand vm3, vm4;
	vm4 =	vgt.u32 v17, v8  }
0x1b4: {  	v13 =	vsel vm2, $0x1, v0;
	vm2 =	veq.s32 v59, v8;
	vm4 =	vmor vm4, vm0  }
0x1b5: {  	vm0 =	veq.s32 v16, v8;
	v17 =	vsel vm4, $0x1, v0;
	vm4 =	vlt.s32 v18, v7  }
0x1b6: {  	v18 =	vbroadcast v14, $0xC;
	vm2 =	vmand vm2, vm4;
	vm4 =	vgt.u32 v19, v8  }
0x1b7: {  	v17 =	vadd.s32 v17, v63;
	vm3 =	vmor vm4, vm3;
	vm4 =	vgt.u32 v59, v8  }
0x1b8: {  	v19 =	vbroadcast v14, $0xB;
	v17 =	vadd.s32 v20, v17;
	vm2 =	vmor vm4, vm2  }
0x1b9: {  	vm4 =	veq.s32 v18, v8;
	v14 =	vsel vm3, $0x1, v0;
	vm3 =	vlt.s32 v61, v7  }
0x1ba: {  	v26 =	vsel vm2, $0x1, v0;
	vm2 =	veq.s32 v19, v8;
	vm1 =	vmand vm4, vm1  }
0x1bb: {  	vm4 =	vgt.u32 v18, v8;
	v18 =	vbroadcast v9, $0xE;
	vm2 =	vmand vm2, vm3  }
0x1bc: {  	vm3 =	veq.s32 v28, v8;
	vm1 =	vmor vm4, vm1;
	vm4 =	vlt.s32 v27, v7  }
0x1bd: {  	vm4 =	vmand vm3, vm4;
	vm3 =	vgt.u32 v19, v8;
	v19 =	vbroadcast v9, $0xD  }
0x1be: {  	v15 =	vsel vm1, $0x1, v0;
	vm1 =	vgt.u32 v28, v8;
	vm3 =	vmor vm3, vm2  }
0x1bf: {  	vm2 =	veq.s32 v11, v8;
	vm4 =	vmor vm1, vm4;
	vm1 =	vlt.s32 v19, v7  }
0x1c0: {  	v17 =	vadd.s32 v62, v17;
	vm2 =	vmand vm2, vm1;
	vm1 =	vlt.s32 v18, v7  }
0x1c1: {  	s22 =	simm.s32 $0x40;
	vm1 =	vmand vm0, vm1;
	vm0 =	vgt.u32 v16, v8;
	v16 =	vadd.s32 v26, v17  }
.LBB2_36:
0x1c2: {  	s2 =	sshra.s32 s22, $0x2;
	v13 =	vadd.s32 v13, v16  }
0x1c3: {  	vm1 =	vmor vm0, vm1;
	vm0 =	vgt.u32 v10, v8;
	v18 =	vbroadcast v9, $0xF;
	v16 =	vld [tilespmem:s2+$0x18100]  }
0x1c4: {  	v24 =	vimm.s32 $0x0;
	v12 =	vadd.s32 v12, v13;
	v13 =	vsel vm4, $0x1, v0  }
0x1c5: {  	v17 =	vsel vm1, $0x1, v0;
	v9 =	vld [tilespmem:s2+$0x18280];
	vm1 =	vgt.u32 v11, v8;
	v12 =	vadd.s32 v14, v12  }
0x1c6: {  	v14 =	vsel vm3, $0x1, v0;
	vm1 =	vmor vm1, vm2;
	v12 =	vadd.s32 v13, v12  }
0x1c7: {  	vm3 =	veq.s32 v10, v8;
	v10 =	vadd.s32 v14, v12;
	v12 =	vsel vm1, $0x1, v0  }
0x1c8: {  	v11 =	vadd.s32 v15, v10;
	v13 =	vbroadcast v16, $0x0;
	v10 =	vbroadcast v16, $0xF  }
0x1c9: {  	v11 =	vadd.s32 v12, v11;
	v12 =	vbroadcast v16, $0x4;
	v14 =	vbroadcast v16, $0xE  }
0x1ca: {  	vm2 =	vlt.s32 v18, v7;
	v19 =	vbroadcast v16, $0xC;
	v20 =	vbroadcast v9, $0x2  }
0x1cb: {  	v18 =	vimm.s32 $0x0;
	v21 =	vbroadcast v16, $0x2;
	v22 =	vbroadcast v16, $0x3  }
0x1cc: {  	vm1 =	vmand vm3, vm2;
	v23 =	vbroadcast v16, $0xB;
	v58 =	vbroadcast v16, $0x5  }
0x1cd: {  	vm0 =	vmor vm0, vm1;
	v25 =	vbroadcast v16, $0x6;
	v61 =	vbroadcast v9, $0x8  }
0x1ce: {  	v62 =	vbroadcast v16, $0x8;
	v15 =	vadd.s32 v17, v11;
	v11 =	vbroadcast v9, $0x1  }
0x1cf: {  	v17 =	vbroadcast v9, $0x5;
	vm11 =	veq.s32 v13, v8;
	vm10 =	vgt.u32 v13, v8  }
0x1d0: {  	vm6 =	veq.s32 v12, v8;
	v13 =	vsel vm0, $0x1, v0;
	vm12 =	vgt.u32 v12, v8  }
0x1d1: {  	v12 =	vbroadcast v16, $0x9;
	vm0 =	vgt.u32 v14, v8;
	vm5 =	veq.s32 v21, v8  }
0x1d2: {  	vm1 =	veq.s32 v62, v8;
	vm7 =	vlt.s32 v11, v7;
	v11 =	vbroadcast v16, $0xD  }
0x1d3: {  	v18 =	vsel vm0, $0xFFFFFFFF, v18;
	vm8 =	vlt.s32 v17, v7;
	v13 =	vadd.s32 v13, v15  }
0x1d4: {  	v15 =	vbroadcast v16, $0x1;
	v17 =	vimm.s32 $0x0;
	vm0 =	veq.s32 v12, v8  }
0x1d5: {  	v17 =	vsel vm0, $0xFFFFFFFF, v17;
	vm0 =	veq.s32 v14, v8;
	v14 =	vimm.s32 $0x0  }
0x1d6: {  	[tilespmem:$0x1FFE0] =	vst v18;
	v18 =	vbroadcast v9, $0x4;
	vm13 =	vgt.u32 v15, v8;
	v14 =	vsel vm0, $0xFFFFFFFF, v14  }
0x1d7: {  	vm0 =	vgt.u32 v12, v8;
	v12 =	vimm.s32 $0x0;
	[tilespmem:$0x1FFF0] =	vst v14;
	v14 =	vbroadcast v9, $0x7  }
0x1d8: {  	vm14 =	veq.s32 v15, v8;
	vm15 =	vlt.s32 v18, v7;
	v12 =	vsel vm0, $0xFFFFFFFF, v12  }
0x1d9: {  	vm0 =	veq.s32 v11, v8;
	vm4 =	vlt.s32 v14, v7;
	v14 =	vimm.s32 $0x0  }
0x1da: {  	vm14 =	vmand vm14, vm7;
	vm15 =	vmand vm6, vm15;
	[tilespmem:$0x1FFB0] =	vst v12;
	v14 =	vsel vm0, $0xFFFFFFFF, v14  }
0x1db: {  	v12 =	vbroadcast v9, $0x6;
	vm0 =	veq.s32 v19, v8;
	[tilespmem:$0x1FFD0] =	vst v14;
	v14 =	vbroadcast v9, $0x0  }
0x1dc: {  	vm12 =	vmor vm12, vm15;
	v24 =	vsel vm0, $0xFFFFFFFF, v24;
	vm0 =	vlt.s32 v20, v7  }
0x1dd: {  	vm15 =	vgt.u32 v21, v8;
	vm0 =	vmand vm5, vm0;
	vm9 =	vlt.s32 v14, v7  }
0x1de: {  	vm5 =	vmor vm13, vm14;
	vm13 =	vlt.s32 v12, v7;
	vm9 =	vmand vm11, vm9  }
0x1df: {  	v12 =	vbroadcast v16, $0x7;
	vm0 =	vmor vm15, vm0;
	vm9 =	vmor vm10, vm9  }
0x1e0: {  	v27 =	vsel vm5, $0x1, v0;
	v29 =	vsel vm0, $0x1, v0;
	v26 =	vsel vm9, $0x1, v0  }
0x1e1: {  	vm15 =	veq.s32 v12, v8;
	vm0 =	vlt.s32 v61, v7;
	v13 =	vadd.s32 v26, v13  }
0x1e2: {  	vm0 =	vmand vm1, vm0;
	vm1 =	vmand vm15, vm4;
	v13 =	vadd.s32 v27, v13  }
0x1e3: {  	vm4 =	vgt.u32 v62, v8;
	v27 =	vadd.s32 v29, v13;
	v13 =	vbroadcast v9, $0x9  }
0x1e4: {  	v28 =	vbroadcast v16, $0xA;
	[tilespmem:$0x1FFA0] =	vst v17;
	v16 =	vbroadcast v9, $0x3;
	vm0 =	vmor vm4, vm0  }
0x1e5: {  	vm4 =	vgt.u32 v12, v8;
	v12 =	vsel vm0, $0x1, v0;
	vm0 =	vlt.s32 v13, v7;
	v13 =	vld [tilespmem:$0x1FFA0];
	_ =	sdelay $0x1  }
0x1e6: {  	vm3 =	vgt.u32 v25, v8;
	v15 =	vbroadcast v9, $0xC;
	vm5 =	vlt.s32 v16, v7;
	v16 =	vld [tilespmem:$0x1FFB0]  }
0x1e7: {  	v17 =	vbroadcast v9, $0xE;
	vm14 =	vgt.u32 v22, v8;
	v14 =	vbroadcast v9, $0xA  }
0x1e8: {  	vm11 =	veq.s32 v25, v8;
	vm15 =	veq.s32 v22, v8;
	vm9 =	veq.s32 v58, v8  }
0x1e9: {  	vm5 =	vmand vm15, vm5;
	vm1 =	vmor vm4, vm1;
	vm4 =	vnez.u8 v13  }
0x1ea: {  	vm9 =	vmand vm9, vm8;
	vm0 =	vmand vm4, vm0;
	vm4 =	vmor vm14, vm5  }
0x1eb: {  	vm8 =	vlt.s32 v14, v7;
	vm5 =	vnez.u8 v16;
	v14 =	vsel vm4, $0x1, v0  }
0x1ec: {  	[tilespmem:$0x1FFC0] =	vst v24;
	vm4 =	vmand vm11, vm13;
	vm0 =	vmor vm5, vm0;
	vm5 =	vlt.s32 v17, v7;
	v17 =	vld [tilespmem:$0x1FFD0]  }
0x1ed: {  	v59 =	vbroadcast v9, $0xB;
	vm3 =	vmor vm3, vm4;
	vm4 =	vlt.s32 v15, v7;
	v15 =	vld [tilespmem:$0x1FFC0]  }
0x1ee: {  	vm2 =	vgt.u32 v58, v8;
	vm7 =	veq.s32 v23, v8;
	vm6 =	vgt.u32 v23, v8  }
0x1ef: {  	vm2 =	vmor vm2, vm9;
	v13 =	vsel vm1, $0x1, v0;
	vm1 =	vlt.s32 v59, v7  }
0x1f0: {  	vm1 =	vmand vm7, vm1;
	v16 =	vadd.s32 v14, v27;
	v14 =	vsel vm0, $0x1, v0  }
0x1f1: {  	v63 =	vsel vm3, $0x1, v0;
	vm3 =	vmor vm6, vm1;
	vm1 =	vnez.u8 v17;
	v17 =	vld [tilespmem:$0x1FFE0]  }
0x1f2: {  	vm0 =	vgt.u32 v19, v8;
	v19 =	vsel vm2, $0x1, v0;
	vm2 =	vnez.u8 v15  }
0x1f3: {  	v18 =	vbroadcast v9, $0xD;
	v60 =	vsel vm12, $0x1, v0;
	vm2 =	vmand vm2, vm4  }
0x1f4: {  	vm12 =	veq.s32 v28, v8;
	vm10 =	vgt.u32 v28, v8;
	vm0 =	vmor vm0, vm2  }
0x1f5: {  	vm2 =	vmand vm12, vm8;
	v15 =	vsel vm0, $0x1, v0;
	vm0 =	vlt.s32 v18, v7  }
0x1f6: {  	vm4 =	vmor vm10, vm2;
	vm2 =	vmand vm1, vm0;
	vm0 =	vnez.u8 v17;
	v17 =	vld [tilespmem:$0x1FFF0]  }
0x1f7: {  	p0 =	sne.s32 s22, $0x3C0  }
.Ltmp24:
0x1f8: {  	_ = 	snop;
	(pc) =	sbr.rel @p0 .LBB2_36-.Ltmp24, $4  }
0x1f9: {  	_ = 	snop  }
0x1fa: {  	v16 =	vadd.s32 v60, v16  }
0x1fb: {  	v16 =	vadd.s32 v19, v16;
	vm1 =	vnez.u8 v17  }
0x1fc: {  	s22 =	sadd.s32 $0x40, s22;
	v16 =	vadd.s32 v63, v16;
	vm1 =	vmand vm1, vm5  }
0x1fd: {  	v13 =	vadd.s32 v13, v16;
	vm0 =	vmor vm0, vm1  }
0x1fe: {  	vm10 =	vgt.u32 v10, v8;
	v59 =	vsel vm4, $0x1, v0;
	v12 =	vadd.s32 v12, v13  }
0x1ff: {  	v60 =	vsel vm3, $0x1, v0;
	v9 =	vbroadcast v9, $0xF;
	v12 =	vadd.s32 v14, v12  }
0x200: {  	vm11 =	vgt.u32 v11, v8;
	vm12 =	veq.s32 v10, v8;
	v12 =	vadd.s32 v59, v12  }
0x201: {  	vm2 =	vmor vm11, vm2;
	vm13 =	vlt.s32 v9, v7;
	v8 =	vadd.s32 v60, v12  }
0x202: {  	v61 =	vsel vm2, $0x1, v0;
	vm14 =	vmand vm12, vm13;
	v8 =	vadd.s32 v15, v8  }
0x203: {  	v62 =	vsel vm0, $0x1, v0;
	vm15 =	vmor vm10, vm14;
	v8 =	vadd.s32 v61, v8  }
0x204: {  	s21 =	sadd.s32 $0x1, s21;
	v63 =	vsel vm15, $0x1, v0;
	v8 =	vadd.s32 v62, v8  }
0x205: {  	p0 =	sne.s32 s21, $0x10;
	v8 =	vadd.s32 v63, v8  }
.Ltmp25:
0x206: {  	_ = 	snop;
	(pc) =	sbr.rel @p0 .LBB2_35-.Ltmp25, $2  }
0x207: {  	_ =	sdelay $0x2  }
0x208: {  	[tilespmem:v8+s16+$0x0] =	vst.idx.msk $0xffff, v7  }
0x209: {  	s2 =	sadd.s32 s1, s20  }
0x20a: {  	[hbm4b:s2+s10] =	stream.strided.scatter [tilespmem:s4], [sflag:$0x1], $0x8000, s11, s10, $0x38;
	[tilespmem:$0x18500] =	vst v63  }
0x20b: {  	s31 =	sadd.s32 s8, s19;
	s18 =	sadd.s32 $0x1, s18;
	_ =	swait.ge [sflag:s12], $0x8000  }
0x20c: {  	s2 =	sshrl.u32 s31, $0x3;
	p0 =	sne.s32 s18, $0x4;
	[sflag:s12] =	ssyncset.done $0x0  }
.Ltmp26:
0x20d: {  	s2 =	sadd.s32 s3, s2;
	[sflag:s12] =	ssyncadd.s32 $0xFFFF8000;
	(pc) =	sbr.rel @p0 .LBB2_2-.Ltmp26, $4  }
0x20e: {  	[hbm4b:s2+s10] =	stream.strided.scatter [tilespmem:s16], [sflag:$0x1], $0x100, s11, s10, $0x38;
	[tilespmem:$0x18500] =	vst v63  }
0x20f: {  	_ =	swait.ge [sflag:s12], $0x100  }
0x210: {  	[sflag:s12] =	ssyncset.done $0x0  }
0x211: {  	[sflag:s12] =	ssyncadd.s32 $0xFFFFFF00  }
0x212: {  	s17 =	sadd.s32 $0x1, s17  }
0x213: {  	p0 =	sne.s32 s17, s9  }
.Ltmp27:
0x214: {  	_ = 	snop;
	(pc) =	sbr.rel @p0 .LBB2_1-.Ltmp27, $1  }
0x215: {  	_ =	sdelay $0x3  }
0x216: {  	_ =	sfence.sel $0x180000  }
0x217: {  	[bflag:$0x0] =	sbarrier.arrive $0xFFFF  }
0x218: {  	_ =	strace $0x90000047  }
0x219: {  	s0 =	stileid.u32;
	[bflag:$0x2] =	sbarrier.arrive $0xFFFF  }
0x21a: {  	p0 =	sne.s32 s0, $0x0;
	s0 =	rddreg [dreg:$0x3]  }
0x21b: {  	s0 =	sadd.s32 @!p0 $0x100000, s0  }
0x21c: {  	[sflag:s0] =	ssyncadd.tile.s32 @!p0 $0x1;
	_ =	shalt  }
.Lfunc_end2:
_tile_overlayer_lowered:
.L_overlay_start_2:
0x21d: {  	(tag) =	ssettag $0x2  }
0x21e: {  	s0 =	rddreg [dreg:$0x0];
	s2 =	stileid.u32  }
0x21f: {  	s1 =	rddreg [dreg:$0x1];
	p0 =	sne.s32 s2, $0x0  }
0x220: {  	s3 =	rddreg [dreg:$0x2];
	[bflag:$0x3] =	sbarrier.arrive $0xFFFF;
	s2 =	simm.s32 @!p0 $0x1C01  }
0x221: {  	[timem:s3], [sflag:s2] =	dma.local @!p0 [hbm:s0], s1  }
0x222: {  	s0 =	simm.s32 @!p0 $0x1  }
0x223: {  	_ =	swait.ge @!p0 [sflag:s0], s1  }
0x224: {  	s1 =	ssub.s32 @!p0 $0x0, s1;
	[sflag:s0] =	ssyncset.done @!p0 $0x0  }
0x225: {  	[sflag:s0] =	ssyncadd.s32 @!p0 s1  }
0x226: {  	[bflag:$0x3] =	sbarrier.arrive $0xFFFF  }
0x227: {  	_ =	shalt  }

</sc_bundles>
